<compile_context>
chip_gen: v7x
topology: tpu7x:2x2x1
jax: 0.10.2.dev20260603
libtpu: 0.0.44.dev20260713+nightly
codegen_flags: <defaults>
</compile_context>

<pallas_src>
import jax
import jax.numpy as jnp
from jax import lax
from jax.experimental import pallas as pl
from jax.experimental.pallas import tpu as pltpu
from jax.experimental.pallas import tpu_sc as plsc

N = 10000
D = 128
E = 320000

NC = 2
NS = 16
CHUNK = 128
CPT = 80
EPAD = NC * NS * CPT * CHUNK
PAD = EPAD - E
RPSP = 632
NPAD = NS * RPSP
CW = 128
ZTAIL = RPSP - 4 * CHUNK

_mesh = plsc.VectorSubcoreMesh(core_axis_name="c", subcore_axis_name="s")


def _seg_body(e_hbm, x_hbm, zr_hbm, s_out,
              idx0, idx1, r0, r1, acc_sh, g0, g1, t0, t1):
    idxs = [idx0, idx1]
    rows = [r0, r1]
    gsem = [g0, g1]
    ssem = [t0, t1]

    cid = lax.axis_index("c")
    sid = lax.axis_index("s")
    eh = e_hbm.at[cid].at[sid]

    for j in range(4):
        pltpu.sync_copy(zr_hbm, acc_sh.at[pl.ds(sid * RPSP + j * CHUNK, CHUNK)])
    pltpu.sync_copy(zr_hbm.at[pl.ds(0, ZTAIL)],
                    acc_sh.at[pl.ds(sid * RPSP + 4 * CHUNK, ZTAIL)])

    plsc.subcore_barrier()

    def do(ci, b, first, last):
        if not first:
            pltpu.make_async_copy(rows[1 - b], acc_sh.at[idxs[1 - b].at[1]],
                                  ssem[1 - b]).wait()
        if not last:
            pltpu.sync_copy(eh.at[ci + 1], idxs[1 - b])
        pltpu.make_async_copy(x_hbm.at[idxs[b].at[0]], rows[b],
                              gsem[b]).wait()
        if not last:
            pltpu.async_copy(x_hbm.at[idxs[1 - b].at[0]], rows[1 - b],
                             gsem[1 - b])
        pltpu.async_copy(rows[b], acc_sh.at[idxs[b].at[1]], ssem[b],
                         add=True)

    pltpu.sync_copy(eh.at[0], idx0)
    pltpu.async_copy(x_hbm.at[idx0.at[0]], r0, g0)

    do(0, 0, True, False)

    def grp(g, carry):
        ci = 2 * g + 1
        do(ci, 1, False, False)
        do(ci + 1, 0, False, False)
        return carry
    lax.fori_loop(0, (CPT - 2) // 2, grp, 0)
    do(CPT - 1, 1, False, True)
    pltpu.make_async_copy(rows[1], acc_sh.at[idxs[1].at[1]], ssem[1]).wait()

    plsc.subcore_barrier()

    pltpu.sync_copy(acc_sh.at[pl.ds(sid * RPSP, RPSP)],
                    s_out.at[cid * NS + sid])


_seg_call = pl.kernel(
    _seg_body,
    out_type=jax.ShapeDtypeStruct((NC * NS, RPSP, D), jnp.float32),
    mesh=_mesh,
    scratch_types=[
        pltpu.VMEM((2, CHUNK), jnp.int32),
        pltpu.VMEM((2, CHUNK), jnp.int32),
        pltpu.VMEM((CHUNK, D), jnp.float32),
        pltpu.VMEM((CHUNK, D), jnp.float32),
        pltpu.VMEM_SHARED((NPAD, D), jnp.float32),
    ] + [pltpu.SemaphoreType.DMA] * 4,
)


def _cnt_body(e_hbm, on_hbm, zc_hbm, c_out, idx0, idx1, ones_v, cnt_sh,
              i0, i1):
    idxs = [idx0, idx1]
    isem = [i0, i1]

    cid = lax.axis_index("c")
    sid = lax.axis_index("s")
    eh = e_hbm.at[cid].at[sid]

    for j in range(4):
        pltpu.sync_copy(zc_hbm, cnt_sh.at[pl.ds(sid * RPSP + j * CHUNK, CHUNK)])
    pltpu.sync_copy(zc_hbm.at[pl.ds(0, ZTAIL)],
                    cnt_sh.at[pl.ds(sid * RPSP + 4 * CHUNK, ZTAIL)])
    pltpu.sync_copy(on_hbm, ones_v)

    plsc.subcore_barrier()

    pltpu.async_copy(eh.at[0], idx0, i0)
    pltpu.async_copy(eh.at[1], idx1, i1)

    def do(ci, b, last):
        pltpu.make_async_copy(eh.at[0], idxs[b], isem[b]).wait()
        pltpu.sync_copy(ones_v, cnt_sh.at[idxs[b].at[1]], add=True)
        if not last:
            pltpu.async_copy(eh.at[ci + 2], idxs[b], isem[b])

    def grp(g, carry):
        ci = 2 * g
        do(ci, 0, False)
        do(ci + 1, 1, False)
        return carry
    lax.fori_loop(0, (CPT - 2) // 2, grp, 0)
    do(CPT - 2, 0, True)
    do(CPT - 1, 1, True)

    plsc.subcore_barrier()

    pltpu.sync_copy(cnt_sh.at[pl.ds(sid * RPSP, RPSP)],
                    c_out.at[cid * NS + sid])


_cnt_call = pl.kernel(
    _cnt_body,
    out_type=jax.ShapeDtypeStruct((NC * NS, RPSP, CW), jnp.float32),
    mesh=_mesh,
    scratch_types=[
        pltpu.VMEM((2, CHUNK), jnp.int32),
        pltpu.VMEM((2, CHUNK), jnp.int32),
        pltpu.VMEM((CHUNK, CW), jnp.float32),
        pltpu.VMEM_SHARED((NPAD, CW), jnp.float32),
    ] + [pltpu.SemaphoreType.DMA] * 2,
)


BN = 1000


def _dense_kernel(s_ref, c_ref, x_ref, wl_ref, b_ref, wr_ref, o_ref):
    cnt = jnp.maximum((c_ref[0] + c_ref[1])[:, 0:1], 1.0)
    agg = (s_ref[0] + s_ref[1]) / cnt
    out = lax.dot_general(agg, wl_ref[...], (((1,), (1,)), ((), ())),
                          preferred_element_type=jnp.float32)
    out += lax.dot_general(x_ref[...], wr_ref[...], (((1,), (1,)), ((), ())),
                           preferred_element_type=jnp.float32)
    out += b_ref[...]
    nrm = jnp.sqrt(jnp.sum(out * out, axis=1, keepdims=True))
    out = out / jnp.maximum(nrm, 1e-12)
    o_ref[...] = jnp.maximum(out, 0.0)


def _dense_call(s, c, x, W_l, b_l, W_r):
    return pl.pallas_call(
        _dense_kernel,
        grid=(N // BN,),
        in_specs=[
            pl.BlockSpec((NC, BN, D), lambda i: (0, i, 0)),
            pl.BlockSpec((NC, BN, CW), lambda i: (0, i, 0)),
            pl.BlockSpec((BN, D), lambda i: (i, 0)),
            pl.BlockSpec((D, D), lambda i: (0, 0)),
            pl.BlockSpec((1, D), lambda i: (0, 0)),
            pl.BlockSpec((D, D), lambda i: (0, 0)),
        ],
        out_specs=pl.BlockSpec((BN, D), lambda i: (i, 0)),
        out_shape=jax.ShapeDtypeStruct((N, D), jnp.float32),
    )(s, c, x, W_l, b_l, W_r)


def kernel(x, edge_index, W_l1, b_l1, W_r1, W_l2, b_l2, W_r2):
    ar = jnp.arange(PAD, dtype=jnp.int32)
    pad_src = (ar * 37) % N
    pad_dst = N + (ar % (NPAD - N))
    src = jnp.concatenate([edge_index[0], pad_src]).reshape(NC, NS, CPT, CHUNK)
    dst = jnp.concatenate([edge_index[1], pad_dst]).reshape(NC, NS, CPT, CHUNK)
    e = jnp.stack([src, dst], axis=3)

    zr = jnp.zeros((CHUNK, D), jnp.float32)
    on = jnp.ones((CHUNK, CW), jnp.float32)
    b1 = b_l1.reshape(1, D)
    b2 = b_l2.reshape(1, D)

    c1 = _cnt_call(e, on, zr)
    cc = c1.reshape(NC, NPAD, CW)
    s1 = _seg_call(e, x, zr).reshape(NC, NPAD, D)
    h = _dense_call(s1, cc, x, W_l1, b1, W_r1)

    s2 = _seg_call(e, h, zr).reshape(NC, NPAD, D)
    return _dense_call(s2, cc, h, W_l2, b2, W_r2)

# --- scband reference (transcript-rebuilt; emitter-appended) ---
"""Pipeline reference for scband-graph-sagebackbone-16982300688537 (READ-ONLY COPY).

The authoritative reference and input builder live on the scoring server;
editing this copy changes nothing except your own understanding.
"""

import jax, jax.numpy as jnp
import numpy as np

N = 10000
E = 320000
D = 128

def _l2_normalize(x, eps=1e-12):
    n = jnp.linalg.norm(x, axis=-1, keepdims=True)
    return x / jnp.maximum(n, eps)

def _sage_conv_mean(x, src, dst, W_l, b_l, W_r, num_nodes):
    # PyG SAGEConv(aggr='mean'): out = lin_l(mean_j x_j) + lin_r(x_i)
    msg = x[src]
    s = jax.ops.segment_sum(msg, dst, num_segments=num_nodes)
    cnt = jax.ops.segment_sum(jnp.ones((src.shape[0], 1), dtype=x.dtype), dst, num_segments=num_nodes)
    agg = s / jnp.maximum(cnt, 1.0)
    out = agg @ W_l.T + b_l + x @ W_r.T
    return _l2_normalize(out)

def setup_inputs(seed: int = 0) -> dict:
    key = jax.random.key(seed)
    ks = jax.random.split(key, 10)
    x = jax.random.normal(ks[0], (N, D), dtype=jnp.float32)
    edge_index = jax.random.randint(ks[1], (2, E), 0, N, dtype=jnp.int32)
    scale = 1.0 / np.sqrt(D)
    W_l1 = jax.random.normal(ks[2], (D, D), dtype=jnp.float32) * scale
    b_l1 = jnp.zeros((D,), dtype=jnp.float32)
    W_r1 = jax.random.normal(ks[3], (D, D), dtype=jnp.float32) * scale
    W_l2 = jax.random.normal(ks[4], (D, D), dtype=jnp.float32) * scale
    b_l2 = jnp.zeros((D,), dtype=jnp.float32)
    W_r2 = jax.random.normal(ks[5], (D, D), dtype=jnp.float32) * scale
    return {"x": x, "edge_index": edge_index, "W_l1": W_l1, "b_l1": b_l1, "W_r1": W_r1,
            "W_l2": W_l2, "b_l2": b_l2, "W_r2": W_r2}

def reference(x, edge_index, W_l1, b_l1, W_r1, W_l2, b_l2, W_r2):
    src = edge_index[0]
    dst = edge_index[1]
    # layer 1
    h = _sage_conv_mean(x, src, dst, W_l1, b_l1, W_r1, N)
    h = jax.nn.relu(h)
    # prev_h defaults to zeros, so x + prev_h == h
    prev_h = jnp.zeros_like(h)
    # layer 2
    h2 = _sage_conv_mean(h + prev_h, src, dst, W_l2, b_l2, W_r2, N)
    h2 = jax.nn.relu(h2)
    return h2

if __name__ == "__main__":
    import jax
    _d = setup_inputs()
    print(jax.jit(kernel)(*tuple(_d.values())))

</pallas_src>

<mosaic_0001>
#map = affine_map<(d0, d1) -> (0, 0, 0, 0, 0)>
#map1 = affine_map<(d0, d1) -> (0, 0)>
#map2 = affine_map<(d0, d1) -> (0, 0, 0)>
module attributes {stable_mosaic.version = 14 : i64} {
  func.func @_cnt_body(%arg0: i32, %arg1: i32, %arg2: memref<2x16x80x2x128xi32, #tpu.memory_space<hbm>>, %arg3: memref<128x128xf32, #tpu.memory_space<hbm>>, %arg4: memref<128x128xf32, #tpu.memory_space<hbm>>, %arg5: memref<32x632x128xf32, #tpu.memory_space<hbm>>, %arg6: memref<2x128xi32, #tpu.memory_space<vmem>>, %arg7: memref<2x128xi32, #tpu.memory_space<vmem>>, %arg8: memref<128x128xf32, #tpu.memory_space<vmem>>, %arg9: memref<10112x128xf32, #tpu.memory_space<vmem_shared>>, %arg10: memref<!tpu.dma_semaphore, #tpu.memory_space<semaphore_mem>>, %arg11: memref<!tpu.dma_semaphore, #tpu.memory_space<semaphore_mem>>) attributes {dimension_semantics = [#tpu.dimension_semantics<core_parallel>, #tpu.dimension_semantics<subcore_parallel>], iteration_bounds = array<i64: 2, 16>, scalar_prefetch = 0 : i64, scratch_operands = 6 : i64, tpu.core_type = #tpu.core_type<sc_vector_subcore>, window_params = [{transform_indices = #map}, {transform_indices = #map1}, {transform_indices = #map1}, {transform_indices = #map2}]} {
    %mul3A = arith.constant 632 : i32
    %mul3A_0 = arith.muli %arg1, %mul3A : i32
    %add3A = arith.constant 0 : i32
    %add3A_1 = arith.addi %mul3A_0, %add3A : i32
    "tpu.region"() ({
      %run_scoped3A_152 = tpu.sem_alloc : memref<!tpu.dma_semaphore, #tpu.memory_space<semaphore_mem>>
      %dma_start3A_153 = arith.constant 0 : i32
      %dma_start3A_154 = tpu.memref_slice %arg9[%add3A_1, %dma_start3A_153] : memref<10112x128xf32, #tpu.memory_space<vmem_shared>> -> memref<128x128xf32, #tpu.memory_space<vmem_shared>>
      tpu.enqueue_dma source(%arg4 : memref<128x128xf32, #tpu.memory_space<hbm>>) target(%dma_start3A_154 : memref<128x128xf32, #tpu.memory_space<vmem_shared>>) target_semaphore(%run_scoped3A_152 : memref<!tpu.dma_semaphore, #tpu.memory_space<semaphore_mem>>)
      %dma_wait3A_155 = arith.constant 0 : i32
      %dma_wait3A_156 = tpu.memref_slice %arg9[%add3A_1, %dma_wait3A_155] : memref<10112x128xf32, #tpu.memory_space<vmem_shared>> -> memref<128x128xf32, #tpu.memory_space<vmem_shared>>
      tpu.wait_dma2 semaphore(%run_scoped3A_152 : memref<!tpu.dma_semaphore, #tpu.memory_space<semaphore_mem>>) src(%arg4 : memref<128x128xf32, #tpu.memory_space<hbm>>) dst(%dma_wait3A_156 : memref<128x128xf32, #tpu.memory_space<vmem_shared>>)
      tpu.yield
    }) : () -> ()
    %mul3A_2 = arith.constant 632 : i32
    %mul3A_3 = arith.muli %arg1, %mul3A_2 : i32
    %add3A_4 = arith.constant 128 : i32
    %add3A_5 = arith.addi %mul3A_3, %add3A_4 : i32
    "tpu.region"() ({
      %run_scoped3A_152 = tpu.sem_alloc : memref<!tpu.dma_semaphore, #tpu.memory_space<semaphore_mem>>
      %dma_start3A_153 = arith.constant 0 : i32
      %dma_start3A_154 = tpu.memref_slice %arg9[%add3A_5, %dma_start3A_153] : memref<10112x128xf32, #tpu.memory_space<vmem_shared>> -> memref<128x128xf32, #tpu.memory_space<vmem_shared>>
      tpu.enqueue_dma source(%arg4 : memref<128x128xf32, #tpu.memory_space<hbm>>) target(%dma_start3A_154 : memref<128x128xf32, #tpu.memory_space<vmem_shared>>) target_semaphore(%run_scoped3A_152 : memref<!tpu.dma_semaphore, #tpu.memory_space<semaphore_mem>>)
      %dma_wait3A_155 = arith.constant 0 : i32
      %dma_wait3A_156 = tpu.memref_slice %arg9[%add3A_5, %dma_wait3A_155] : memref<10112x128xf32, #tpu.memory_space<vmem_shared>> -> memref<128x128xf32, #tpu.memory_space<vmem_shared>>
      tpu.wait_dma2 semaphore(%run_scoped3A_152 : memref<!tpu.dma_semaphore, #tpu.memory_space<semaphore_mem>>) src(%arg4 : memref<128x128xf32, #tpu.memory_space<hbm>>) dst(%dma_wait3A_156 : memref<128x128xf32, #tpu.memory_space<vmem_shared>>)
      tpu.yield
    }) : () -> ()
    %mul3A_6 = arith.constant 632 : i32
    %mul3A_7 = arith.muli %arg1, %mul3A_6 : i32
    %add3A_8 = arith.constant 256 : i32
    %add3A_9 = arith.addi %mul3A_7, %add3A_8 : i32
    "tpu.region"() ({
      %run_scoped3A_152 = tpu.sem_alloc : memref<!tpu.dma_semaphore, #tpu.memory_space<semaphore_mem>>
      %dma_start3A_153 = arith.constant 0 : i32
      %dma_start3A_154 = tpu.memref_slice %arg9[%add3A_9, %dma_start3A_153] : memref<10112x128xf32, #tpu.memory_space<vmem_shared>> -> memref<128x128xf32, #tpu.memory_space<vmem_shared>>
      tpu.enqueue_dma source(%arg4 : memref<128x128xf32, #tpu.memory_space<hbm>>) target(%dma_start3A_154 : memref<128x128xf32, #tpu.memory_space<vmem_shared>>) target_semaphore(%run_scoped3A_152 : memref<!tpu.dma_semaphore, #tpu.memory_space<semaphore_mem>>)
      %dma_wait3A_155 = arith.constant 0 : i32
      %dma_wait3A_156 = tpu.memref_slice %arg9[%add3A_9, %dma_wait3A_155] : memref<10112x128xf32, #tpu.memory_space<vmem_shared>> -> memref<128x128xf32, #tpu.memory_space<vmem_shared>>
      tpu.wait_dma2 semaphore(%run_scoped3A_152 : memref<!tpu.dma_semaphore, #tpu.memory_space<semaphore_mem>>) src(%arg4 : memref<128x128xf32, #tpu.memory_space<hbm>>) dst(%dma_wait3A_156 : memref<128x128xf32, #tpu.memory_space<vmem_shared>>)
      tpu.yield
    }) : () -> ()
    %mul3A_10 = arith.constant 632 : i32
    %mul3A_11 = arith.muli %arg1, %mul3A_10 : i32
    %add3A_12 = arith.constant 384 : i32
    %add3A_13 = arith.addi %mul3A_11, %add3A_12 : i32
    "tpu.region"() ({
      %run_scoped3A_152 = tpu.sem_alloc : memref<!tpu.dma_semaphore, #tpu.memory_space<semaphore_mem>>
      %dma_start3A_153 = arith.constant 0 : i32
      %dma_start3A_154 = tpu.memref_slice %arg9[%add3A_13, %dma_start3A_153] : memref<10112x128xf32, #tpu.memory_space<vmem_shared>> -> memref<128x128xf32, #tpu.memory_space<vmem_shared>>
      tpu.enqueue_dma source(%arg4 : memref<128x128xf32, #tpu.memory_space<hbm>>) target(%dma_start3A_154 : memref<128x128xf32, #tpu.memory_space<vmem_shared>>) target_semaphore(%run_scoped3A_152 : memref<!tpu.dma_semaphore, #tpu.memory_space<semaphore_mem>>)
      %dma_wait3A_155 = arith.constant 0 : i32
      %dma_wait3A_156 = tpu.memref_slice %arg9[%add3A_13, %dma_wait3A_155] : memref<10112x128xf32, #tpu.memory_space<vmem_shared>> -> memref<128x128xf32, #tpu.memory_space<vmem_shared>>
      tpu.wait_dma2 semaphore(%run_scoped3A_152 : memref<!tpu.dma_semaphore, #tpu.memory_space<semaphore_mem>>) src(%arg4 : memref<128x128xf32, #tpu.memory_space<hbm>>) dst(%dma_wait3A_156 : memref<128x128xf32, #tpu.memory_space<vmem_shared>>)
      tpu.yield
    }) : () -> ()
    %mul3A_14 = arith.constant 632 : i32
    %mul3A_15 = arith.muli %arg1, %mul3A_14 : i32
    %add3A_16 = arith.constant 512 : i32
    %add3A_17 = arith.addi %mul3A_15, %add3A_16 : i32
    "tpu.region"() ({
      %run_scoped3A_152 = tpu.sem_alloc : memref<!tpu.dma_semaphore, #tpu.memory_space<semaphore_mem>>
      %dma_start3A_153 = arith.constant 0 : i32
      %dma_start3A_154 = tpu.memref_slice %arg9[%add3A_17, %dma_start3A_153] : memref<10112x128xf32, #tpu.memory_space<vmem_shared>> -> memref<120x128xf32, #tpu.memory_space<vmem_shared>>
      %dma_start3A_155 = arith.constant 0 : i32
      %dma_start3A_156 = arith.constant 0 : i32
      %dma_start3A_157 = tpu.memref_slice %arg4[%dma_start3A_155, %dma_start3A_156] : memref<128x128xf32, #tpu.memory_space<hbm>> -> memref<120x128xf32, #tpu.memory_space<hbm>>
      tpu.enqueue_dma source(%dma_start3A_157 : memref<120x128xf32, #tpu.memory_space<hbm>>) target(%dma_start3A_154 : memref<120x128xf32, #tpu.memory_space<vmem_shared>>) target_semaphore(%run_scoped3A_152 : memref<!tpu.dma_semaphore, #tpu.memory_space<semaphore_mem>>)
      %dma_wait3A_158 = arith.constant 0 : i32
      %dma_wait3A_159 = tpu.memref_slice %arg9[%add3A_17, %dma_wait3A_158] : memref<10112x128xf32, #tpu.memory_space<vmem_shared>> -> memref<120x128xf32, #tpu.memory_space<vmem_shared>>
      %dma_wait3A_160 = arith.constant 0 : i32
      %dma_wait3A_161 = arith.constant 0 : i32
      %dma_wait3A_162 = tpu.memref_slice %arg4[%dma_wait3A_160, %dma_wait3A_161] : memref<128x128xf32, #tpu.memory_space<hbm>> -> memref<120x128xf32, #tpu.memory_space<hbm>>
      tpu.wait_dma2 semaphore(%run_scoped3A_152 : memref<!tpu.dma_semaphore, #tpu.memory_space<semaphore_mem>>) src(%dma_wait3A_162 : memref<120x128xf32, #tpu.memory_space<hbm>>) dst(%dma_wait3A_159 : memref<120x128xf32, #tpu.memory_space<vmem_shared>>)
      tpu.yield
    }) : () -> ()
    "tpu.region"() ({
      %run_scoped3A_152 = tpu.sem_alloc : memref<!tpu.dma_semaphore, #tpu.memory_space<semaphore_mem>>
      tpu.enqueue_dma source(%arg3 : memref<128x128xf32, #tpu.memory_space<hbm>>) target(%arg8 : memref<128x128xf32, #tpu.memory_space<vmem>>) target_semaphore(%run_scoped3A_152 : memref<!tpu.dma_semaphore, #tpu.memory_space<semaphore_mem>>)
      tpu.wait_dma2 semaphore(%run_scoped3A_152 : memref<!tpu.dma_semaphore, #tpu.memory_space<semaphore_mem>>) src(%arg3 : memref<128x128xf32, #tpu.memory_space<hbm>>) dst(%arg8 : memref<128x128xf32, #tpu.memory_space<vmem>>)
      tpu.yield
    }) : () -> ()
    %barrier3A = arith.constant 0 : index
    tpu.barrier barrier_id(%barrier3A)
    %dma_start3A = arith.constant 0 : i32
    %dma_start3A_18 = arith.constant 0 : i32
    %dma_start3A_19 = arith.constant 0 : i32
    %dma_start3A_20 = arith.constant 0 : i32
    %dma_start3A_21 = arith.constant 0 : i32
    %dma_start3A_22 = tpu.memref_slice %arg2[%arg0, %dma_start3A_18, %dma_start3A_19, %dma_start3A_20, %dma_start3A_21] : memref<2x16x80x2x128xi32, #tpu.memory_space<hbm>> -> memref<1x16x80x2x128xi32, #tpu.memory_space<hbm>>
    %dma_start3A_23 = tpu.memref_squeeze %dma_start3A_22 : memref<1x16x80x2x128xi32, #tpu.memory_space<hbm>> -> memref<16x80x2x128xi32, #tpu.memory_space<hbm>>
    %dma_start3A_24 = arith.constant 0 : i32
    %dma_start3A_25 = arith.constant 0 : i32
    %dma_start3A_26 = arith.constant 0 : i32
    %dma_start3A_27 = tpu.memref_slice %dma_start3A_23[%arg1, %dma_start3A_24, %dma_start3A_25, %dma_start3A_26] : memref<16x80x2x128xi32, #tpu.memory_space<hbm>> -> memref<1x80x2x128xi32, #tpu.memory_space<hbm>>
    %dma_start3A_28 = tpu.memref_squeeze %dma_start3A_27 : memref<1x80x2x128xi32, #tpu.memory_space<hbm>> -> memref<80x2x128xi32, #tpu.memory_space<hbm>>
    %dma_start3A_29 = arith.constant 0 : i32
    %dma_start3A_30 = arith.constant 0 : i32
    %dma_start3A_31 = tpu.memref_slice %dma_start3A_28[%dma_start3A, %dma_start3A_29, %dma_start3A_30] : memref<80x2x128xi32, #tpu.memory_space<hbm>> -> memref<1x2x128xi32, #tpu.memory_space<hbm>>
    %dma_start3A_32 = tpu.memref_squeeze %dma_start3A_31 : memref<1x2x128xi32, #tpu.memory_space<hbm>> -> memref<2x128xi32, #tpu.memory_space<hbm>>
    %dma_start3A_33 = arith.constant 0 : i32
    %dma_start3A_34 = arith.constant 0 : i32
    %dma_start3A_35 = arith.constant 0 : i32
    %dma_start3A_36 = arith.constant 0 : i32
    %dma_start3A_37 = tpu.memref_slice %arg2[%arg0, %dma_start3A_33, %dma_start3A_34, %dma_start3A_35, %dma_start3A_36] : memref<2x16x80x2x128xi32, #tpu.memory_space<hbm>> -> memref<1x16x80x2x128xi32, #tpu.memory_space<hbm>>
    %dma_start3A_38 = tpu.memref_squeeze %dma_start3A_37 : memref<1x16x80x2x128xi32, #tpu.memory_space<hbm>> -> memref<16x80x2x128xi32, #tpu.memory_space<hbm>>
    %dma_start3A_39 = arith.constant 0 : i32
    %dma_start3A_40 = arith.constant 0 : i32
    %dma_start3A_41 = arith.constant 0 : i32
    %dma_start3A_42 = tpu.memref_slice %dma_start3A_38[%arg1, %dma_start3A_39, %dma_start3A_40, %dma_start3A_41] : memref<16x80x2x128xi32, #tpu.memory_space<hbm>> -> memref<1x80x2x128xi32, #tpu.memory_space<hbm>>
    %dma_start3A_43 = tpu.memref_squeeze %dma_start3A_42 : memref<1x80x2x128xi32, #tpu.memory_space<hbm>> -> memref<80x2x128xi32, #tpu.memory_space<hbm>>
    %dma_start3A_44 = arith.constant 0 : i32
    %dma_start3A_45 = arith.constant 0 : i32
    %dma_start3A_46 = tpu.memref_slice %dma_start3A_43[%dma_start3A, %dma_start3A_44, %dma_start3A_45] : memref<80x2x128xi32, #tpu.memory_space<hbm>> -> memref<1x2x128xi32, #tpu.memory_space<hbm>>
    %dma_start3A_47 = tpu.memref_squeeze %dma_start3A_46 : memref<1x2x128xi32, #tpu.memory_space<hbm>> -> memref<2x128xi32, #tpu.memory_space<hbm>>
    tpu.enqueue_dma source(%dma_start3A_47 : memref<2x128xi32, #tpu.memory_space<hbm>>) target(%arg6 : memref<2x128xi32, #tpu.memory_space<vmem>>) target_semaphore(%arg10 : memref<!tpu.dma_semaphore, #tpu.memory_space<semaphore_mem>>)
    %dma_start3A_48 = arith.constant 1 : i32
    %dma_start3A_49 = arith.constant 0 : i32
    %dma_start3A_50 = arith.constant 0 : i32
    %dma_start3A_51 = arith.constant 0 : i32
    %dma_start3A_52 = arith.constant 0 : i32
    %dma_start3A_53 = tpu.memref_slice %arg2[%arg0, %dma_start3A_49, %dma_start3A_50, %dma_start3A_51, %dma_start3A_52] : memref<2x16x80x2x128xi32, #tpu.memory_space<hbm>> -> memref<1x16x80x2x128xi32, #tpu.memory_space<hbm>>
    %dma_start3A_54 = tpu.memref_squeeze %dma_start3A_53 : memref<1x16x80x2x128xi32, #tpu.memory_space<hbm>> -> memref<16x80x2x128xi32, #tpu.memory_space<hbm>>
    %dma_start3A_55 = arith.constant 0 : i32
    %dma_start3A_56 = arith.constant 0 : i32
    %dma_start3A_57 = arith.constant 0 : i32
    %dma_start3A_58 = tpu.memref_slice %dma_start3A_54[%arg1, %dma_start3A_55, %dma_start3A_56, %dma_start3A_57] : memref<16x80x2x128xi32, #tpu.memory_space<hbm>> -> memref<1x80x2x128xi32, #tpu.memory_space<hbm>>
    %dma_start3A_59 = tpu.memref_squeeze %dma_start3A_58 : memref<1x80x2x128xi32, #tpu.memory_space<hbm>> -> memref<80x2x128xi32, #tpu.memory_space<hbm>>
    %dma_start3A_60 = arith.constant 0 : i32
    %dma_start3A_61 = arith.constant 0 : i32
    %dma_start3A_62 = tpu.memref_slice %dma_start3A_59[%dma_start3A_48, %dma_start3A_60, %dma_start3A_61] : memref<80x2x128xi32, #tpu.memory_space<hbm>> -> memref<1x2x128xi32, #tpu.memory_space<hbm>>
    %dma_start3A_63 = tpu.memref_squeeze %dma_start3A_62 : memref<1x2x128xi32, #tpu.memory_space<hbm>> -> memref<2x128xi32, #tpu.memory_space<hbm>>
    %dma_start3A_64 = arith.constant 0 : i32
    %dma_start3A_65 = arith.constant 0 : i32
    %dma_start3A_66 = arith.constant 0 : i32
    %dma_start3A_67 = arith.constant 0 : i32
    %dma_start3A_68 = tpu.memref_slice %arg2[%arg0, %dma_start3A_64, %dma_start3A_65, %dma_start3A_66, %dma_start3A_67] : memref<2x16x80x2x128xi32, #tpu.memory_space<hbm>> -> memref<1x16x80x2x128xi32, #tpu.memory_space<hbm>>
    %dma_start3A_69 = tpu.memref_squeeze %dma_start3A_68 : memref<1x16x80x2x128xi32, #tpu.memory_space<hbm>> -> memref<16x80x2x128xi32, #tpu.memory_space<hbm>>
    %dma_start3A_70 = arith.constant 0 : i32
    %dma_start3A_71 = arith.constant 0 : i32
    %dma_start3A_72 = arith.constant 0 : i32
    %dma_start3A_73 = tpu.memref_slice %dma_start3A_69[%arg1, %dma_start3A_70, %dma_start3A_71, %dma_start3A_72] : memref<16x80x2x128xi32, #tpu.memory_space<hbm>> -> memref<1x80x2x128xi32, #tpu.memory_space<hbm>>
    %dma_start3A_74 = tpu.memref_squeeze %dma_start3A_73 : memref<1x80x2x128xi32, #tpu.memory_space<hbm>> -> memref<80x2x128xi32, #tpu.memory_space<hbm>>
    %dma_start3A_75 = arith.constant 0 : i32
    %dma_start3A_76 = arith.constant 0 : i32
    %dma_start3A_77 = tpu.memref_slice %dma_start3A_74[%dma_start3A_48, %dma_start3A_75, %dma_start3A_76] : memref<80x2x128xi32, #tpu.memory_space<hbm>> -> memref<1x2x128xi32, #tpu.memory_space<hbm>>
    %dma_start3A_78 = tpu.memref_squeeze %dma_start3A_77 : memref<1x2x128xi32, #tpu.memory_space<hbm>> -> memref<2x128xi32, #tpu.memory_space<hbm>>
    tpu.enqueue_dma source(%dma_start3A_78 : memref<2x128xi32, #tpu.memory_space<hbm>>) target(%arg7 : memref<2x128xi32, #tpu.memory_space<vmem>>) target_semaphore(%arg11 : memref<!tpu.dma_semaphore, #tpu.memory_space<semaphore_mem>>)
    %scan3A = arith.constant 0 : i32
    %scan3A_79 = arith.constant 0 : i32
    %scan3A_80 = arith.constant 39 : i32
    %scan3A_81 = arith.addi %scan3A_79, %scan3A_80 : i32
    %scan3A_82 = arith.constant 1 : i32
    scf.for %scan3A_152 = %scan3A_79 to %scan3A_81 step %scan3A_82  : i32 {
      %mul3A_153 = arith.constant 2 : i32
      %mul3A_154 = arith.muli %mul3A_153, %scan3A_152 : i32
      %dma_wait3A_155 = arith.constant 0 : i32
      %dma_wait3A_156 = arith.constant 0 : i32
      %dma_wait3A_157 = arith.constant 0 : i32
      %dma_wait3A_158 = arith.constant 0 : i32
      %dma_wait3A_159 = arith.constant 0 : i32
      %dma_wait3A_160 = tpu.memref_slice %arg2[%arg0, %dma_wait3A_156, %dma_wait3A_157, %dma_wait3A_158, %dma_wait3A_159] : memref<2x16x80x2x128xi32, #tpu.memory_space<hbm>> -> memref<1x16x80x2x128xi32, #tpu.memory_space<hbm>>
      %dma_wait3A_161 = tpu.memref_squeeze %dma_wait3A_160 : memref<1x16x80x2x128xi32, #tpu.memory_space<hbm>> -> memref<16x80x2x128xi32, #tpu.memory_space<hbm>>
      %dma_wait3A_162 = arith.constant 0 : i32
      %dma_wait3A_163 = arith.constant 0 : i32
      %dma_wait3A_164 = arith.constant 0 : i32
      %dma_wait3A_165 = tpu.memref_slice %dma_wait3A_161[%arg1, %dma_wait3A_162, %dma_wait3A_163, %dma_wait3A_164] : memref<16x80x2x128xi32, #tpu.memory_space<hbm>> -> memref<1x80x2x128xi32, #tpu.memory_space<hbm>>
      %dma_wait3A_166 = tpu.memref_squeeze %dma_wait3A_165 : memref<1x80x2x128xi32, #tpu.memory_space<hbm>> -> memref<80x2x128xi32, #tpu.memory_space<hbm>>
      %dma_wait3A_167 = arith.constant 0 : i32
      %dma_wait3A_168 = arith.constant 0 : i32
      %dma_wait3A_169 = tpu.memref_slice %dma_wait3A_166[%dma_wait3A_155, %dma_wait3A_167, %dma_wait3A_168] : memref<80x2x128xi32, #tpu.memory_space<hbm>> -> memref<1x2x128xi32, #tpu.memory_space<hbm>>
      %dma_wait3A_170 = tpu.memref_squeeze %dma_wait3A_169 : memref<1x2x128xi32, #tpu.memory_space<hbm>> -> memref<2x128xi32, #tpu.memory_space<hbm>>
      %dma_wait3A_171 = arith.constant 0 : i32
      %dma_wait3A_172 = arith.constant 0 : i32
      %dma_wait3A_173 = arith.constant 0 : i32
      %dma_wait3A_174 = arith.constant 0 : i32
      %dma_wait3A_175 = tpu.memref_slice %arg2[%arg0, %dma_wait3A_171, %dma_wait3A_172, %dma_wait3A_173, %dma_wait3A_174] : memref<2x16x80x2x128xi32, #tpu.memory_space<hbm>> -> memref<1x16x80x2x128xi32, #tpu.memory_space<hbm>>
      %dma_wait3A_176 = tpu.memref_squeeze %dma_wait3A_175 : memref<1x16x80x2x128xi32, #tpu.memory_space<hbm>> -> memref<16x80x2x128xi32, #tpu.memory_space<hbm>>
      %dma_wait3A_177 = arith.constant 0 : i32
      %dma_wait3A_178 = arith.constant 0 : i32
      %dma_wait3A_179 = arith.constant 0 : i32
      %dma_wait3A_180 = tpu.memref_slice %dma_wait3A_176[%arg1, %dma_wait3A_177, %dma_wait3A_178, %dma_wait3A_179] : memref<16x80x2x128xi32, #tpu.memory_space<hbm>> -> memref<1x80x2x128xi32, #tpu.memory_space<hbm>>
      %dma_wait3A_181 = tpu.memref_squeeze %dma_wait3A_180 : memref<1x80x2x128xi32, #tpu.memory_space<hbm>> -> memref<80x2x128xi32, #tpu.memory_space<hbm>>
      %dma_wait3A_182 = arith.constant 0 : i32
      %dma_wait3A_183 = arith.constant 0 : i32
      %dma_wait3A_184 = tpu.memref_slice %dma_wait3A_181[%dma_wait3A_155, %dma_wait3A_182, %dma_wait3A_183] : memref<80x2x128xi32, #tpu.memory_space<hbm>> -> memref<1x2x128xi32, #tpu.memory_space<hbm>>
      %dma_wait3A_185 = tpu.memref_squeeze %dma_wait3A_184 : memref<1x2x128xi32, #tpu.memory_space<hbm>> -> memref<2x128xi32, #tpu.memory_space<hbm>>
      tpu.wait_dma2 semaphore(%arg10 : memref<!tpu.dma_semaphore, #tpu.memory_space<semaphore_mem>>) src(%dma_wait3A_185 : memref<2x128xi32, #tpu.memory_space<hbm>>) dst(%arg6 : memref<2x128xi32, #tpu.memory_space<vmem>>)
      %run_scoped3A_186 = arith.constant 1 : i32
      "tpu.region"() ({
        %run_scoped3A_285 = tpu.sem_alloc : memref<!tpu.dma_semaphore, #tpu.memory_space<semaphore_mem>>
        %dma_start3A_286 = arith.constant 0 : i32
        %dma_start3A_287 = tpu.memref_slice %arg6[%run_scoped3A_186, %dma_start3A_286] : memref<2x128xi32, #tpu.memory_space<vmem>> -> memref<1x128xi32, #tpu.memory_space<vmem>>
        %dma_start3A_288 = tpu.memref_squeeze %dma_start3A_287 : memref<1x128xi32, #tpu.memory_space<vmem>> -> memref<128xi32, #tpu.memory_space<vmem>>
        %dma_start3A_289 = arith.constant 0 : i32
        %dma_start3A_290 = arith.constant 0 : i32
        %dma_start3A_291 = tpu.memref_slice %arg9[%dma_start3A_289, %dma_start3A_290] : memref<10112x128xf32, #tpu.memory_space<vmem_shared>> -> memref<10112x128xf32, #tpu.memory_space<vmem_shared>>
        tpu.enqueue_indirect_dma source(%arg8 : memref<128x128xf32, #tpu.memory_space<vmem>>) target(%dma_start3A_291 : memref<10112x128xf32, #tpu.memory_space<vmem_shared>>) offsets(%dma_start3A_288 : memref<128xi32, #tpu.memory_space<vmem>>) semaphore(%run_scoped3A_285 : memref<!tpu.dma_semaphore, #tpu.memory_space<semaphore_mem>>) {add = true}
        %dma_wait3A_292 = arith.constant 0 : i32
        %dma_wait3A_293 = tpu.memref_slice %arg6[%run_scoped3A_186, %dma_wait3A_292] : memref<2x128xi32, #tpu.memory_space<vmem>> -> memref<1x128xi32, #tpu.memory_space<vmem>>
        %dma_wait3A_294 = tpu.memref_squeeze %dma_wait3A_293 : memref<1x128xi32, #tpu.memory_space<vmem>> -> memref<128xi32, #tpu.memory_space<vmem>>
        %dma_wait3A_295 = arith.constant 0 : i32
        %dma_wait3A_296 = arith.constant 0 : i32
        %dma_wait3A_297 = tpu.memref_slice %arg9[%dma_wait3A_295, %dma_wait3A_296] : memref<10112x128xf32, #tpu.memory_space<vmem_shared>> -> memref<10112x128xf32, #tpu.memory_space<vmem_shared>>
        tpu.wait_indirect_dma semaphore(%run_scoped3A_285 : memref<!tpu.dma_semaphore, #tpu.memory_space<semaphore_mem>>) src(%arg8 : memref<128x128xf32, #tpu.memory_space<vmem>>) dst(%dma_wait3A_297 : memref<10112x128xf32, #tpu.memory_space<vmem_shared>>)
        tpu.yield
      }) : () -> ()
      %add3A_187 = arith.constant 2 : i32
      %add3A_188 = arith.addi %mul3A_154, %add3A_187 : i32
      %dma_start3A_189 = arith.constant 0 : i32
      %dma_start3A_190 = arith.constant 0 : i32
      %dma_start3A_191 = arith.constant 0 : i32
      %dma_start3A_192 = arith.constant 0 : i32
      %dma_start3A_193 = tpu.memref_slice %arg2[%arg0, %dma_start3A_189, %dma_start3A_190, %dma_start3A_191, %dma_start3A_192] : memref<2x16x80x2x128xi32, #tpu.memory_space<hbm>> -> memref<1x16x80x2x128xi32, #tpu.memory_space<hbm>>
      %dma_start3A_194 = tpu.memref_squeeze %dma_start3A_193 : memref<1x16x80x2x128xi32, #tpu.memory_space<hbm>> -> memref<16x80x2x128xi32, #tpu.memory_space<hbm>>
      %dma_start3A_195 = arith.constant 0 : i32
      %dma_start3A_196 = arith.constant 0 : i32
      %dma_start3A_197 = arith.constant 0 : i32
      %dma_start3A_198 = tpu.memref_slice %dma_start3A_194[%arg1, %dma_start3A_195, %dma_start3A_196, %dma_start3A_197] : memref<16x80x2x128xi32, #tpu.memory_space<hbm>> -> memref<1x80x2x128xi32, #tpu.memory_space<hbm>>
      %dma_start3A_199 = tpu.memref_squeeze %dma_start3A_198 : memref<1x80x2x128xi32, #tpu.memory_space<hbm>> -> memref<80x2x128xi32, #tpu.memory_space<hbm>>
      %dma_start3A_200 = arith.constant 0 : i32
      %dma_start3A_201 = arith.constant 0 : i32
      %dma_start3A_202 = tpu.memref_slice %dma_start3A_199[%add3A_188, %dma_start3A_200, %dma_start3A_201] : memref<80x2x128xi32, #tpu.memory_space<hbm>> -> memref<1x2x128xi32, #tpu.memory_space<hbm>>
      %dma_start3A_203 = tpu.memref_squeeze %dma_start3A_202 : memref<1x2x128xi32, #tpu.memory_space<hbm>> -> memref<2x128xi32, #tpu.memory_space<hbm>>
      %dma_start3A_204 = arith.constant 0 : i32
      %dma_start3A_205 = arith.constant 0 : i32
      %dma_start3A_206 = arith.constant 0 : i32
      %dma_start3A_207 = arith.constant 0 : i32
      %dma_start3A_208 = tpu.memref_slice %arg2[%arg0, %dma_start3A_204, %dma_start3A_205, %dma_start3A_206, %dma_start3A_207] : memref<2x16x80x2x128xi32, #tpu.memory_space<hbm>> -> memref<1x16x80x2x128xi32, #tpu.memory_space<hbm>>
      %dma_start3A_209 = tpu.memref_squeeze %dma_start3A_208 : memref<1x16x80x2x128xi32, #tpu.memory_space<hbm>> -> memref<16x80x2x128xi32, #tpu.memory_space<hbm>>
      %dma_start3A_210 = arith.constant 0 : i32
      %dma_start3A_211 = arith.constant 0 : i32
      %dma_start3A_212 = arith.constant 0 : i32
      %dma_start3A_213 = tpu.memref_slice %dma_start3A_209[%arg1, %dma_start3A_210, %dma_start3A_211, %dma_start3A_212] : memref<16x80x2x128xi32, #tpu.memory_space<hbm>> -> memref<1x80x2x128xi32, #tpu.memory_space<hbm>>
      %dma_start3A_214 = tpu.memref_squeeze %dma_start3A_213 : memref<1x80x2x128xi32, #tpu.memory_space<hbm>> -> memref<80x2x128xi32, #tpu.memory_space<hbm>>
      %dma_start3A_215 = arith.constant 0 : i32
      %dma_start3A_216 = arith.constant 0 : i32
      %dma_start3A_217 = tpu.memref_slice %dma_start3A_214[%add3A_188, %dma_start3A_215, %dma_start3A_216] : memref<80x2x128xi32, #tpu.memory_space<hbm>> -> memref<1x2x128xi32, #tpu.memory_space<hbm>>
      %dma_start3A_218 = tpu.memref_squeeze %dma_start3A_217 : memref<1x2x128xi32, #tpu.memory_space<hbm>> -> memref<2x128xi32, #tpu.memory_space<hbm>>
      tpu.enqueue_dma source(%dma_start3A_218 : memref<2x128xi32, #tpu.memory_space<hbm>>) target(%arg6 : memref<2x128xi32, #tpu.memory_space<vmem>>) target_semaphore(%arg10 : memref<!tpu.dma_semaphore, #tpu.memory_space<semaphore_mem>>)
      %add3A_219 = arith.constant 1 : i32
      %add3A_220 = arith.addi %mul3A_154, %add3A_219 : i32
      %dma_wait3A_221 = arith.constant 0 : i32
      %dma_wait3A_222 = arith.constant 0 : i32
      %dma_wait3A_223 = arith.constant 0 : i32
      %dma_wait3A_224 = arith.constant 0 : i32
      %dma_wait3A_225 = arith.constant 0 : i32
      %dma_wait3A_226 = tpu.memref_slice %arg2[%arg0, %dma_wait3A_222, %dma_wait3A_223, %dma_wait3A_224, %dma_wait3A_225] : memref<2x16x80x2x128xi32, #tpu.memory_space<hbm>> -> memref<1x16x80x2x128xi32, #tpu.memory_space<hbm>>
      %dma_wait3A_227 = tpu.memref_squeeze %dma_wait3A_226 : memref<1x16x80x2x128xi32, #tpu.memory_space<hbm>> -> memref<16x80x2x128xi32, #tpu.memory_space<hbm>>
      %dma_wait3A_228 = arith.constant 0 : i32
      %dma_wait3A_229 = arith.constant 0 : i32
      %dma_wait3A_230 = arith.constant 0 : i32
      %dma_wait3A_231 = tpu.memref_slice %dma_wait3A_227[%arg1, %dma_wait3A_228, %dma_wait3A_229, %dma_wait3A_230] : memref<16x80x2x128xi32, #tpu.memory_space<hbm>> -> memref<1x80x2x128xi32, #tpu.memory_space<hbm>>
      %dma_wait3A_232 = tpu.memref_squeeze %dma_wait3A_231 : memref<1x80x2x128xi32, #tpu.memory_space<hbm>> -> memref<80x2x128xi32, #tpu.memory_space<hbm>>
      %dma_wait3A_233 = arith.constant 0 : i32
      %dma_wait3A_234 = arith.constant 0 : i32
      %dma_wait3A_235 = tpu.memref_slice %dma_wait3A_232[%dma_wait3A_221, %dma_wait3A_233, %dma_wait3A_234] : memref<80x2x128xi32, #tpu.memory_space<hbm>> -> memref<1x2x128xi32, #tpu.memory_space<hbm>>
      %dma_wait3A_236 = tpu.memref_squeeze %dma_wait3A_235 : memref<1x2x128xi32, #tpu.memory_space<hbm>> -> memref<2x128xi32, #tpu.memory_space<hbm>>
      %dma_wait3A_237 = arith.constant 0 : i32
      %dma_wait3A_238 = arith.constant 0 : i32
      %dma_wait3A_239 = arith.constant 0 : i32
      %dma_wait3A_240 = arith.constant 0 : i32
      %dma_wait3A_241 = tpu.memref_slice %arg2[%arg0, %dma_wait3A_237, %dma_wait3A_238, %dma_wait3A_239, %dma_wait3A_240] : memref<2x16x80x2x128xi32, #tpu.memory_space<hbm>> -> memref<1x16x80x2x128xi32, #tpu.memory_space<hbm>>
      %dma_wait3A_242 = tpu.memref_squeeze %dma_wait3A_241 : memref<1x16x80x2x128xi32, #tpu.memory_space<hbm>> -> memref<16x80x2x128xi32, #tpu.memory_space<hbm>>
      %dma_wait3A_243 = arith.constant 0 : i32
      %dma_wait3A_244 = arith.constant 0 : i32
      %dma_wait3A_245 = arith.constant 0 : i32
      %dma_wait3A_246 = tpu.memref_slice %dma_wait3A_242[%arg1, %dma_wait3A_243, %dma_wait3A_244, %dma_wait3A_245] : memref<16x80x2x128xi32, #tpu.memory_space<hbm>> -> memref<1x80x2x128xi32, #tpu.memory_space<hbm>>
      %dma_wait3A_247 = tpu.memref_squeeze %dma_wait3A_246 : memref<1x80x2x128xi32, #tpu.memory_space<hbm>> -> memref<80x2x128xi32, #tpu.memory_space<hbm>>
      %dma_wait3A_248 = arith.constant 0 : i32
      %dma_wait3A_249 = arith.constant 0 : i32
      %dma_wait3A_250 = tpu.memref_slice %dma_wait3A_247[%dma_wait3A_221, %dma_wait3A_248, %dma_wait3A_249] : memref<80x2x128xi32, #tpu.memory_space<hbm>> -> memref<1x2x128xi32, #tpu.memory_space<hbm>>
      %dma_wait3A_251 = tpu.memref_squeeze %dma_wait3A_250 : memref<1x2x128xi32, #tpu.memory_space<hbm>> -> memref<2x128xi32, #tpu.memory_space<hbm>>
      tpu.wait_dma2 semaphore(%arg11 : memref<!tpu.dma_semaphore, #tpu.memory_space<semaphore_mem>>) src(%dma_wait3A_251 : memref<2x128xi32, #tpu.memory_space<hbm>>) dst(%arg7 : memref<2x128xi32, #tpu.memory_space<vmem>>)
      %run_scoped3A_252 = arith.constant 1 : i32
      "tpu.region"() ({
        %run_scoped3A_285 = tpu.sem_alloc : memref<!tpu.dma_semaphore, #tpu.memory_space<semaphore_mem>>
        %dma_start3A_286 = arith.constant 0 : i32
        %dma_start3A_287 = tpu.memref_slice %arg7[%run_scoped3A_252, %dma_start3A_286] : memref<2x128xi32, #tpu.memory_space<vmem>> -> memref<1x128xi32, #tpu.memory_space<vmem>>
        %dma_start3A_288 = tpu.memref_squeeze %dma_start3A_287 : memref<1x128xi32, #tpu.memory_space<vmem>> -> memref<128xi32, #tpu.memory_space<vmem>>
        %dma_start3A_289 = arith.constant 0 : i32
        %dma_start3A_290 = arith.constant 0 : i32
        %dma_start3A_291 = tpu.memref_slice %arg9[%dma_start3A_289, %dma_start3A_290] : memref<10112x128xf32, #tpu.memory_space<vmem_shared>> -> memref<10112x128xf32, #tpu.memory_space<vmem_shared>>
        tpu.enqueue_indirect_dma source(%arg8 : memref<128x128xf32, #tpu.memory_space<vmem>>) target(%dma_start3A_291 : memref<10112x128xf32, #tpu.memory_space<vmem_shared>>) offsets(%dma_start3A_288 : memref<128xi32, #tpu.memory_space<vmem>>) semaphore(%run_scoped3A_285 : memref<!tpu.dma_semaphore, #tpu.memory_space<semaphore_mem>>) {add = true}
        %dma_wait3A_292 = arith.constant 0 : i32
        %dma_wait3A_293 = tpu.memref_slice %arg7[%run_scoped3A_252, %dma_wait3A_292] : memref<2x128xi32, #tpu.memory_space<vmem>> -> memref<1x128xi32, #tpu.memory_space<vmem>>
        %dma_wait3A_294 = tpu.memref_squeeze %dma_wait3A_293 : memref<1x128xi32, #tpu.memory_space<vmem>> -> memref<128xi32, #tpu.memory_space<vmem>>
        %dma_wait3A_295 = arith.constant 0 : i32
        %dma_wait3A_296 = arith.constant 0 : i32
        %dma_wait3A_297 = tpu.memref_slice %arg9[%dma_wait3A_295, %dma_wait3A_296] : memref<10112x128xf32, #tpu.memory_space<vmem_shared>> -> memref<10112x128xf32, #tpu.memory_space<vmem_shared>>
        tpu.wait_indirect_dma semaphore(%run_scoped3A_285 : memref<!tpu.dma_semaphore, #tpu.memory_space<semaphore_mem>>) src(%arg8 : memref<128x128xf32, #tpu.memory_space<vmem>>) dst(%dma_wait3A_297 : memref<10112x128xf32, #tpu.memory_space<vmem_shared>>)
        tpu.yield
      }) : () -> ()
      %add3A_253 = arith.constant 2 : i32
      %add3A_254 = arith.addi %add3A_220, %add3A_253 : i32
      %dma_start3A_255 = arith.constant 0 : i32
      %dma_start3A_256 = arith.constant 0 : i32
      %dma_start3A_257 = arith.constant 0 : i32
      %dma_start3A_258 = arith.constant 0 : i32
      %dma_start3A_259 = tpu.memref_slice %arg2[%arg0, %dma_start3A_255, %dma_start3A_256, %dma_start3A_257, %dma_start3A_258] : memref<2x16x80x2x128xi32, #tpu.memory_space<hbm>> -> memref<1x16x80x2x128xi32, #tpu.memory_space<hbm>>
      %dma_start3A_260 = tpu.memref_squeeze %dma_start3A_259 : memref<1x16x80x2x128xi32, #tpu.memory_space<hbm>> -> memref<16x80x2x128xi32, #tpu.memory_space<hbm>>
      %dma_start3A_261 = arith.constant 0 : i32
      %dma_start3A_262 = arith.constant 0 : i32
      %dma_start3A_263 = arith.constant 0 : i32
      %dma_start3A_264 = tpu.memref_slice %dma_start3A_260[%arg1, %dma_start3A_261, %dma_start3A_262, %dma_start3A_263] : memref<16x80x2x128xi32, #tpu.memory_space<hbm>> -> memref<1x80x2x128xi32, #tpu.memory_space<hbm>>
      %dma_start3A_265 = tpu.memref_squeeze %dma_start3A_264 : memref<1x80x2x128xi32, #tpu.memory_space<hbm>> -> memref<80x2x128xi32, #tpu.memory_space<hbm>>
      %dma_start3A_266 = arith.constant 0 : i32
      %dma_start3A_267 = arith.constant 0 : i32
      %dma_start3A_268 = tpu.memref_slice %dma_start3A_265[%add3A_254, %dma_start3A_266, %dma_start3A_267] : memref<80x2x128xi32, #tpu.memory_space<hbm>> -> memref<1x2x128xi32, #tpu.memory_space<hbm>>
      %dma_start3A_269 = tpu.memref_squeeze %dma_start3A_268 : memref<1x2x128xi32, #tpu.memory_space<hbm>> -> memref<2x128xi32, #tpu.memory_space<hbm>>
      %dma_start3A_270 = arith.constant 0 : i32
      %dma_start3A_271 = arith.constant 0 : i32
      %dma_start3A_272 = arith.constant 0 : i32
      %dma_start3A_273 = arith.constant 0 : i32
      %dma_start3A_274 = tpu.memref_slice %arg2[%arg0, %dma_start3A_270, %dma_start3A_271, %dma_start3A_272, %dma_start3A_273] : memref<2x16x80x2x128xi32, #tpu.memory_space<hbm>> -> memref<1x16x80x2x128xi32, #tpu.memory_space<hbm>>
      %dma_start3A_275 = tpu.memref_squeeze %dma_start3A_274 : memref<1x16x80x2x128xi32, #tpu.memory_space<hbm>> -> memref<16x80x2x128xi32, #tpu.memory_space<hbm>>
      %dma_start3A_276 = arith.constant 0 : i32
      %dma_start3A_277 = arith.constant 0 : i32
      %dma_start3A_278 = arith.constant 0 : i32
      %dma_start3A_279 = tpu.memref_slice %dma_start3A_275[%arg1, %dma_start3A_276, %dma_start3A_277, %dma_start3A_278] : memref<16x80x2x128xi32, #tpu.memory_space<hbm>> -> memref<1x80x2x128xi32, #tpu.memory_space<hbm>>
      %dma_start3A_280 = tpu.memref_squeeze %dma_start3A_279 : memref<1x80x2x128xi32, #tpu.memory_space<hbm>> -> memref<80x2x128xi32, #tpu.memory_space<hbm>>
      %dma_start3A_281 = arith.constant 0 : i32
      %dma_start3A_282 = arith.constant 0 : i32
      %dma_start3A_283 = tpu.memref_slice %dma_start3A_280[%add3A_254, %dma_start3A_281, %dma_start3A_282] : memref<80x2x128xi32, #tpu.memory_space<hbm>> -> memref<1x2x128xi32, #tpu.memory_space<hbm>>
      %dma_start3A_284 = tpu.memref_squeeze %dma_start3A_283 : memref<1x2x128xi32, #tpu.memory_space<hbm>> -> memref<2x128xi32, #tpu.memory_space<hbm>>
      tpu.enqueue_dma source(%dma_start3A_284 : memref<2x128xi32, #tpu.memory_space<hbm>>) target(%arg7 : memref<2x128xi32, #tpu.memory_space<vmem>>) target_semaphore(%arg11 : memref<!tpu.dma_semaphore, #tpu.memory_space<semaphore_mem>>)
    }
    %scan3A_83 = arith.constant 39 : i32
    %dma_wait3A = arith.constant 0 : i32
    %dma_wait3A_84 = arith.constant 0 : i32
    %dma_wait3A_85 = arith.constant 0 : i32
    %dma_wait3A_86 = arith.constant 0 : i32
    %dma_wait3A_87 = arith.constant 0 : i32
    %dma_wait3A_88 = tpu.memref_slice %arg2[%arg0, %dma_wait3A_84, %dma_wait3A_85, %dma_wait3A_86, %dma_wait3A_87] : memref<2x16x80x2x128xi32, #tpu.memory_space<hbm>> -> memref<1x16x80x2x128xi32, #tpu.memory_space<hbm>>
    %dma_wait3A_89 = tpu.memref_squeeze %dma_wait3A_88 : memref<1x16x80x2x128xi32, #tpu.memory_space<hbm>> -> memref<16x80x2x128xi32, #tpu.memory_space<hbm>>
    %dma_wait3A_90 = arith.constant 0 : i32
    %dma_wait3A_91 = arith.constant 0 : i32
    %dma_wait3A_92 = arith.constant 0 : i32
    %dma_wait3A_93 = tpu.memref_slice %dma_wait3A_89[%arg1, %dma_wait3A_90, %dma_wait3A_91, %dma_wait3A_92] : memref<16x80x2x128xi32, #tpu.memory_space<hbm>> -> memref<1x80x2x128xi32, #tpu.memory_space<hbm>>
    %dma_wait3A_94 = tpu.memref_squeeze %dma_wait3A_93 : memref<1x80x2x128xi32, #tpu.memory_space<hbm>> -> memref<80x2x128xi32, #tpu.memory_space<hbm>>
    %dma_wait3A_95 = arith.constant 0 : i32
    %dma_wait3A_96 = arith.constant 0 : i32
    %dma_wait3A_97 = tpu.memref_slice %dma_wait3A_94[%dma_wait3A, %dma_wait3A_95, %dma_wait3A_96] : memref<80x2x128xi32, #tpu.memory_space<hbm>> -> memref<1x2x128xi32, #tpu.memory_space<hbm>>
    %dma_wait3A_98 = tpu.memref_squeeze %dma_wait3A_97 : memref<1x2x128xi32, #tpu.memory_space<hbm>> -> memref<2x128xi32, #tpu.memory_space<hbm>>
    %dma_wait3A_99 = arith.constant 0 : i32
    %dma_wait3A_100 = arith.constant 0 : i32
    %dma_wait3A_101 = arith.constant 0 : i32
    %dma_wait3A_102 = arith.constant 0 : i32
    %dma_wait3A_103 = tpu.memref_slice %arg2[%arg0, %dma_wait3A_99, %dma_wait3A_100, %dma_wait3A_101, %dma_wait3A_102] : memref<2x16x80x2x128xi32, #tpu.memory_space<hbm>> -> memref<1x16x80x2x128xi32, #tpu.memory_space<hbm>>
    %dma_wait3A_104 = tpu.memref_squeeze %dma_wait3A_103 : memref<1x16x80x2x128xi32, #tpu.memory_space<hbm>> -> memref<16x80x2x128xi32, #tpu.memory_space<hbm>>
    %dma_wait3A_105 = arith.constant 0 : i32
    %dma_wait3A_106 = arith.constant 0 : i32
    %dma_wait3A_107 = arith.constant 0 : i32
    %dma_wait3A_108 = tpu.memref_slice %dma_wait3A_104[%arg1, %dma_wait3A_105, %dma_wait3A_106, %dma_wait3A_107] : memref<16x80x2x128xi32, #tpu.memory_space<hbm>> -> memref<1x80x2x128xi32, #tpu.memory_space<hbm>>
    %dma_wait3A_109 = tpu.memref_squeeze %dma_wait3A_108 : memref<1x80x2x128xi32, #tpu.memory_space<hbm>> -> memref<80x2x128xi32, #tpu.memory_space<hbm>>
    %dma_wait3A_110 = arith.constant 0 : i32
    %dma_wait3A_111 = arith.constant 0 : i32
    %dma_wait3A_112 = tpu.memref_slice %dma_wait3A_109[%dma_wait3A, %dma_wait3A_110, %dma_wait3A_111] : memref<80x2x128xi32, #tpu.memory_space<hbm>> -> memref<1x2x128xi32, #tpu.memory_space<hbm>>
    %dma_wait3A_113 = tpu.memref_squeeze %dma_wait3A_112 : memref<1x2x128xi32, #tpu.memory_space<hbm>> -> memref<2x128xi32, #tpu.memory_space<hbm>>
    tpu.wait_dma2 semaphore(%arg10 : memref<!tpu.dma_semaphore, #tpu.memory_space<semaphore_mem>>) src(%dma_wait3A_113 : memref<2x128xi32, #tpu.memory_space<hbm>>) dst(%arg6 : memref<2x128xi32, #tpu.memory_space<vmem>>)
    %run_scoped3A = arith.constant 1 : i32
    "tpu.region"() ({
      %run_scoped3A_152 = tpu.sem_alloc : memref<!tpu.dma_semaphore, #tpu.memory_space<semaphore_mem>>
      %dma_start3A_153 = arith.constant 0 : i32
      %dma_start3A_154 = tpu.memref_slice %arg6[%run_scoped3A, %dma_start3A_153] : memref<2x128xi32, #tpu.memory_space<vmem>> -> memref<1x128xi32, #tpu.memory_space<vmem>>
      %dma_start3A_155 = tpu.memref_squeeze %dma_start3A_154 : memref<1x128xi32, #tpu.memory_space<vmem>> -> memref<128xi32, #tpu.memory_space<vmem>>
      %dma_start3A_156 = arith.constant 0 : i32
      %dma_start3A_157 = arith.constant 0 : i32
      %dma_start3A_158 = tpu.memref_slice %arg9[%dma_start3A_156, %dma_start3A_157] : memref<10112x128xf32, #tpu.memory_space<vmem_shared>> -> memref<10112x128xf32, #tpu.memory_space<vmem_shared>>
      tpu.enqueue_indirect_dma source(%arg8 : memref<128x128xf32, #tpu.memory_space<vmem>>) target(%dma_start3A_158 : memref<10112x128xf32, #tpu.memory_space<vmem_shared>>) offsets(%dma_start3A_155 : memref<128xi32, #tpu.memory_space<vmem>>) semaphore(%run_scoped3A_152 : memref<!tpu.dma_semaphore, #tpu.memory_space<semaphore_mem>>) {add = true}
      %dma_wait3A_159 = arith.constant 0 : i32
      %dma_wait3A_160 = tpu.memref_slice %arg6[%run_scoped3A, %dma_wait3A_159] : memref<2x128xi32, #tpu.memory_space<vmem>> -> memref<1x128xi32, #tpu.memory_space<vmem>>
      %dma_wait3A_161 = tpu.memref_squeeze %dma_wait3A_160 : memref<1x128xi32, #tpu.memory_space<vmem>> -> memref<128xi32, #tpu.memory_space<vmem>>
      %dma_wait3A_162 = arith.constant 0 : i32
      %dma_wait3A_163 = arith.constant 0 : i32
      %dma_wait3A_164 = tpu.memref_slice %arg9[%dma_wait3A_162, %dma_wait3A_163] : memref<10112x128xf32, #tpu.memory_space<vmem_shared>> -> memref<10112x128xf32, #tpu.memory_space<vmem_shared>>
      tpu.wait_indirect_dma semaphore(%run_scoped3A_152 : memref<!tpu.dma_semaphore, #tpu.memory_space<semaphore_mem>>) src(%arg8 : memref<128x128xf32, #tpu.memory_space<vmem>>) dst(%dma_wait3A_164 : memref<10112x128xf32, #tpu.memory_space<vmem_shared>>)
      tpu.yield
    }) : () -> ()
    %dma_wait3A_114 = arith.constant 0 : i32
    %dma_wait3A_115 = arith.constant 0 : i32
    %dma_wait3A_116 = arith.constant 0 : i32
    %dma_wait3A_117 = arith.constant 0 : i32
    %dma_wait3A_118 = arith.constant 0 : i32
    %dma_wait3A_119 = tpu.memref_slice %arg2[%arg0, %dma_wait3A_115, %dma_wait3A_116, %dma_wait3A_117, %dma_wait3A_118] : memref<2x16x80x2x128xi32, #tpu.memory_space<hbm>> -> memref<1x16x80x2x128xi32, #tpu.memory_space<hbm>>
    %dma_wait3A_120 = tpu.memref_squeeze %dma_wait3A_119 : memref<1x16x80x2x128xi32, #tpu.memory_space<hbm>> -> memref<16x80x2x128xi32, #tpu.memory_space<hbm>>
    %dma_wait3A_121 = arith.constant 0 : i32
    %dma_wait3A_122 = arith.constant 0 : i32
    %dma_wait3A_123 = arith.constant 0 : i32
    %dma_wait3A_124 = tpu.memref_slice %dma_wait3A_120[%arg1, %dma_wait3A_121, %dma_wait3A_122, %dma_wait3A_123] : memref<16x80x2x128xi32, #tpu.memory_space<hbm>> -> memref<1x80x2x128xi32, #tpu.memory_space<hbm>>
    %dma_wait3A_125 = tpu.memref_squeeze %dma_wait3A_124 : memref<1x80x2x128xi32, #tpu.memory_space<hbm>> -> memref<80x2x128xi32, #tpu.memory_space<hbm>>
    %dma_wait3A_126 = arith.constant 0 : i32
    %dma_wait3A_127 = arith.constant 0 : i32
    %dma_wait3A_128 = tpu.memref_slice %dma_wait3A_125[%dma_wait3A_114, %dma_wait3A_126, %dma_wait3A_127] : memref<80x2x128xi32, #tpu.memory_space<hbm>> -> memref<1x2x128xi32, #tpu.memory_space<hbm>>
    %dma_wait3A_129 = tpu.memref_squeeze %dma_wait3A_128 : memref<1x2x128xi32, #tpu.memory_space<hbm>> -> memref<2x128xi32, #tpu.memory_space<hbm>>
    %dma_wait3A_130 = arith.constant 0 : i32
    %dma_wait3A_131 = arith.constant 0 : i32
    %dma_wait3A_132 = arith.constant 0 : i32
    %dma_wait3A_133 = arith.constant 0 : i32
    %dma_wait3A_134 = tpu.memref_slice %arg2[%arg0, %dma_wait3A_130, %dma_wait3A_131, %dma_wait3A_132, %dma_wait3A_133] : memref<2x16x80x2x128xi32, #tpu.memory_space<hbm>> -> memref<1x16x80x2x128xi32, #tpu.memory_space<hbm>>
    %dma_wait3A_135 = tpu.memref_squeeze %dma_wait3A_134 : memref<1x16x80x2x128xi32, #tpu.memory_space<hbm>> -> memref<16x80x2x128xi32, #tpu.memory_space<hbm>>
    %dma_wait3A_136 = arith.constant 0 : i32
    %dma_wait3A_137 = arith.constant 0 : i32
    %dma_wait3A_138 = arith.constant 0 : i32
    %dma_wait3A_139 = tpu.memref_slice %dma_wait3A_135[%arg1, %dma_wait3A_136, %dma_wait3A_137, %dma_wait3A_138] : memref<16x80x2x128xi32, #tpu.memory_space<hbm>> -> memref<1x80x2x128xi32, #tpu.memory_space<hbm>>
    %dma_wait3A_140 = tpu.memref_squeeze %dma_wait3A_139 : memref<1x80x2x128xi32, #tpu.memory_space<hbm>> -> memref<80x2x128xi32, #tpu.memory_space<hbm>>
    %dma_wait3A_141 = arith.constant 0 : i32
    %dma_wait3A_142 = arith.constant 0 : i32
    %dma_wait3A_143 = tpu.memref_slice %dma_wait3A_140[%dma_wait3A_114, %dma_wait3A_141, %dma_wait3A_142] : memref<80x2x128xi32, #tpu.memory_space<hbm>> -> memref<1x2x128xi32, #tpu.memory_space<hbm>>
    %dma_wait3A_144 = tpu.memref_squeeze %dma_wait3A_143 : memref<1x2x128xi32, #tpu.memory_space<hbm>> -> memref<2x128xi32, #tpu.memory_space<hbm>>
    tpu.wait_dma2 semaphore(%arg11 : memref<!tpu.dma_semaphore, #tpu.memory_space<semaphore_mem>>) src(%dma_wait3A_144 : memref<2x128xi32, #tpu.memory_space<hbm>>) dst(%arg7 : memref<2x128xi32, #tpu.memory_space<vmem>>)
    %run_scoped3A_145 = arith.constant 1 : i32
    "tpu.region"() ({
      %run_scoped3A_152 = tpu.sem_alloc : memref<!tpu.dma_semaphore, #tpu.memory_space<semaphore_mem>>
      %dma_start3A_153 = arith.constant 0 : i32
      %dma_start3A_154 = tpu.memref_slice %arg7[%run_scoped3A_145, %dma_start3A_153] : memref<2x128xi32, #tpu.memory_space<vmem>> -> memref<1x128xi32, #tpu.memory_space<vmem>>
      %dma_start3A_155 = tpu.memref_squeeze %dma_start3A_154 : memref<1x128xi32, #tpu.memory_space<vmem>> -> memref<128xi32, #tpu.memory_space<vmem>>
      %dma_start3A_156 = arith.constant 0 : i32
      %dma_start3A_157 = arith.constant 0 : i32
      %dma_start3A_158 = tpu.memref_slice %arg9[%dma_start3A_156, %dma_start3A_157] : memref<10112x128xf32, #tpu.memory_space<vmem_shared>> -> memref<10112x128xf32, #tpu.memory_space<vmem_shared>>
      tpu.enqueue_indirect_dma source(%arg8 : memref<128x128xf32, #tpu.memory_space<vmem>>) target(%dma_start3A_158 : memref<10112x128xf32, #tpu.memory_space<vmem_shared>>) offsets(%dma_start3A_155 : memref<128xi32, #tpu.memory_space<vmem>>) semaphore(%run_scoped3A_152 : memref<!tpu.dma_semaphore, #tpu.memory_space<semaphore_mem>>) {add = true}
      %dma_wait3A_159 = arith.constant 0 : i32
      %dma_wait3A_160 = tpu.memref_slice %arg7[%run_scoped3A_145, %dma_wait3A_159] : memref<2x128xi32, #tpu.memory_space<vmem>> -> memref<1x128xi32, #tpu.memory_space<vmem>>
      %dma_wait3A_161 = tpu.memref_squeeze %dma_wait3A_160 : memref<1x128xi32, #tpu.memory_space<vmem>> -> memref<128xi32, #tpu.memory_space<vmem>>
      %dma_wait3A_162 = arith.constant 0 : i32
      %dma_wait3A_163 = arith.constant 0 : i32
      %dma_wait3A_164 = tpu.memref_slice %arg9[%dma_wait3A_162, %dma_wait3A_163] : memref<10112x128xf32, #tpu.memory_space<vmem_shared>> -> memref<10112x128xf32, #tpu.memory_space<vmem_shared>>
      tpu.wait_indirect_dma semaphore(%run_scoped3A_152 : memref<!tpu.dma_semaphore, #tpu.memory_space<semaphore_mem>>) src(%arg8 : memref<128x128xf32, #tpu.memory_space<vmem>>) dst(%dma_wait3A_164 : memref<10112x128xf32, #tpu.memory_space<vmem_shared>>)
      tpu.yield
    }) : () -> ()
    %barrier3A_146 = arith.constant 0 : index
    tpu.barrier barrier_id(%barrier3A_146)
    %mul3A_147 = arith.constant 632 : i32
    %mul3A_148 = arith.muli %arg1, %mul3A_147 : i32
    %mul3A_149 = arith.constant 16 : i32
    %mul3A_150 = arith.muli %arg0, %mul3A_149 : i32
    %add3A_151 = arith.addi %mul3A_150, %arg1 : i32
    "tpu.region"() ({
      %run_scoped3A_152 = tpu.sem_alloc : memref<!tpu.dma_semaphore, #tpu.memory_space<semaphore_mem>>
      %dma_start3A_153 = arith.constant 0 : i32
      %dma_start3A_154 = arith.constant 0 : i32
      %dma_start3A_155 = tpu.memref_slice %arg5[%add3A_151, %dma_start3A_153, %dma_start3A_154] : memref<32x632x128xf32, #tpu.memory_space<hbm>> -> memref<1x632x128xf32, #tpu.memory_space<hbm>>
      %dma_start3A_156 = tpu.memref_squeeze %dma_start3A_155 : memref<1x632x128xf32, #tpu.memory_space<hbm>> -> memref<632x128xf32, #tpu.memory_space<hbm>>
      %dma_start3A_157 = arith.constant 0 : i32
      %dma_start3A_158 = tpu.memref_slice %arg9[%mul3A_148, %dma_start3A_157] : memref<10112x128xf32, #tpu.memory_space<vmem_shared>> -> memref<632x128xf32, #tpu.memory_space<vmem_shared>>
      tpu.enqueue_dma source(%dma_start3A_158 : memref<632x128xf32, #tpu.memory_space<vmem_shared>>) target(%dma_start3A_156 : memref<632x128xf32, #tpu.memory_space<hbm>>) target_semaphore(%run_scoped3A_152 : memref<!tpu.dma_semaphore, #tpu.memory_space<semaphore_mem>>)
      %dma_wait3A_159 = arith.constant 0 : i32
      %dma_wait3A_160 = arith.constant 0 : i32
      %dma_wait3A_161 = tpu.memref_slice %arg5[%add3A_151, %dma_wait3A_159, %dma_wait3A_160] : memref<32x632x128xf32, #tpu.memory_space<hbm>> -> memref<1x632x128xf32, #tpu.memory_space<hbm>>
      %dma_wait3A_162 = tpu.memref_squeeze %dma_wait3A_161 : memref<1x632x128xf32, #tpu.memory_space<hbm>> -> memref<632x128xf32, #tpu.memory_space<hbm>>
      %dma_wait3A_163 = arith.constant 0 : i32
      %dma_wait3A_164 = tpu.memref_slice %arg9[%mul3A_148, %dma_wait3A_163] : memref<10112x128xf32, #tpu.memory_space<vmem_shared>> -> memref<632x128xf32, #tpu.memory_space<vmem_shared>>
      tpu.wait_dma2 semaphore(%run_scoped3A_152 : memref<!tpu.dma_semaphore, #tpu.memory_space<semaphore_mem>>) src(%dma_wait3A_164 : memref<632x128xf32, #tpu.memory_space<vmem_shared>>) dst(%dma_wait3A_162 : memref<632x128xf32, #tpu.memory_space<hbm>>)
      tpu.yield
    }) : () -> ()
    return
  }
}

#map = affine_map<(d0, d1) -> (0, 0, 0, 0, 0)>
#map1 = affine_map<(d0, d1) -> (0, 0)>
#map2 = affine_map<(d0, d1) -> (0, 0, 0)>
module attributes {stable_mosaic.version = 14 : i64} {
  func.func @_seg_body(%arg0: i32, %arg1: i32, %arg2: memref<2x16x80x2x128xi32, #tpu.memory_space<hbm>>, %arg3: memref<10000x128xf32, #tpu.memory_space<hbm>>, %arg4: memref<128x128xf32, #tpu.memory_space<hbm>>, %arg5: memref<32x632x128xf32, #tpu.memory_space<hbm>>, %arg6: memref<2x128xi32, #tpu.memory_space<vmem>>, %arg7: memref<2x128xi32, #tpu.memory_space<vmem>>, %arg8: memref<128x128xf32, #tpu.memory_space<vmem>>, %arg9: memref<128x128xf32, #tpu.memory_space<vmem>>, %arg10: memref<10112x128xf32, #tpu.memory_space<vmem_shared>>, %arg11: memref<!tpu.dma_semaphore, #tpu.memory_space<semaphore_mem>>, %arg12: memref<!tpu.dma_semaphore, #tpu.memory_space<semaphore_mem>>, %arg13: memref<!tpu.dma_semaphore, #tpu.memory_space<semaphore_mem>>, %arg14: memref<!tpu.dma_semaphore, #tpu.memory_space<semaphore_mem>>) attributes {dimension_semantics = [#tpu.dimension_semantics<core_parallel>, #tpu.dimension_semantics<subcore_parallel>], iteration_bounds = array<i64: 2, 16>, scalar_prefetch = 0 : i64, scratch_operands = 9 : i64, tpu.core_type = #tpu.core_type<sc_vector_subcore>, window_params = [{transform_indices = #map}, {transform_indices = #map1}, {transform_indices = #map1}, {transform_indices = #map2}]} {
    %mul3A = arith.constant 632 : i32
    %mul3A_0 = arith.muli %arg1, %mul3A : i32
    %add3A = arith.constant 0 : i32
    %add3A_1 = arith.addi %mul3A_0, %add3A : i32
    "tpu.region"() ({
      %run_scoped3A_84 = tpu.sem_alloc : memref<!tpu.dma_semaphore, #tpu.memory_space<semaphore_mem>>
      %dma_start3A_85 = arith.constant 0 : i32
      %dma_start3A_86 = tpu.memref_slice %arg10[%add3A_1, %dma_start3A_85] : memref<10112x128xf32, #tpu.memory_space<vmem_shared>> -> memref<128x128xf32, #tpu.memory_space<vmem_shared>>
      tpu.enqueue_dma source(%arg4 : memref<128x128xf32, #tpu.memory_space<hbm>>) target(%dma_start3A_86 : memref<128x128xf32, #tpu.memory_space<vmem_shared>>) target_semaphore(%run_scoped3A_84 : memref<!tpu.dma_semaphore, #tpu.memory_space<semaphore_mem>>)
      %dma_wait3A_87 = arith.constant 0 : i32
      %dma_wait3A_88 = tpu.memref_slice %arg10[%add3A_1, %dma_wait3A_87] : memref<10112x128xf32, #tpu.memory_space<vmem_shared>> -> memref<128x128xf32, #tpu.memory_space<vmem_shared>>
      tpu.wait_dma2 semaphore(%run_scoped3A_84 : memref<!tpu.dma_semaphore, #tpu.memory_space<semaphore_mem>>) src(%arg4 : memref<128x128xf32, #tpu.memory_space<hbm>>) dst(%dma_wait3A_88 : memref<128x128xf32, #tpu.memory_space<vmem_shared>>)
      tpu.yield
    }) : () -> ()
    %mul3A_2 = arith.constant 632 : i32
    %mul3A_3 = arith.muli %arg1, %mul3A_2 : i32
    %add3A_4 = arith.constant 128 : i32
    %add3A_5 = arith.addi %mul3A_3, %add3A_4 : i32
    "tpu.region"() ({
      %run_scoped3A_84 = tpu.sem_alloc : memref<!tpu.dma_semaphore, #tpu.memory_space<semaphore_mem>>
      %dma_start3A_85 = arith.constant 0 : i32
      %dma_start3A_86 = tpu.memref_slice %arg10[%add3A_5, %dma_start3A_85] : memref<10112x128xf32, #tpu.memory_space<vmem_shared>> -> memref<128x128xf32, #tpu.memory_space<vmem_shared>>
      tpu.enqueue_dma source(%arg4 : memref<128x128xf32, #tpu.memory_space<hbm>>) target(%dma_start3A_86 : memref<128x128xf32, #tpu.memory_space<vmem_shared>>) target_semaphore(%run_scoped3A_84 : memref<!tpu.dma_semaphore, #tpu.memory_space<semaphore_mem>>)
      %dma_wait3A_87 = arith.constant 0 : i32
      %dma_wait3A_88 = tpu.memref_slice %arg10[%add3A_5, %dma_wait3A_87] : memref<10112x128xf32, #tpu.memory_space<vmem_shared>> -> memref<128x128xf32, #tpu.memory_space<vmem_shared>>
      tpu.wait_dma2 semaphore(%run_scoped3A_84 : memref<!tpu.dma_semaphore, #tpu.memory_space<semaphore_mem>>) src(%arg4 : memref<128x128xf32, #tpu.memory_space<hbm>>) dst(%dma_wait3A_88 : memref<128x128xf32, #tpu.memory_space<vmem_shared>>)
      tpu.yield
    }) : () -> ()
    %mul3A_6 = arith.constant 632 : i32
    %mul3A_7 = arith.muli %arg1, %mul3A_6 : i32
    %add3A_8 = arith.constant 256 : i32
    %add3A_9 = arith.addi %mul3A_7, %add3A_8 : i32
    "tpu.region"() ({
      %run_scoped3A_84 = tpu.sem_alloc : memref<!tpu.dma_semaphore, #tpu.memory_space<semaphore_mem>>
      %dma_start3A_85 = arith.constant 0 : i32
      %dma_start3A_86 = tpu.memref_slice %arg10[%add3A_9, %dma_start3A_85] : memref<10112x128xf32, #tpu.memory_space<vmem_shared>> -> memref<128x128xf32, #tpu.memory_space<vmem_shared>>
      tpu.enqueue_dma source(%arg4 : memref<128x128xf32, #tpu.memory_space<hbm>>) target(%dma_start3A_86 : memref<128x128xf32, #tpu.memory_space<vmem_shared>>) target_semaphore(%run_scoped3A_84 : memref<!tpu.dma_semaphore, #tpu.memory_space<semaphore_mem>>)
      %dma_wait3A_87 = arith.constant 0 : i32
      %dma_wait3A_88 = tpu.memref_slice %arg10[%add3A_9, %dma_wait3A_87] : memref<10112x128xf32, #tpu.memory_space<vmem_shared>> -> memref<128x128xf32, #tpu.memory_space<vmem_shared>>
      tpu.wait_dma2 semaphore(%run_scoped3A_84 : memref<!tpu.dma_semaphore, #tpu.memory_space<semaphore_mem>>) src(%arg4 : memref<128x128xf32, #tpu.memory_space<hbm>>) dst(%dma_wait3A_88 : memref<128x128xf32, #tpu.memory_space<vmem_shared>>)
      tpu.yield
    }) : () -> ()
    %mul3A_10 = arith.constant 632 : i32
    %mul3A_11 = arith.muli %arg1, %mul3A_10 : i32
    %add3A_12 = arith.constant 384 : i32
    %add3A_13 = arith.addi %mul3A_11, %add3A_12 : i32
    "tpu.region"() ({
      %run_scoped3A_84 = tpu.sem_alloc : memref<!tpu.dma_semaphore, #tpu.memory_space<semaphore_mem>>
      %dma_start3A_85 = arith.constant 0 : i32
      %dma_start3A_86 = tpu.memref_slice %arg10[%add3A_13, %dma_start3A_85] : memref<10112x128xf32, #tpu.memory_space<vmem_shared>> -> memref<128x128xf32, #tpu.memory_space<vmem_shared>>
      tpu.enqueue_dma source(%arg4 : memref<128x128xf32, #tpu.memory_space<hbm>>) target(%dma_start3A_86 : memref<128x128xf32, #tpu.memory_space<vmem_shared>>) target_semaphore(%run_scoped3A_84 : memref<!tpu.dma_semaphore, #tpu.memory_space<semaphore_mem>>)
      %dma_wait3A_87 = arith.constant 0 : i32
      %dma_wait3A_88 = tpu.memref_slice %arg10[%add3A_13, %dma_wait3A_87] : memref<10112x128xf32, #tpu.memory_space<vmem_shared>> -> memref<128x128xf32, #tpu.memory_space<vmem_shared>>
      tpu.wait_dma2 semaphore(%run_scoped3A_84 : memref<!tpu.dma_semaphore, #tpu.memory_space<semaphore_mem>>) src(%arg4 : memref<128x128xf32, #tpu.memory_space<hbm>>) dst(%dma_wait3A_88 : memref<128x128xf32, #tpu.memory_space<vmem_shared>>)
      tpu.yield
    }) : () -> ()
    %mul3A_14 = arith.constant 632 : i32
    %mul3A_15 = arith.muli %arg1, %mul3A_14 : i32
    %add3A_16 = arith.constant 512 : i32
    %add3A_17 = arith.addi %mul3A_15, %add3A_16 : i32
    "tpu.region"() ({
      %run_scoped3A_84 = tpu.sem_alloc : memref<!tpu.dma_semaphore, #tpu.memory_space<semaphore_mem>>
      %dma_start3A_85 = arith.constant 0 : i32
      %dma_start3A_86 = tpu.memref_slice %arg10[%add3A_17, %dma_start3A_85] : memref<10112x128xf32, #tpu.memory_space<vmem_shared>> -> memref<120x128xf32, #tpu.memory_space<vmem_shared>>
      %dma_start3A_87 = arith.constant 0 : i32
      %dma_start3A_88 = arith.constant 0 : i32
      %dma_start3A_89 = tpu.memref_slice %arg4[%dma_start3A_87, %dma_start3A_88] : memref<128x128xf32, #tpu.memory_space<hbm>> -> memref<120x128xf32, #tpu.memory_space<hbm>>
      tpu.enqueue_dma source(%dma_start3A_89 : memref<120x128xf32, #tpu.memory_space<hbm>>) target(%dma_start3A_86 : memref<120x128xf32, #tpu.memory_space<vmem_shared>>) target_semaphore(%run_scoped3A_84 : memref<!tpu.dma_semaphore, #tpu.memory_space<semaphore_mem>>)
      %dma_wait3A_90 = arith.constant 0 : i32
      %dma_wait3A_91 = tpu.memref_slice %arg10[%add3A_17, %dma_wait3A_90] : memref<10112x128xf32, #tpu.memory_space<vmem_shared>> -> memref<120x128xf32, #tpu.memory_space<vmem_shared>>
      %dma_wait3A_92 = arith.constant 0 : i32
      %dma_wait3A_93 = arith.constant 0 : i32
      %dma_wait3A_94 = tpu.memref_slice %arg4[%dma_wait3A_92, %dma_wait3A_93] : memref<128x128xf32, #tpu.memory_space<hbm>> -> memref<120x128xf32, #tpu.memory_space<hbm>>
      tpu.wait_dma2 semaphore(%run_scoped3A_84 : memref<!tpu.dma_semaphore, #tpu.memory_space<semaphore_mem>>) src(%dma_wait3A_94 : memref<120x128xf32, #tpu.memory_space<hbm>>) dst(%dma_wait3A_91 : memref<120x128xf32, #tpu.memory_space<vmem_shared>>)
      tpu.yield
    }) : () -> ()
    %barrier3A = arith.constant 0 : index
    tpu.barrier barrier_id(%barrier3A)
    %run_scoped3A = arith.constant 0 : i32
    "tpu.region"() ({
      %run_scoped3A_84 = tpu.sem_alloc : memref<!tpu.dma_semaphore, #tpu.memory_space<semaphore_mem>>
      %dma_start3A_85 = arith.constant 0 : i32
      %dma_start3A_86 = arith.constant 0 : i32
      %dma_start3A_87 = arith.constant 0 : i32
      %dma_start3A_88 = arith.constant 0 : i32
      %dma_start3A_89 = tpu.memref_slice %arg2[%arg0, %dma_start3A_85, %dma_start3A_86, %dma_start3A_87, %dma_start3A_88] : memref<2x16x80x2x128xi32, #tpu.memory_space<hbm>> -> memref<1x16x80x2x128xi32, #tpu.memory_space<hbm>>
      %dma_start3A_90 = tpu.memref_squeeze %dma_start3A_89 : memref<1x16x80x2x128xi32, #tpu.memory_space<hbm>> -> memref<16x80x2x128xi32, #tpu.memory_space<hbm>>
      %dma_start3A_91 = arith.constant 0 : i32
      %dma_start3A_92 = arith.constant 0 : i32
      %dma_start3A_93 = arith.constant 0 : i32
      %dma_start3A_94 = tpu.memref_slice %dma_start3A_90[%arg1, %dma_start3A_91, %dma_start3A_92, %dma_start3A_93] : memref<16x80x2x128xi32, #tpu.memory_space<hbm>> -> memref<1x80x2x128xi32, #tpu.memory_space<hbm>>
      %dma_start3A_95 = tpu.memref_squeeze %dma_start3A_94 : memref<1x80x2x128xi32, #tpu.memory_space<hbm>> -> memref<80x2x128xi32, #tpu.memory_space<hbm>>
      %dma_start3A_96 = arith.constant 0 : i32
      %dma_start3A_97 = arith.constant 0 : i32
      %dma_start3A_98 = tpu.memref_slice %dma_start3A_95[%run_scoped3A, %dma_start3A_96, %dma_start3A_97] : memref<80x2x128xi32, #tpu.memory_space<hbm>> -> memref<1x2x128xi32, #tpu.memory_space<hbm>>
      %dma_start3A_99 = tpu.memref_squeeze %dma_start3A_98 : memref<1x2x128xi32, #tpu.memory_space<hbm>> -> memref<2x128xi32, #tpu.memory_space<hbm>>
      %dma_start3A_100 = arith.constant 0 : i32
      %dma_start3A_101 = arith.constant 0 : i32
      %dma_start3A_102 = arith.constant 0 : i32
      %dma_start3A_103 = arith.constant 0 : i32
      %dma_start3A_104 = tpu.memref_slice %arg2[%arg0, %dma_start3A_100, %dma_start3A_101, %dma_start3A_102, %dma_start3A_103] : memref<2x16x80x2x128xi32, #tpu.memory_space<hbm>> -> memref<1x16x80x2x128xi32, #tpu.memory_space<hbm>>
      %dma_start3A_105 = tpu.memref_squeeze %dma_start3A_104 : memref<1x16x80x2x128xi32, #tpu.memory_space<hbm>> -> memref<16x80x2x128xi32, #tpu.memory_space<hbm>>
      %dma_start3A_106 = arith.constant 0 : i32
      %dma_start3A_107 = arith.constant 0 : i32
      %dma_start3A_108 = arith.constant 0 : i32
      %dma_start3A_109 = tpu.memref_slice %dma_start3A_105[%arg1, %dma_start3A_106, %dma_start3A_107, %dma_start3A_108] : memref<16x80x2x128xi32, #tpu.memory_space<hbm>> -> memref<1x80x2x128xi32, #tpu.memory_space<hbm>>
      %dma_start3A_110 = tpu.memref_squeeze %dma_start3A_109 : memref<1x80x2x128xi32, #tpu.memory_space<hbm>> -> memref<80x2x128xi32, #tpu.memory_space<hbm>>
      %dma_start3A_111 = arith.constant 0 : i32
      %dma_start3A_112 = arith.constant 0 : i32
      %dma_start3A_113 = tpu.memref_slice %dma_start3A_110[%run_scoped3A, %dma_start3A_111, %dma_start3A_112] : memref<80x2x128xi32, #tpu.memory_space<hbm>> -> memref<1x2x128xi32, #tpu.memory_space<hbm>>
      %dma_start3A_114 = tpu.memref_squeeze %dma_start3A_113 : memref<1x2x128xi32, #tpu.memory_space<hbm>> -> memref<2x128xi32, #tpu.memory_space<hbm>>
      tpu.enqueue_dma source(%dma_start3A_114 : memref<2x128xi32, #tpu.memory_space<hbm>>) target(%arg6 : memref<2x128xi32, #tpu.memory_space<vmem>>) target_semaphore(%run_scoped3A_84 : memref<!tpu.dma_semaphore, #tpu.memory_space<semaphore_mem>>)
      %dma_wait3A_115 = arith.constant 0 : i32
      %dma_wait3A_116 = arith.constant 0 : i32
      %dma_wait3A_117 = arith.constant 0 : i32
      %dma_wait3A_118 = arith.constant 0 : i32
      %dma_wait3A_119 = tpu.memref_slice %arg2[%arg0, %dma_wait3A_115, %dma_wait3A_116, %dma_wait3A_117, %dma_wait3A_118] : memref<2x16x80x2x128xi32, #tpu.memory_space<hbm>> -> memref<1x16x80x2x128xi32, #tpu.memory_space<hbm>>
      %dma_wait3A_120 = tpu.memref_squeeze %dma_wait3A_119 : memref<1x16x80x2x128xi32, #tpu.memory_space<hbm>> -> memref<16x80x2x128xi32, #tpu.memory_space<hbm>>
      %dma_wait3A_121 = arith.constant 0 : i32
      %dma_wait3A_122 = arith.constant 0 : i32
      %dma_wait3A_123 = arith.constant 0 : i32
      %dma_wait3A_124 = tpu.memref_slice %dma_wait3A_120[%arg1, %dma_wait3A_121, %dma_wait3A_122, %dma_wait3A_123] : memref<16x80x2x128xi32, #tpu.memory_space<hbm>> -> memref<1x80x2x128xi32, #tpu.memory_space<hbm>>
      %dma_wait3A_125 = tpu.memref_squeeze %dma_wait3A_124 : memref<1x80x2x128xi32, #tpu.memory_space<hbm>> -> memref<80x2x128xi32, #tpu.memory_space<hbm>>
      %dma_wait3A_126 = arith.constant 0 : i32
      %dma_wait3A_127 = arith.constant 0 : i32
      %dma_wait3A_128 = tpu.memref_slice %dma_wait3A_125[%run_scoped3A, %dma_wait3A_126, %dma_wait3A_127] : memref<80x2x128xi32, #tpu.memory_space<hbm>> -> memref<1x2x128xi32, #tpu.memory_space<hbm>>
      %dma_wait3A_129 = tpu.memref_squeeze %dma_wait3A_128 : memref<1x2x128xi32, #tpu.memory_space<hbm>> -> memref<2x128xi32, #tpu.memory_space<hbm>>
      %dma_wait3A_130 = arith.constant 0 : i32
      %dma_wait3A_131 = arith.constant 0 : i32
      %dma_wait3A_132 = arith.constant 0 : i32
      %dma_wait3A_133 = arith.constant 0 : i32
      %dma_wait3A_134 = tpu.memref_slice %arg2[%arg0, %dma_wait3A_130, %dma_wait3A_131, %dma_wait3A_132, %dma_wait3A_133] : memref<2x16x80x2x128xi32, #tpu.memory_space<hbm>> -> memref<1x16x80x2x128xi32, #tpu.memory_space<hbm>>
      %dma_wait3A_135 = tpu.memref_squeeze %dma_wait3A_134 : memref<1x16x80x2x128xi32, #tpu.memory_space<hbm>> -> memref<16x80x2x128xi32, #tpu.memory_space<hbm>>
      %dma_wait3A_136 = arith.constant 0 : i32
      %dma_wait3A_137 = arith.constant 0 : i32
      %dma_wait3A_138 = arith.constant 0 : i32
      %dma_wait3A_139 = tpu.memref_slice %dma_wait3A_135[%arg1, %dma_wait3A_136, %dma_wait3A_137, %dma_wait3A_138] : memref<16x80x2x128xi32, #tpu.memory_space<hbm>> -> memref<1x80x2x128xi32, #tpu.memory_space<hbm>>
      %dma_wait3A_140 = tpu.memref_squeeze %dma_wait3A_139 : memref<1x80x2x128xi32, #tpu.memory_space<hbm>> -> memref<80x2x128xi32, #tpu.memory_space<hbm>>
      %dma_wait3A_141 = arith.constant 0 : i32
      %dma_wait3A_142 = arith.constant 0 : i32
      %dma_wait3A_143 = tpu.memref_slice %dma_wait3A_140[%run_scoped3A, %dma_wait3A_141, %dma_wait3A_142] : memref<80x2x128xi32, #tpu.memory_space<hbm>> -> memref<1x2x128xi32, #tpu.memory_space<hbm>>
      %dma_wait3A_144 = tpu.memref_squeeze %dma_wait3A_143 : memref<1x2x128xi32, #tpu.memory_space<hbm>> -> memref<2x128xi32, #tpu.memory_space<hbm>>
      tpu.wait_dma2 semaphore(%run_scoped3A_84 : memref<!tpu.dma_semaphore, #tpu.memory_space<semaphore_mem>>) src(%dma_wait3A_144 : memref<2x128xi32, #tpu.memory_space<hbm>>) dst(%arg6 : memref<2x128xi32, #tpu.memory_space<vmem>>)
      tpu.yield
    }) : () -> ()
    %dma_start3A = arith.constant 0 : i32
    %dma_start3A_18 = arith.constant 0 : i32
    %dma_start3A_19 = tpu.memref_slice %arg6[%dma_start3A, %dma_start3A_18] : memref<2x128xi32, #tpu.memory_space<vmem>> -> memref<1x128xi32, #tpu.memory_space<vmem>>
    %dma_start3A_20 = tpu.memref_squeeze %dma_start3A_19 : memref<1x128xi32, #tpu.memory_space<vmem>> -> memref<128xi32, #tpu.memory_space<vmem>>
    %dma_start3A_21 = arith.constant 0 : i32
    %dma_start3A_22 = arith.constant 0 : i32
    %dma_start3A_23 = tpu.memref_slice %arg3[%dma_start3A_21, %dma_start3A_22] : memref<10000x128xf32, #tpu.memory_space<hbm>> -> memref<10000x128xf32, #tpu.memory_space<hbm>>
    tpu.enqueue_indirect_dma source(%dma_start3A_23 : memref<10000x128xf32, #tpu.memory_space<hbm>>) target(%arg8 : memref<128x128xf32, #tpu.memory_space<vmem>>) offsets(%dma_start3A_20 : memref<128xi32, #tpu.memory_space<vmem>>) semaphore(%arg11 : memref<!tpu.dma_semaphore, #tpu.memory_space<semaphore_mem>>)
    %run_scoped3A_24 = arith.constant 1 : i32
    "tpu.region"() ({
      %run_scoped3A_84 = tpu.sem_alloc : memref<!tpu.dma_semaphore, #tpu.memory_space<semaphore_mem>>
      %dma_start3A_85 = arith.constant 0 : i32
      %dma_start3A_86 = arith.constant 0 : i32
      %dma_start3A_87 = arith.constant 0 : i32
      %dma_start3A_88 = arith.constant 0 : i32
      %dma_start3A_89 = tpu.memref_slice %arg2[%arg0, %dma_start3A_85, %dma_start3A_86, %dma_start3A_87, %dma_start3A_88] : memref<2x16x80x2x128xi32, #tpu.memory_space<hbm>> -> memref<1x16x80x2x128xi32, #tpu.memory_space<hbm>>
      %dma_start3A_90 = tpu.memref_squeeze %dma_start3A_89 : memref<1x16x80x2x128xi32, #tpu.memory_space<hbm>> -> memref<16x80x2x128xi32, #tpu.memory_space<hbm>>
      %dma_start3A_91 = arith.constant 0 : i32
      %dma_start3A_92 = arith.constant 0 : i32
      %dma_start3A_93 = arith.constant 0 : i32
      %dma_start3A_94 = tpu.memref_slice %dma_start3A_90[%arg1, %dma_start3A_91, %dma_start3A_92, %dma_start3A_93] : memref<16x80x2x128xi32, #tpu.memory_space<hbm>> -> memref<1x80x2x128xi32, #tpu.memory_space<hbm>>
      %dma_start3A_95 = tpu.memref_squeeze %dma_start3A_94 : memref<1x80x2x128xi32, #tpu.memory_space<hbm>> -> memref<80x2x128xi32, #tpu.memory_space<hbm>>
      %dma_start3A_96 = arith.constant 0 : i32
      %dma_start3A_97 = arith.constant 0 : i32
      %dma_start3A_98 = tpu.memref_slice %dma_start3A_95[%run_scoped3A_24, %dma_start3A_96, %dma_start3A_97] : memref<80x2x128xi32, #tpu.memory_space<hbm>> -> memref<1x2x128xi32, #tpu.memory_space<hbm>>
      %dma_start3A_99 = tpu.memref_squeeze %dma_start3A_98 : memref<1x2x128xi32, #tpu.memory_space<hbm>> -> memref<2x128xi32, #tpu.memory_space<hbm>>
      %dma_start3A_100 = arith.constant 0 : i32
      %dma_start3A_101 = arith.constant 0 : i32
      %dma_start3A_102 = arith.constant 0 : i32
      %dma_start3A_103 = arith.constant 0 : i32
      %dma_start3A_104 = tpu.memref_slice %arg2[%arg0, %dma_start3A_100, %dma_start3A_101, %dma_start3A_102, %dma_start3A_103] : memref<2x16x80x2x128xi32, #tpu.memory_space<hbm>> -> memref<1x16x80x2x128xi32, #tpu.memory_space<hbm>>
      %dma_start3A_105 = tpu.memref_squeeze %dma_start3A_104 : memref<1x16x80x2x128xi32, #tpu.memory_space<hbm>> -> memref<16x80x2x128xi32, #tpu.memory_space<hbm>>
      %dma_start3A_106 = arith.constant 0 : i32
      %dma_start3A_107 = arith.constant 0 : i32
      %dma_start3A_108 = arith.constant 0 : i32
      %dma_start3A_109 = tpu.memref_slice %dma_start3A_105[%arg1, %dma_start3A_106, %dma_start3A_107, %dma_start3A_108] : memref<16x80x2x128xi32, #tpu.memory_space<hbm>> -> memref<1x80x2x128xi32, #tpu.memory_space<hbm>>
      %dma_start3A_110 = tpu.memref_squeeze %dma_start3A_109 : memref<1x80x2x128xi32, #tpu.memory_space<hbm>> -> memref<80x2x128xi32, #tpu.memory_space<hbm>>
      %dma_start3A_111 = arith.constant 0 : i32
      %dma_start3A_112 = arith.constant 0 : i32
      %dma_start3A_113 = tpu.memref_slice %dma_start3A_110[%run_scoped3A_24, %dma_start3A_111, %dma_start3A_112] : memref<80x2x128xi32, #tpu.memory_space<hbm>> -> memref<1x2x128xi32, #tpu.memory_space<hbm>>
      %dma_start3A_114 = tpu.memref_squeeze %dma_start3A_113 : memref<1x2x128xi32, #tpu.memory_space<hbm>> -> memref<2x128xi32, #tpu.memory_space<hbm>>
      tpu.enqueue_dma source(%dma_start3A_114 : memref<2x128xi32, #tpu.memory_space<hbm>>) target(%arg7 : memref<2x128xi32, #tpu.memory_space<vmem>>) target_semaphore(%run_scoped3A_84 : memref<!tpu.dma_semaphore, #tpu.memory_space<semaphore_mem>>)
      %dma_wait3A_115 = arith.constant 0 : i32
      %dma_wait3A_116 = arith.constant 0 : i32
      %dma_wait3A_117 = arith.constant 0 : i32
      %dma_wait3A_118 = arith.constant 0 : i32
      %dma_wait3A_119 = tpu.memref_slice %arg2[%arg0, %dma_wait3A_115, %dma_wait3A_116, %dma_wait3A_117, %dma_wait3A_118] : memref<2x16x80x2x128xi32, #tpu.memory_space<hbm>> -> memref<1x16x80x2x128xi32, #tpu.memory_space<hbm>>
      %dma_wait3A_120 = tpu.memref_squeeze %dma_wait3A_119 : memref<1x16x80x2x128xi32, #tpu.memory_space<hbm>> -> memref<16x80x2x128xi32, #tpu.memory_space<hbm>>
      %dma_wait3A_121 = arith.constant 0 : i32
      %dma_wait3A_122 = arith.constant 0 : i32
      %dma_wait3A_123 = arith.constant 0 : i32
      %dma_wait3A_124 = tpu.memref_slice %dma_wait3A_120[%arg1, %dma_wait3A_121, %dma_wait3A_122, %dma_wait3A_123] : memref<16x80x2x128xi32, #tpu.memory_space<hbm>> -> memref<1x80x2x128xi32, #tpu.memory_space<hbm>>
      %dma_wait3A_125 = tpu.memref_squeeze %dma_wait3A_124 : memref<1x80x2x128xi32, #tpu.memory_space<hbm>> -> memref<80x2x128xi32, #tpu.memory_space<hbm>>
      %dma_wait3A_126 = arith.constant 0 : i32
      %dma_wait3A_127 = arith.constant 0 : i32
      %dma_wait3A_128 = tpu.memref_slice %dma_wait3A_125[%run_scoped3A_24, %dma_wait3A_126, %dma_wait3A_127] : memref<80x2x128xi32, #tpu.memory_space<hbm>> -> memref<1x2x128xi32, #tpu.memory_space<hbm>>
      %dma_wait3A_129 = tpu.memref_squeeze %dma_wait3A_128 : memref<1x2x128xi32, #tpu.memory_space<hbm>> -> memref<2x128xi32, #tpu.memory_space<hbm>>
      %dma_wait3A_130 = arith.constant 0 : i32
      %dma_wait3A_131 = arith.constant 0 : i32
      %dma_wait3A_132 = arith.constant 0 : i32
      %dma_wait3A_133 = arith.constant 0 : i32
      %dma_wait3A_134 = tpu.memref_slice %arg2[%arg0, %dma_wait3A_130, %dma_wait3A_131, %dma_wait3A_132, %dma_wait3A_133] : memref<2x16x80x2x128xi32, #tpu.memory_space<hbm>> -> memref<1x16x80x2x128xi32, #tpu.memory_space<hbm>>
      %dma_wait3A_135 = tpu.memref_squeeze %dma_wait3A_134 : memref<1x16x80x2x128xi32, #tpu.memory_space<hbm>> -> memref<16x80x2x128xi32, #tpu.memory_space<hbm>>
      %dma_wait3A_136 = arith.constant 0 : i32
      %dma_wait3A_137 = arith.constant 0 : i32
      %dma_wait3A_138 = arith.constant 0 : i32
      %dma_wait3A_139 = tpu.memref_slice %dma_wait3A_135[%arg1, %dma_wait3A_136, %dma_wait3A_137, %dma_wait3A_138] : memref<16x80x2x128xi32, #tpu.memory_space<hbm>> -> memref<1x80x2x128xi32, #tpu.memory_space<hbm>>
      %dma_wait3A_140 = tpu.memref_squeeze %dma_wait3A_139 : memref<1x80x2x128xi32, #tpu.memory_space<hbm>> -> memref<80x2x128xi32, #tpu.memory_space<hbm>>
      %dma_wait3A_141 = arith.constant 0 : i32
      %dma_wait3A_142 = arith.constant 0 : i32
      %dma_wait3A_143 = tpu.memref_slice %dma_wait3A_140[%run_scoped3A_24, %dma_wait3A_141, %dma_wait3A_142] : memref<80x2x128xi32, #tpu.memory_space<hbm>> -> memref<1x2x128xi32, #tpu.memory_space<hbm>>
      %dma_wait3A_144 = tpu.memref_squeeze %dma_wait3A_143 : memref<1x2x128xi32, #tpu.memory_space<hbm>> -> memref<2x128xi32, #tpu.memory_space<hbm>>
      tpu.wait_dma2 semaphore(%run_scoped3A_84 : memref<!tpu.dma_semaphore, #tpu.memory_space<semaphore_mem>>) src(%dma_wait3A_144 : memref<2x128xi32, #tpu.memory_space<hbm>>) dst(%arg7 : memref<2x128xi32, #tpu.memory_space<vmem>>)
      tpu.yield
    }) : () -> ()
    %dma_wait3A = arith.constant 0 : i32
    %dma_wait3A_25 = arith.constant 0 : i32
    %dma_wait3A_26 = tpu.memref_slice %arg6[%dma_wait3A, %dma_wait3A_25] : memref<2x128xi32, #tpu.memory_space<vmem>> -> memref<1x128xi32, #tpu.memory_space<vmem>>
    %dma_wait3A_27 = tpu.memref_squeeze %dma_wait3A_26 : memref<1x128xi32, #tpu.memory_space<vmem>> -> memref<128xi32, #tpu.memory_space<vmem>>
    %dma_wait3A_28 = arith.constant 0 : i32
    %dma_wait3A_29 = arith.constant 0 : i32
    %dma_wait3A_30 = tpu.memref_slice %arg3[%dma_wait3A_28, %dma_wait3A_29] : memref<10000x128xf32, #tpu.memory_space<hbm>> -> memref<10000x128xf32, #tpu.memory_space<hbm>>
    tpu.wait_indirect_dma semaphore(%arg11 : memref<!tpu.dma_semaphore, #tpu.memory_space<semaphore_mem>>) src(%dma_wait3A_30 : memref<10000x128xf32, #tpu.memory_space<hbm>>) dst(%arg8 : memref<128x128xf32, #tpu.memory_space<vmem>>)
    %dma_start3A_31 = arith.constant 0 : i32
    %dma_start3A_32 = arith.constant 0 : i32
    %dma_start3A_33 = tpu.memref_slice %arg7[%dma_start3A_31, %dma_start3A_32] : memref<2x128xi32, #tpu.memory_space<vmem>> -> memref<1x128xi32, #tpu.memory_space<vmem>>
    %dma_start3A_34 = tpu.memref_squeeze %dma_start3A_33 : memref<1x128xi32, #tpu.memory_space<vmem>> -> memref<128xi32, #tpu.memory_space<vmem>>
    %dma_start3A_35 = arith.constant 0 : i32
    %dma_start3A_36 = arith.constant 0 : i32
    %dma_start3A_37 = tpu.memref_slice %arg3[%dma_start3A_35, %dma_start3A_36] : memref<10000x128xf32, #tpu.memory_space<hbm>> -> memref<10000x128xf32, #tpu.memory_space<hbm>>
    tpu.enqueue_indirect_dma source(%dma_start3A_37 : memref<10000x128xf32, #tpu.memory_space<hbm>>) target(%arg9 : memref<128x128xf32, #tpu.memory_space<vmem>>) offsets(%dma_start3A_34 : memref<128xi32, #tpu.memory_space<vmem>>) semaphore(%arg12 : memref<!tpu.dma_semaphore, #tpu.memory_space<semaphore_mem>>)
    %dma_start3A_38 = arith.constant 1 : i32
    %dma_start3A_39 = arith.constant 0 : i32
    %dma_start3A_40 = tpu.memref_slice %arg6[%dma_start3A_38, %dma_start3A_39] : memref<2x128xi32, #tpu.memory_space<vmem>> -> memref<1x128xi32, #tpu.memory_space<vmem>>
    %dma_start3A_41 = tpu.memref_squeeze %dma_start3A_40 : memref<1x128xi32, #tpu.memory_space<vmem>> -> memref<128xi32, #tpu.memory_space<vmem>>
    %dma_start3A_42 = arith.constant 0 : i32
    %dma_start3A_43 = arith.constant 0 : i32
    %dma_start3A_44 = tpu.memref_slice %arg10[%dma_start3A_42, %dma_start3A_43] : memref<10112x128xf32, #tpu.memory_space<vmem_shared>> -> memref<10112x128xf32, #tpu.memory_space<vmem_shared>>
    tpu.enqueue_indirect_dma source(%arg8 : memref<128x128xf32, #tpu.memory_space<vmem>>) target(%dma_start3A_44 : memref<10112x128xf32, #tpu.memory_space<vmem_shared>>) offsets(%dma_start3A_41 : memref<128xi32, #tpu.memory_space<vmem>>) semaphore(%arg13 : memref<!tpu.dma_semaphore, #tpu.memory_space<semaphore_mem>>) {add = true}
    %scan3A = arith.constant 0 : i32
    %scan3A_45 = arith.constant 0 : i32
    %scan3A_46 = arith.constant 39 : i32
    %scan3A_47 = arith.addi %scan3A_45, %scan3A_46 : i32
    %scan3A_48 = arith.constant 1 : i32
    scf.for %scan3A_84 = %scan3A_45 to %scan3A_47 step %scan3A_48  : i32 {
      %mul3A_85 = arith.constant 2 : i32
      %mul3A_86 = arith.muli %mul3A_85, %scan3A_84 : i32
      %add3A_87 = arith.constant 1 : i32
      %add3A_88 = arith.addi %mul3A_86, %add3A_87 : i32
      %dma_wait3A_89 = arith.constant 1 : i32
      %dma_wait3A_90 = arith.constant 0 : i32
      %dma_wait3A_91 = tpu.memref_slice %arg6[%dma_wait3A_89, %dma_wait3A_90] : memref<2x128xi32, #tpu.memory_space<vmem>> -> memref<1x128xi32, #tpu.memory_space<vmem>>
      %dma_wait3A_92 = tpu.memref_squeeze %dma_wait3A_91 : memref<1x128xi32, #tpu.memory_space<vmem>> -> memref<128xi32, #tpu.memory_space<vmem>>
      %dma_wait3A_93 = arith.constant 0 : i32
      %dma_wait3A_94 = arith.constant 0 : i32
      %dma_wait3A_95 = tpu.memref_slice %arg10[%dma_wait3A_93, %dma_wait3A_94] : memref<10112x128xf32, #tpu.memory_space<vmem_shared>> -> memref<10112x128xf32, #tpu.memory_space<vmem_shared>>
      tpu.wait_indirect_dma semaphore(%arg13 : memref<!tpu.dma_semaphore, #tpu.memory_space<semaphore_mem>>) src(%arg8 : memref<128x128xf32, #tpu.memory_space<vmem>>) dst(%dma_wait3A_95 : memref<10112x128xf32, #tpu.memory_space<vmem_shared>>)
      %add3A_96 = arith.constant 1 : i32
      %add3A_97 = arith.addi %add3A_88, %add3A_96 : i32
      "tpu.region"() ({
        %run_scoped3A_151 = tpu.sem_alloc : memref<!tpu.dma_semaphore, #tpu.memory_space<semaphore_mem>>
        %dma_start3A_152 = arith.constant 0 : i32
        %dma_start3A_153 = arith.constant 0 : i32
        %dma_start3A_154 = arith.constant 0 : i32
        %dma_start3A_155 = arith.constant 0 : i32
        %dma_start3A_156 = tpu.memref_slice %arg2[%arg0, %dma_start3A_152, %dma_start3A_153, %dma_start3A_154, %dma_start3A_155] : memref<2x16x80x2x128xi32, #tpu.memory_space<hbm>> -> memref<1x16x80x2x128xi32, #tpu.memory_space<hbm>>
        %dma_start3A_157 = tpu.memref_squeeze %dma_start3A_156 : memref<1x16x80x2x128xi32, #tpu.memory_space<hbm>> -> memref<16x80x2x128xi32, #tpu.memory_space<hbm>>
        %dma_start3A_158 = arith.constant 0 : i32
        %dma_start3A_159 = arith.constant 0 : i32
        %dma_start3A_160 = arith.constant 0 : i32
        %dma_start3A_161 = tpu.memref_slice %dma_start3A_157[%arg1, %dma_start3A_158, %dma_start3A_159, %dma_start3A_160] : memref<16x80x2x128xi32, #tpu.memory_space<hbm>> -> memref<1x80x2x128xi32, #tpu.memory_space<hbm>>
        %dma_start3A_162 = tpu.memref_squeeze %dma_start3A_161 : memref<1x80x2x128xi32, #tpu.memory_space<hbm>> -> memref<80x2x128xi32, #tpu.memory_space<hbm>>
        %dma_start3A_163 = arith.constant 0 : i32
        %dma_start3A_164 = arith.constant 0 : i32
        %dma_start3A_165 = tpu.memref_slice %dma_start3A_162[%add3A_97, %dma_start3A_163, %dma_start3A_164] : memref<80x2x128xi32, #tpu.memory_space<hbm>> -> memref<1x2x128xi32, #tpu.memory_space<hbm>>
        %dma_start3A_166 = tpu.memref_squeeze %dma_start3A_165 : memref<1x2x128xi32, #tpu.memory_space<hbm>> -> memref<2x128xi32, #tpu.memory_space<hbm>>
        %dma_start3A_167 = arith.constant 0 : i32
        %dma_start3A_168 = arith.constant 0 : i32
        %dma_start3A_169 = arith.constant 0 : i32
        %dma_start3A_170 = arith.constant 0 : i32
        %dma_start3A_171 = tpu.memref_slice %arg2[%arg0, %dma_start3A_167, %dma_start3A_168, %dma_start3A_169, %dma_start3A_170] : memref<2x16x80x2x128xi32, #tpu.memory_space<hbm>> -> memref<1x16x80x2x128xi32, #tpu.memory_space<hbm>>
        %dma_start3A_172 = tpu.memref_squeeze %dma_start3A_171 : memref<1x16x80x2x128xi32, #tpu.memory_space<hbm>> -> memref<16x80x2x128xi32, #tpu.memory_space<hbm>>
        %dma_start3A_173 = arith.constant 0 : i32
        %dma_start3A_174 = arith.constant 0 : i32
        %dma_start3A_175 = arith.constant 0 : i32
        %dma_start3A_176 = tpu.memref_slice %dma_start3A_172[%arg1, %dma_start3A_173, %dma_start3A_174, %dma_start3A_175] : memref<16x80x2x128xi32, #tpu.memory_space<hbm>> -> memref<1x80x2x128xi32, #tpu.memory_space<hbm>>
        %dma_start3A_177 = tpu.memref_squeeze %dma_start3A_176 : memref<1x80x2x128xi32, #tpu.memory_space<hbm>> -> memref<80x2x128xi32, #tpu.memory_space<hbm>>
        %dma_start3A_178 = arith.constant 0 : i32
        %dma_start3A_179 = arith.constant 0 : i32
        %dma_start3A_180 = tpu.memref_slice %dma_start3A_177[%add3A_97, %dma_start3A_178, %dma_start3A_179] : memref<80x2x128xi32, #tpu.memory_space<hbm>> -> memref<1x2x128xi32, #tpu.memory_space<hbm>>
        %dma_start3A_181 = tpu.memref_squeeze %dma_start3A_180 : memref<1x2x128xi32, #tpu.memory_space<hbm>> -> memref<2x128xi32, #tpu.memory_space<hbm>>
        tpu.enqueue_dma source(%dma_start3A_181 : memref<2x128xi32, #tpu.memory_space<hbm>>) target(%arg6 : memref<2x128xi32, #tpu.memory_space<vmem>>) target_semaphore(%run_scoped3A_151 : memref<!tpu.dma_semaphore, #tpu.memory_space<semaphore_mem>>)
        %dma_wait3A_182 = arith.constant 0 : i32
        %dma_wait3A_183 = arith.constant 0 : i32
        %dma_wait3A_184 = arith.constant 0 : i32
        %dma_wait3A_185 = arith.constant 0 : i32
        %dma_wait3A_186 = tpu.memref_slice %arg2[%arg0, %dma_wait3A_182, %dma_wait3A_183, %dma_wait3A_184, %dma_wait3A_185] : memref<2x16x80x2x128xi32, #tpu.memory_space<hbm>> -> memref<1x16x80x2x128xi32, #tpu.memory_space<hbm>>
        %dma_wait3A_187 = tpu.memref_squeeze %dma_wait3A_186 : memref<1x16x80x2x128xi32, #tpu.memory_space<hbm>> -> memref<16x80x2x128xi32, #tpu.memory_space<hbm>>
        %dma_wait3A_188 = arith.constant 0 : i32
        %dma_wait3A_189 = arith.constant 0 : i32
        %dma_wait3A_190 = arith.constant 0 : i32
        %dma_wait3A_191 = tpu.memref_slice %dma_wait3A_187[%arg1, %dma_wait3A_188, %dma_wait3A_189, %dma_wait3A_190] : memref<16x80x2x128xi32, #tpu.memory_space<hbm>> -> memref<1x80x2x128xi32, #tpu.memory_space<hbm>>
        %dma_wait3A_192 = tpu.memref_squeeze %dma_wait3A_191 : memref<1x80x2x128xi32, #tpu.memory_space<hbm>> -> memref<80x2x128xi32, #tpu.memory_space<hbm>>
        %dma_wait3A_193 = arith.constant 0 : i32
        %dma_wait3A_194 = arith.constant 0 : i32
        %dma_wait3A_195 = tpu.memref_slice %dma_wait3A_192[%add3A_97, %dma_wait3A_193, %dma_wait3A_194] : memref<80x2x128xi32, #tpu.memory_space<hbm>> -> memref<1x2x128xi32, #tpu.memory_space<hbm>>
        %dma_wait3A_196 = tpu.memref_squeeze %dma_wait3A_195 : memref<1x2x128xi32, #tpu.memory_space<hbm>> -> memref<2x128xi32, #tpu.memory_space<hbm>>
        %dma_wait3A_197 = arith.constant 0 : i32
        %dma_wait3A_198 = arith.constant 0 : i32
        %dma_wait3A_199 = arith.constant 0 : i32
        %dma_wait3A_200 = arith.constant 0 : i32
        %dma_wait3A_201 = tpu.memref_slice %arg2[%arg0, %dma_wait3A_197, %dma_wait3A_198, %dma_wait3A_199, %dma_wait3A_200] : memref<2x16x80x2x128xi32, #tpu.memory_space<hbm>> -> memref<1x16x80x2x128xi32, #tpu.memory_space<hbm>>
        %dma_wait3A_202 = tpu.memref_squeeze %dma_wait3A_201 : memref<1x16x80x2x128xi32, #tpu.memory_space<hbm>> -> memref<16x80x2x128xi32, #tpu.memory_space<hbm>>
        %dma_wait3A_203 = arith.constant 0 : i32
        %dma_wait3A_204 = arith.constant 0 : i32
        %dma_wait3A_205 = arith.constant 0 : i32
        %dma_wait3A_206 = tpu.memref_slice %dma_wait3A_202[%arg1, %dma_wait3A_203, %dma_wait3A_204, %dma_wait3A_205] : memref<16x80x2x128xi32, #tpu.memory_space<hbm>> -> memref<1x80x2x128xi32, #tpu.memory_space<hbm>>
        %dma_wait3A_207 = tpu.memref_squeeze %dma_wait3A_206 : memref<1x80x2x128xi32, #tpu.memory_space<hbm>> -> memref<80x2x128xi32, #tpu.memory_space<hbm>>
        %dma_wait3A_208 = arith.constant 0 : i32
        %dma_wait3A_209 = arith.constant 0 : i32
        %dma_wait3A_210 = tpu.memref_slice %dma_wait3A_207[%add3A_97, %dma_wait3A_208, %dma_wait3A_209] : memref<80x2x128xi32, #tpu.memory_space<hbm>> -> memref<1x2x128xi32, #tpu.memory_space<hbm>>
        %dma_wait3A_211 = tpu.memref_squeeze %dma_wait3A_210 : memref<1x2x128xi32, #tpu.memory_space<hbm>> -> memref<2x128xi32, #tpu.memory_space<hbm>>
        tpu.wait_dma2 semaphore(%run_scoped3A_151 : memref<!tpu.dma_semaphore, #tpu.memory_space<semaphore_mem>>) src(%dma_wait3A_211 : memref<2x128xi32, #tpu.memory_space<hbm>>) dst(%arg6 : memref<2x128xi32, #tpu.memory_space<vmem>>)
        tpu.yield
      }) : () -> ()
      %dma_wait3A_98 = arith.constant 0 : i32
      %dma_wait3A_99 = arith.constant 0 : i32
      %dma_wait3A_100 = tpu.memref_slice %arg7[%dma_wait3A_98, %dma_wait3A_99] : memref<2x128xi32, #tpu.memory_space<vmem>> -> memref<1x128xi32, #tpu.memory_space<vmem>>
      %dma_wait3A_101 = tpu.memref_squeeze %dma_wait3A_100 : memref<1x128xi32, #tpu.memory_space<vmem>> -> memref<128xi32, #tpu.memory_space<vmem>>
      %dma_wait3A_102 = arith.constant 0 : i32
      %dma_wait3A_103 = arith.constant 0 : i32
      %dma_wait3A_104 = tpu.memref_slice %arg3[%dma_wait3A_102, %dma_wait3A_103] : memref<10000x128xf32, #tpu.memory_space<hbm>> -> memref<10000x128xf32, #tpu.memory_space<hbm>>
      tpu.wait_indirect_dma semaphore(%arg12 : memref<!tpu.dma_semaphore, #tpu.memory_space<semaphore_mem>>) src(%dma_wait3A_104 : memref<10000x128xf32, #tpu.memory_space<hbm>>) dst(%arg9 : memref<128x128xf32, #tpu.memory_space<vmem>>)
      %dma_start3A_105 = arith.constant 0 : i32
      %dma_start3A_106 = arith.constant 0 : i32
      %dma_start3A_107 = tpu.memref_slice %arg6[%dma_start3A_105, %dma_start3A_106] : memref<2x128xi32, #tpu.memory_space<vmem>> -> memref<1x128xi32, #tpu.memory_space<vmem>>
      %dma_start3A_108 = tpu.memref_squeeze %dma_start3A_107 : memref<1x128xi32, #tpu.memory_space<vmem>> -> memref<128xi32, #tpu.memory_space<vmem>>
      %dma_start3A_109 = arith.constant 0 : i32
      %dma_start3A_110 = arith.constant 0 : i32
      %dma_start3A_111 = tpu.memref_slice %arg3[%dma_start3A_109, %dma_start3A_110] : memref<10000x128xf32, #tpu.memory_space<hbm>> -> memref<10000x128xf32, #tpu.memory_space<hbm>>
      tpu.enqueue_indirect_dma source(%dma_start3A_111 : memref<10000x128xf32, #tpu.memory_space<hbm>>) target(%arg8 : memref<128x128xf32, #tpu.memory_space<vmem>>) offsets(%dma_start3A_108 : memref<128xi32, #tpu.memory_space<vmem>>) semaphore(%arg11 : memref<!tpu.dma_semaphore, #tpu.memory_space<semaphore_mem>>)
      %dma_start3A_112 = arith.constant 1 : i32
      %dma_start3A_113 = arith.constant 0 : i32
      %dma_start3A_114 = tpu.memref_slice %arg7[%dma_start3A_112, %dma_start3A_113] : memref<2x128xi32, #tpu.memory_space<vmem>> -> memref<1x128xi32, #tpu.memory_space<vmem>>
      %dma_start3A_115 = tpu.memref_squeeze %dma_start3A_114 : memref<1x128xi32, #tpu.memory_space<vmem>> -> memref<128xi32, #tpu.memory_space<vmem>>
      %dma_start3A_116 = arith.constant 0 : i32
      %dma_start3A_117 = arith.constant 0 : i32
      %dma_start3A_118 = tpu.memref_slice %arg10[%dma_start3A_116, %dma_start3A_117] : memref<10112x128xf32, #tpu.memory_space<vmem_shared>> -> memref<10112x128xf32, #tpu.memory_space<vmem_shared>>
      tpu.enqueue_indirect_dma source(%arg9 : memref<128x128xf32, #tpu.memory_space<vmem>>) target(%dma_start3A_118 : memref<10112x128xf32, #tpu.memory_space<vmem_shared>>) offsets(%dma_start3A_115 : memref<128xi32, #tpu.memory_space<vmem>>) semaphore(%arg14 : memref<!tpu.dma_semaphore, #tpu.memory_space<semaphore_mem>>) {add = true}
      %add3A_119 = arith.constant 1 : i32
      %add3A_120 = arith.addi %add3A_88, %add3A_119 : i32
      %dma_wait3A_121 = arith.constant 1 : i32
      %dma_wait3A_122 = arith.constant 0 : i32
      %dma_wait3A_123 = tpu.memref_slice %arg7[%dma_wait3A_121, %dma_wait3A_122] : memref<2x128xi32, #tpu.memory_space<vmem>> -> memref<1x128xi32, #tpu.memory_space<vmem>>
      %dma_wait3A_124 = tpu.memref_squeeze %dma_wait3A_123 : memref<1x128xi32, #tpu.memory_space<vmem>> -> memref<128xi32, #tpu.memory_space<vmem>>
      %dma_wait3A_125 = arith.constant 0 : i32
      %dma_wait3A_126 = arith.constant 0 : i32
      %dma_wait3A_127 = tpu.memref_slice %arg10[%dma_wait3A_125, %dma_wait3A_126] : memref<10112x128xf32, #tpu.memory_space<vmem_shared>> -> memref<10112x128xf32, #tpu.memory_space<vmem_shared>>
      tpu.wait_indirect_dma semaphore(%arg14 : memref<!tpu.dma_semaphore, #tpu.memory_space<semaphore_mem>>) src(%arg9 : memref<128x128xf32, #tpu.memory_space<vmem>>) dst(%dma_wait3A_127 : memref<10112x128xf32, #tpu.memory_space<vmem_shared>>)
      %add3A_128 = arith.constant 1 : i32
      %add3A_129 = arith.addi %add3A_120, %add3A_128 : i32
      "tpu.region"() ({
        %run_scoped3A_151 = tpu.sem_alloc : memref<!tpu.dma_semaphore, #tpu.memory_space<semaphore_mem>>
        %dma_start3A_152 = arith.constant 0 : i32
        %dma_start3A_153 = arith.constant 0 : i32
        %dma_start3A_154 = arith.constant 0 : i32
        %dma_start3A_155 = arith.constant 0 : i32
        %dma_start3A_156 = tpu.memref_slice %arg2[%arg0, %dma_start3A_152, %dma_start3A_153, %dma_start3A_154, %dma_start3A_155] : memref<2x16x80x2x128xi32, #tpu.memory_space<hbm>> -> memref<1x16x80x2x128xi32, #tpu.memory_space<hbm>>
        %dma_start3A_157 = tpu.memref_squeeze %dma_start3A_156 : memref<1x16x80x2x128xi32, #tpu.memory_space<hbm>> -> memref<16x80x2x128xi32, #tpu.memory_space<hbm>>
        %dma_start3A_158 = arith.constant 0 : i32
        %dma_start3A_159 = arith.constant 0 : i32
        %dma_start3A_160 = arith.constant 0 : i32
        %dma_start3A_161 = tpu.memref_slice %dma_start3A_157[%arg1, %dma_start3A_158, %dma_start3A_159, %dma_start3A_160] : memref<16x80x2x128xi32, #tpu.memory_space<hbm>> -> memref<1x80x2x128xi32, #tpu.memory_space<hbm>>
        %dma_start3A_162 = tpu.memref_squeeze %dma_start3A_161 : memref<1x80x2x128xi32, #tpu.memory_space<hbm>> -> memref<80x2x128xi32, #tpu.memory_space<hbm>>
        %dma_start3A_163 = arith.constant 0 : i32
        %dma_start3A_164 = arith.constant 0 : i32
        %dma_start3A_165 = tpu.memref_slice %dma_start3A_162[%add3A_129, %dma_start3A_163, %dma_start3A_164] : memref<80x2x128xi32, #tpu.memory_space<hbm>> -> memref<1x2x128xi32, #tpu.memory_space<hbm>>
        %dma_start3A_166 = tpu.memref_squeeze %dma_start3A_165 : memref<1x2x128xi32, #tpu.memory_space<hbm>> -> memref<2x128xi32, #tpu.memory_space<hbm>>
        %dma_start3A_167 = arith.constant 0 : i32
        %dma_start3A_168 = arith.constant 0 : i32
        %dma_start3A_169 = arith.constant 0 : i32
        %dma_start3A_170 = arith.constant 0 : i32
        %dma_start3A_171 = tpu.memref_slice %arg2[%arg0, %dma_start3A_167, %dma_start3A_168, %dma_start3A_169, %dma_start3A_170] : memref<2x16x80x2x128xi32, #tpu.memory_space<hbm>> -> memref<1x16x80x2x128xi32, #tpu.memory_space<hbm>>
        %dma_start3A_172 = tpu.memref_squeeze %dma_start3A_171 : memref<1x16x80x2x128xi32, #tpu.memory_space<hbm>> -> memref<16x80x2x128xi32, #tpu.memory_space<hbm>>
        %dma_start3A_173 = arith.constant 0 : i32
        %dma_start3A_174 = arith.constant 0 : i32
        %dma_start3A_175 = arith.constant 0 : i32
        %dma_start3A_176 = tpu.memref_slice %dma_start3A_172[%arg1, %dma_start3A_173, %dma_start3A_174, %dma_start3A_175] : memref<16x80x2x128xi32, #tpu.memory_space<hbm>> -> memref<1x80x2x128xi32, #tpu.memory_space<hbm>>
        %dma_start3A_177 = tpu.memref_squeeze %dma_start3A_176 : memref<1x80x2x128xi32, #tpu.memory_space<hbm>> -> memref<80x2x128xi32, #tpu.memory_space<hbm>>
        %dma_start3A_178 = arith.constant 0 : i32
        %dma_start3A_179 = arith.constant 0 : i32
        %dma_start3A_180 = tpu.memref_slice %dma_start3A_177[%add3A_129, %dma_start3A_178, %dma_start3A_179] : memref<80x2x128xi32, #tpu.memory_space<hbm>> -> memref<1x2x128xi32, #tpu.memory_space<hbm>>
        %dma_start3A_181 = tpu.memref_squeeze %dma_start3A_180 : memref<1x2x128xi32, #tpu.memory_space<hbm>> -> memref<2x128xi32, #tpu.memory_space<hbm>>
        tpu.enqueue_dma source(%dma_start3A_181 : memref<2x128xi32, #tpu.memory_space<hbm>>) target(%arg7 : memref<2x128xi32, #tpu.memory_space<vmem>>) target_semaphore(%run_scoped3A_151 : memref<!tpu.dma_semaphore, #tpu.memory_space<semaphore_mem>>)
        %dma_wait3A_182 = arith.constant 0 : i32
        %dma_wait3A_183 = arith.constant 0 : i32
        %dma_wait3A_184 = arith.constant 0 : i32
        %dma_wait3A_185 = arith.constant 0 : i32
        %dma_wait3A_186 = tpu.memref_slice %arg2[%arg0, %dma_wait3A_182, %dma_wait3A_183, %dma_wait3A_184, %dma_wait3A_185] : memref<2x16x80x2x128xi32, #tpu.memory_space<hbm>> -> memref<1x16x80x2x128xi32, #tpu.memory_space<hbm>>
        %dma_wait3A_187 = tpu.memref_squeeze %dma_wait3A_186 : memref<1x16x80x2x128xi32, #tpu.memory_space<hbm>> -> memref<16x80x2x128xi32, #tpu.memory_space<hbm>>
        %dma_wait3A_188 = arith.constant 0 : i32
        %dma_wait3A_189 = arith.constant 0 : i32
        %dma_wait3A_190 = arith.constant 0 : i32
        %dma_wait3A_191 = tpu.memref_slice %dma_wait3A_187[%arg1, %dma_wait3A_188, %dma_wait3A_189, %dma_wait3A_190] : memref<16x80x2x128xi32, #tpu.memory_space<hbm>> -> memref<1x80x2x128xi32, #tpu.memory_space<hbm>>
        %dma_wait3A_192 = tpu.memref_squeeze %dma_wait3A_191 : memref<1x80x2x128xi32, #tpu.memory_space<hbm>> -> memref<80x2x128xi32, #tpu.memory_space<hbm>>
        %dma_wait3A_193 = arith.constant 0 : i32
        %dma_wait3A_194 = arith.constant 0 : i32
        %dma_wait3A_195 = tpu.memref_slice %dma_wait3A_192[%add3A_129, %dma_wait3A_193, %dma_wait3A_194] : memref<80x2x128xi32, #tpu.memory_space<hbm>> -> memref<1x2x128xi32, #tpu.memory_space<hbm>>
        %dma_wait3A_196 = tpu.memref_squeeze %dma_wait3A_195 : memref<1x2x128xi32, #tpu.memory_space<hbm>> -> memref<2x128xi32, #tpu.memory_space<hbm>>
        %dma_wait3A_197 = arith.constant 0 : i32
        %dma_wait3A_198 = arith.constant 0 : i32
        %dma_wait3A_199 = arith.constant 0 : i32
        %dma_wait3A_200 = arith.constant 0 : i32
        %dma_wait3A_201 = tpu.memref_slice %arg2[%arg0, %dma_wait3A_197, %dma_wait3A_198, %dma_wait3A_199, %dma_wait3A_200] : memref<2x16x80x2x128xi32, #tpu.memory_space<hbm>> -> memref<1x16x80x2x128xi32, #tpu.memory_space<hbm>>
        %dma_wait3A_202 = tpu.memref_squeeze %dma_wait3A_201 : memref<1x16x80x2x128xi32, #tpu.memory_space<hbm>> -> memref<16x80x2x128xi32, #tpu.memory_space<hbm>>
        %dma_wait3A_203 = arith.constant 0 : i32
        %dma_wait3A_204 = arith.constant 0 : i32
        %dma_wait3A_205 = arith.constant 0 : i32
        %dma_wait3A_206 = tpu.memref_slice %dma_wait3A_202[%arg1, %dma_wait3A_203, %dma_wait3A_204, %dma_wait3A_205] : memref<16x80x2x128xi32, #tpu.memory_space<hbm>> -> memref<1x80x2x128xi32, #tpu.memory_space<hbm>>
        %dma_wait3A_207 = tpu.memref_squeeze %dma_wait3A_206 : memref<1x80x2x128xi32, #tpu.memory_space<hbm>> -> memref<80x2x128xi32, #tpu.memory_space<hbm>>
        %dma_wait3A_208 = arith.constant 0 : i32
        %dma_wait3A_209 = arith.constant 0 : i32
        %dma_wait3A_210 = tpu.memref_slice %dma_wait3A_207[%add3A_129, %dma_wait3A_208, %dma_wait3A_209] : memref<80x2x128xi32, #tpu.memory_space<hbm>> -> memref<1x2x128xi32, #tpu.memory_space<hbm>>
        %dma_wait3A_211 = tpu.memref_squeeze %dma_wait3A_210 : memref<1x2x128xi32, #tpu.memory_space<hbm>> -> memref<2x128xi32, #tpu.memory_space<hbm>>
        tpu.wait_dma2 semaphore(%run_scoped3A_151 : memref<!tpu.dma_semaphore, #tpu.memory_space<semaphore_mem>>) src(%dma_wait3A_211 : memref<2x128xi32, #tpu.memory_space<hbm>>) dst(%arg7 : memref<2x128xi32, #tpu.memory_space<vmem>>)
        tpu.yield
      }) : () -> ()
      %dma_wait3A_130 = arith.constant 0 : i32
      %dma_wait3A_131 = arith.constant 0 : i32
      %dma_wait3A_132 = tpu.memref_slice %arg6[%dma_wait3A_130, %dma_wait3A_131] : memref<2x128xi32, #tpu.memory_space<vmem>> -> memref<1x128xi32, #tpu.memory_space<vmem>>
      %dma_wait3A_133 = tpu.memref_squeeze %dma_wait3A_132 : memref<1x128xi32, #tpu.memory_space<vmem>> -> memref<128xi32, #tpu.memory_space<vmem>>
      %dma_wait3A_134 = arith.constant 0 : i32
      %dma_wait3A_135 = arith.constant 0 : i32
      %dma_wait3A_136 = tpu.memref_slice %arg3[%dma_wait3A_134, %dma_wait3A_135] : memref<10000x128xf32, #tpu.memory_space<hbm>> -> memref<10000x128xf32, #tpu.memory_space<hbm>>
      tpu.wait_indirect_dma semaphore(%arg11 : memref<!tpu.dma_semaphore, #tpu.memory_space<semaphore_mem>>) src(%dma_wait3A_136 : memref<10000x128xf32, #tpu.memory_space<hbm>>) dst(%arg8 : memref<128x128xf32, #tpu.memory_space<vmem>>)
      %dma_start3A_137 = arith.constant 0 : i32
      %dma_start3A_138 = arith.constant 0 : i32
      %dma_start3A_139 = tpu.memref_slice %arg7[%dma_start3A_137, %dma_start3A_138] : memref<2x128xi32, #tpu.memory_space<vmem>> -> memref<1x128xi32, #tpu.memory_space<vmem>>
      %dma_start3A_140 = tpu.memref_squeeze %dma_start3A_139 : memref<1x128xi32, #tpu.memory_space<vmem>> -> memref<128xi32, #tpu.memory_space<vmem>>
      %dma_start3A_141 = arith.constant 0 : i32
      %dma_start3A_142 = arith.constant 0 : i32
      %dma_start3A_143 = tpu.memref_slice %arg3[%dma_start3A_141, %dma_start3A_142] : memref<10000x128xf32, #tpu.memory_space<hbm>> -> memref<10000x128xf32, #tpu.memory_space<hbm>>
      tpu.enqueue_indirect_dma source(%dma_start3A_143 : memref<10000x128xf32, #tpu.memory_space<hbm>>) target(%arg9 : memref<128x128xf32, #tpu.memory_space<vmem>>) offsets(%dma_start3A_140 : memref<128xi32, #tpu.memory_space<vmem>>) semaphore(%arg12 : memref<!tpu.dma_semaphore, #tpu.memory_space<semaphore_mem>>)
      %dma_start3A_144 = arith.constant 1 : i32
      %dma_start3A_145 = arith.constant 0 : i32
      %dma_start3A_146 = tpu.memref_slice %arg6[%dma_start3A_144, %dma_start3A_145] : memref<2x128xi32, #tpu.memory_space<vmem>> -> memref<1x128xi32, #tpu.memory_space<vmem>>
      %dma_start3A_147 = tpu.memref_squeeze %dma_start3A_146 : memref<1x128xi32, #tpu.memory_space<vmem>> -> memref<128xi32, #tpu.memory_space<vmem>>
      %dma_start3A_148 = arith.constant 0 : i32
      %dma_start3A_149 = arith.constant 0 : i32
      %dma_start3A_150 = tpu.memref_slice %arg10[%dma_start3A_148, %dma_start3A_149] : memref<10112x128xf32, #tpu.memory_space<vmem_shared>> -> memref<10112x128xf32, #tpu.memory_space<vmem_shared>>
      tpu.enqueue_indirect_dma source(%arg8 : memref<128x128xf32, #tpu.memory_space<vmem>>) target(%dma_start3A_150 : memref<10112x128xf32, #tpu.memory_space<vmem_shared>>) offsets(%dma_start3A_147 : memref<128xi32, #tpu.memory_space<vmem>>) semaphore(%arg13 : memref<!tpu.dma_semaphore, #tpu.memory_space<semaphore_mem>>) {add = true}
    }
    %scan3A_49 = arith.constant 39 : i32
    %dma_wait3A_50 = arith.constant 1 : i32
    %dma_wait3A_51 = arith.constant 0 : i32
    %dma_wait3A_52 = tpu.memref_slice %arg6[%dma_wait3A_50, %dma_wait3A_51] : memref<2x128xi32, #tpu.memory_space<vmem>> -> memref<1x128xi32, #tpu.memory_space<vmem>>
    %dma_wait3A_53 = tpu.memref_squeeze %dma_wait3A_52 : memref<1x128xi32, #tpu.memory_space<vmem>> -> memref<128xi32, #tpu.memory_space<vmem>>
    %dma_wait3A_54 = arith.constant 0 : i32
    %dma_wait3A_55 = arith.constant 0 : i32
    %dma_wait3A_56 = tpu.memref_slice %arg10[%dma_wait3A_54, %dma_wait3A_55] : memref<10112x128xf32, #tpu.memory_space<vmem_shared>> -> memref<10112x128xf32, #tpu.memory_space<vmem_shared>>
    tpu.wait_indirect_dma semaphore(%arg13 : memref<!tpu.dma_semaphore, #tpu.memory_space<semaphore_mem>>) src(%arg8 : memref<128x128xf32, #tpu.memory_space<vmem>>) dst(%dma_wait3A_56 : memref<10112x128xf32, #tpu.memory_space<vmem_shared>>)
    %dma_wait3A_57 = arith.constant 0 : i32
    %dma_wait3A_58 = arith.constant 0 : i32
    %dma_wait3A_59 = tpu.memref_slice %arg7[%dma_wait3A_57, %dma_wait3A_58] : memref<2x128xi32, #tpu.memory_space<vmem>> -> memref<1x128xi32, #tpu.memory_space<vmem>>
    %dma_wait3A_60 = tpu.memref_squeeze %dma_wait3A_59 : memref<1x128xi32, #tpu.memory_space<vmem>> -> memref<128xi32, #tpu.memory_space<vmem>>
    %dma_wait3A_61 = arith.constant 0 : i32
    %dma_wait3A_62 = arith.constant 0 : i32
    %dma_wait3A_63 = tpu.memref_slice %arg3[%dma_wait3A_61, %dma_wait3A_62] : memref<10000x128xf32, #tpu.memory_space<hbm>> -> memref<10000x128xf32, #tpu.memory_space<hbm>>
    tpu.wait_indirect_dma semaphore(%arg12 : memref<!tpu.dma_semaphore, #tpu.memory_space<semaphore_mem>>) src(%dma_wait3A_63 : memref<10000x128xf32, #tpu.memory_space<hbm>>) dst(%arg9 : memref<128x128xf32, #tpu.memory_space<vmem>>)
    %dma_start3A_64 = arith.constant 1 : i32
    %dma_start3A_65 = arith.constant 0 : i32
    %dma_start3A_66 = tpu.memref_slice %arg7[%dma_start3A_64, %dma_start3A_65] : memref<2x128xi32, #tpu.memory_space<vmem>> -> memref<1x128xi32, #tpu.memory_space<vmem>>
    %dma_start3A_67 = tpu.memref_squeeze %dma_start3A_66 : memref<1x128xi32, #tpu.memory_space<vmem>> -> memref<128xi32, #tpu.memory_space<vmem>>
    %dma_start3A_68 = arith.constant 0 : i32
    %dma_start3A_69 = arith.constant 0 : i32
    %dma_start3A_70 = tpu.memref_slice %arg10[%dma_start3A_68, %dma_start3A_69] : memref<10112x128xf32, #tpu.memory_space<vmem_shared>> -> memref<10112x128xf32, #tpu.memory_space<vmem_shared>>
    tpu.enqueue_indirect_dma source(%arg9 : memref<128x128xf32, #tpu.memory_space<vmem>>) target(%dma_start3A_70 : memref<10112x128xf32, #tpu.memory_space<vmem_shared>>) offsets(%dma_start3A_67 : memref<128xi32, #tpu.memory_space<vmem>>) semaphore(%arg14 : memref<!tpu.dma_semaphore, #tpu.memory_space<semaphore_mem>>) {add = true}
    %dma_wait3A_71 = arith.constant 1 : i32
    %dma_wait3A_72 = arith.constant 0 : i32
    %dma_wait3A_73 = tpu.memref_slice %arg7[%dma_wait3A_71, %dma_wait3A_72] : memref<2x128xi32, #tpu.memory_space<vmem>> -> memref<1x128xi32, #tpu.memory_space<vmem>>
    %dma_wait3A_74 = tpu.memref_squeeze %dma_wait3A_73 : memref<1x128xi32, #tpu.memory_space<vmem>> -> memref<128xi32, #tpu.memory_space<vmem>>
    %dma_wait3A_75 = arith.constant 0 : i32
    %dma_wait3A_76 = arith.constant 0 : i32
    %dma_wait3A_77 = tpu.memref_slice %arg10[%dma_wait3A_75, %dma_wait3A_76] : memref<10112x128xf32, #tpu.memory_space<vmem_shared>> -> memref<10112x128xf32, #tpu.memory_space<vmem_shared>>
    tpu.wait_indirect_dma semaphore(%arg14 : memref<!tpu.dma_semaphore, #tpu.memory_space<semaphore_mem>>) src(%arg9 : memref<128x128xf32, #tpu.memory_space<vmem>>) dst(%dma_wait3A_77 : memref<10112x128xf32, #tpu.memory_space<vmem_shared>>)
    %barrier3A_78 = arith.constant 0 : index
    tpu.barrier barrier_id(%barrier3A_78)
    %mul3A_79 = arith.constant 632 : i32
    %mul3A_80 = arith.muli %arg1, %mul3A_79 : i32
    %mul3A_81 = arith.constant 16 : i32
    %mul3A_82 = arith.muli %arg0, %mul3A_81 : i32
    %add3A_83 = arith.addi %mul3A_82, %arg1 : i32
    "tpu.region"() ({
      %run_scoped3A_84 = tpu.sem_alloc : memref<!tpu.dma_semaphore, #tpu.memory_space<semaphore_mem>>
      %dma_start3A_85 = arith.constant 0 : i32
      %dma_start3A_86 = arith.constant 0 : i32
      %dma_start3A_87 = tpu.memref_slice %arg5[%add3A_83, %dma_start3A_85, %dma_start3A_86] : memref<32x632x128xf32, #tpu.memory_space<hbm>> -> memref<1x632x128xf32, #tpu.memory_space<hbm>>
      %dma_start3A_88 = tpu.memref_squeeze %dma_start3A_87 : memref<1x632x128xf32, #tpu.memory_space<hbm>> -> memref<632x128xf32, #tpu.memory_space<hbm>>
      %dma_start3A_89 = arith.constant 0 : i32
      %dma_start3A_90 = tpu.memref_slice %arg10[%mul3A_80, %dma_start3A_89] : memref<10112x128xf32, #tpu.memory_space<vmem_shared>> -> memref<632x128xf32, #tpu.memory_space<vmem_shared>>
      tpu.enqueue_dma source(%dma_start3A_90 : memref<632x128xf32, #tpu.memory_space<vmem_shared>>) target(%dma_start3A_88 : memref<632x128xf32, #tpu.memory_space<hbm>>) target_semaphore(%run_scoped3A_84 : memref<!tpu.dma_semaphore, #tpu.memory_space<semaphore_mem>>)
      %dma_wait3A_91 = arith.constant 0 : i32
      %dma_wait3A_92 = arith.constant 0 : i32
      %dma_wait3A_93 = tpu.memref_slice %arg5[%add3A_83, %dma_wait3A_91, %dma_wait3A_92] : memref<32x632x128xf32, #tpu.memory_space<hbm>> -> memref<1x632x128xf32, #tpu.memory_space<hbm>>
      %dma_wait3A_94 = tpu.memref_squeeze %dma_wait3A_93 : memref<1x632x128xf32, #tpu.memory_space<hbm>> -> memref<632x128xf32, #tpu.memory_space<hbm>>
      %dma_wait3A_95 = arith.constant 0 : i32
      %dma_wait3A_96 = tpu.memref_slice %arg10[%mul3A_80, %dma_wait3A_95] : memref<10112x128xf32, #tpu.memory_space<vmem_shared>> -> memref<632x128xf32, #tpu.memory_space<vmem_shared>>
      tpu.wait_dma2 semaphore(%run_scoped3A_84 : memref<!tpu.dma_semaphore, #tpu.memory_space<semaphore_mem>>) src(%dma_wait3A_96 : memref<632x128xf32, #tpu.memory_space<vmem_shared>>) dst(%dma_wait3A_94 : memref<632x128xf32, #tpu.memory_space<hbm>>)
      tpu.yield
    }) : () -> ()
    return
  }
}

#map = affine_map<(d0, d1) -> (0, 0, 0, 0, 0)>
#map1 = affine_map<(d0, d1) -> (0, 0)>
#map2 = affine_map<(d0, d1) -> (0, 0, 0)>
module attributes {stable_mosaic.version = 14 : i64} {
  func.func @_seg_body(%arg0: i32, %arg1: i32, %arg2: memref<2x16x80x2x128xi32, #tpu.memory_space<hbm>>, %arg3: memref<10000x128xf32, #tpu.memory_space<hbm>>, %arg4: memref<128x128xf32, #tpu.memory_space<hbm>>, %arg5: memref<32x632x128xf32, #tpu.memory_space<hbm>>, %arg6: memref<2x128xi32, #tpu.memory_space<vmem>>, %arg7: memref<2x128xi32, #tpu.memory_space<vmem>>, %arg8: memref<128x128xf32, #tpu.memory_space<vmem>>, %arg9: memref<128x128xf32, #tpu.memory_space<vmem>>, %arg10: memref<10112x128xf32, #tpu.memory_space<vmem_shared>>, %arg11: memref<!tpu.dma_semaphore, #tpu.memory_space<semaphore_mem>>, %arg12: memref<!tpu.dma_semaphore, #tpu.memory_space<semaphore_mem>>, %arg13: memref<!tpu.dma_semaphore, #tpu.memory_space<semaphore_mem>>, %arg14: memref<!tpu.dma_semaphore, #tpu.memory_space<semaphore_mem>>) attributes {dimension_semantics = [#tpu.dimension_semantics<core_parallel>, #tpu.dimension_semantics<subcore_parallel>], iteration_bounds = array<i64: 2, 16>, scalar_prefetch = 0 : i64, scratch_operands = 9 : i64, tpu.core_type = #tpu.core_type<sc_vector_subcore>, window_params = [{transform_indices = #map}, {transform_indices = #map1}, {transform_indices = #map1}, {transform_indices = #map2}]} {
    %mul3A = arith.constant 632 : i32
    %mul3A_0 = arith.muli %arg1, %mul3A : i32
    %add3A = arith.constant 0 : i32
    %add3A_1 = arith.addi %mul3A_0, %add3A : i32
    "tpu.region"() ({
      %run_scoped3A_84 = tpu.sem_alloc : memref<!tpu.dma_semaphore, #tpu.memory_space<semaphore_mem>>
      %dma_start3A_85 = arith.constant 0 : i32
      %dma_start3A_86 = tpu.memref_slice %arg10[%add3A_1, %dma_start3A_85] : memref<10112x128xf32, #tpu.memory_space<vmem_shared>> -> memref<128x128xf32, #tpu.memory_space<vmem_shared>>
      tpu.enqueue_dma source(%arg4 : memref<128x128xf32, #tpu.memory_space<hbm>>) target(%dma_start3A_86 : memref<128x128xf32, #tpu.memory_space<vmem_shared>>) target_semaphore(%run_scoped3A_84 : memref<!tpu.dma_semaphore, #tpu.memory_space<semaphore_mem>>)
      %dma_wait3A_87 = arith.constant 0 : i32
      %dma_wait3A_88 = tpu.memref_slice %arg10[%add3A_1, %dma_wait3A_87] : memref<10112x128xf32, #tpu.memory_space<vmem_shared>> -> memref<128x128xf32, #tpu.memory_space<vmem_shared>>
      tpu.wait_dma2 semaphore(%run_scoped3A_84 : memref<!tpu.dma_semaphore, #tpu.memory_space<semaphore_mem>>) src(%arg4 : memref<128x128xf32, #tpu.memory_space<hbm>>) dst(%dma_wait3A_88 : memref<128x128xf32, #tpu.memory_space<vmem_shared>>)
      tpu.yield
    }) : () -> ()
    %mul3A_2 = arith.constant 632 : i32
    %mul3A_3 = arith.muli %arg1, %mul3A_2 : i32
    %add3A_4 = arith.constant 128 : i32
    %add3A_5 = arith.addi %mul3A_3, %add3A_4 : i32
    "tpu.region"() ({
      %run_scoped3A_84 = tpu.sem_alloc : memref<!tpu.dma_semaphore, #tpu.memory_space<semaphore_mem>>
      %dma_start3A_85 = arith.constant 0 : i32
      %dma_start3A_86 = tpu.memref_slice %arg10[%add3A_5, %dma_start3A_85] : memref<10112x128xf32, #tpu.memory_space<vmem_shared>> -> memref<128x128xf32, #tpu.memory_space<vmem_shared>>
      tpu.enqueue_dma source(%arg4 : memref<128x128xf32, #tpu.memory_space<hbm>>) target(%dma_start3A_86 : memref<128x128xf32, #tpu.memory_space<vmem_shared>>) target_semaphore(%run_scoped3A_84 : memref<!tpu.dma_semaphore, #tpu.memory_space<semaphore_mem>>)
      %dma_wait3A_87 = arith.constant 0 : i32
      %dma_wait3A_88 = tpu.memref_slice %arg10[%add3A_5, %dma_wait3A_87] : memref<10112x128xf32, #tpu.memory_space<vmem_shared>> -> memref<128x128xf32, #tpu.memory_space<vmem_shared>>
      tpu.wait_dma2 semaphore(%run_scoped3A_84 : memref<!tpu.dma_semaphore, #tpu.memory_space<semaphore_mem>>) src(%arg4 : memref<128x128xf32, #tpu.memory_space<hbm>>) dst(%dma_wait3A_88 : memref<128x128xf32, #tpu.memory_space<vmem_shared>>)
      tpu.yield
    }) : () -> ()
    %mul3A_6 = arith.constant 632 : i32
    %mul3A_7 = arith.muli %arg1, %mul3A_6 : i32
    %add3A_8 = arith.constant 256 : i32
    %add3A_9 = arith.addi %mul3A_7, %add3A_8 : i32
    "tpu.region"() ({
      %run_scoped3A_84 = tpu.sem_alloc : memref<!tpu.dma_semaphore, #tpu.memory_space<semaphore_mem>>
      %dma_start3A_85 = arith.constant 0 : i32
      %dma_start3A_86 = tpu.memref_slice %arg10[%add3A_9, %dma_start3A_85] : memref<10112x128xf32, #tpu.memory_space<vmem_shared>> -> memref<128x128xf32, #tpu.memory_space<vmem_shared>>
      tpu.enqueue_dma source(%arg4 : memref<128x128xf32, #tpu.memory_space<hbm>>) target(%dma_start3A_86 : memref<128x128xf32, #tpu.memory_space<vmem_shared>>) target_semaphore(%run_scoped3A_84 : memref<!tpu.dma_semaphore, #tpu.memory_space<semaphore_mem>>)
      %dma_wait3A_87 = arith.constant 0 : i32
      %dma_wait3A_88 = tpu.memref_slice %arg10[%add3A_9, %dma_wait3A_87] : memref<10112x128xf32, #tpu.memory_space<vmem_shared>> -> memref<128x128xf32, #tpu.memory_space<vmem_shared>>
      tpu.wait_dma2 semaphore(%run_scoped3A_84 : memref<!tpu.dma_semaphore, #tpu.memory_space<semaphore_mem>>) src(%arg4 : memref<128x128xf32, #tpu.memory_space<hbm>>) dst(%dma_wait3A_88 : memref<128x128xf32, #tpu.memory_space<vmem_shared>>)
      tpu.yield
    }) : () -> ()
    %mul3A_10 = arith.constant 632 : i32
    %mul3A_11 = arith.muli %arg1, %mul3A_10 : i32
    %add3A_12 = arith.constant 384 : i32
    %add3A_13 = arith.addi %mul3A_11, %add3A_12 : i32
    "tpu.region"() ({
      %run_scoped3A_84 = tpu.sem_alloc : memref<!tpu.dma_semaphore, #tpu.memory_space<semaphore_mem>>
      %dma_start3A_85 = arith.constant 0 : i32
      %dma_start3A_86 = tpu.memref_slice %arg10[%add3A_13, %dma_start3A_85] : memref<10112x128xf32, #tpu.memory_space<vmem_shared>> -> memref<128x128xf32, #tpu.memory_space<vmem_shared>>
      tpu.enqueue_dma source(%arg4 : memref<128x128xf32, #tpu.memory_space<hbm>>) target(%dma_start3A_86 : memref<128x128xf32, #tpu.memory_space<vmem_shared>>) target_semaphore(%run_scoped3A_84 : memref<!tpu.dma_semaphore, #tpu.memory_space<semaphore_mem>>)
      %dma_wait3A_87 = arith.constant 0 : i32
      %dma_wait3A_88 = tpu.memref_slice %arg10[%add3A_13, %dma_wait3A_87] : memref<10112x128xf32, #tpu.memory_space<vmem_shared>> -> memref<128x128xf32, #tpu.memory_space<vmem_shared>>
      tpu.wait_dma2 semaphore(%run_scoped3A_84 : memref<!tpu.dma_semaphore, #tpu.memory_space<semaphore_mem>>) src(%arg4 : memref<128x128xf32, #tpu.memory_space<hbm>>) dst(%dma_wait3A_88 : memref<128x128xf32, #tpu.memory_space<vmem_shared>>)
      tpu.yield
    }) : () -> ()
    %mul3A_14 = arith.constant 632 : i32
    %mul3A_15 = arith.muli %arg1, %mul3A_14 : i32
    %add3A_16 = arith.constant 512 : i32
    %add3A_17 = arith.addi %mul3A_15, %add3A_16 : i32
    "tpu.region"() ({
      %run_scoped3A_84 = tpu.sem_alloc : memref<!tpu.dma_semaphore, #tpu.memory_space<semaphore_mem>>
      %dma_start3A_85 = arith.constant 0 : i32
      %dma_start3A_86 = tpu.memref_slice %arg10[%add3A_17, %dma_start3A_85] : memref<10112x128xf32, #tpu.memory_space<vmem_shared>> -> memref<120x128xf32, #tpu.memory_space<vmem_shared>>
      %dma_start3A_87 = arith.constant 0 : i32
      %dma_start3A_88 = arith.constant 0 : i32
      %dma_start3A_89 = tpu.memref_slice %arg4[%dma_start3A_87, %dma_start3A_88] : memref<128x128xf32, #tpu.memory_space<hbm>> -> memref<120x128xf32, #tpu.memory_space<hbm>>
      tpu.enqueue_dma source(%dma_start3A_89 : memref<120x128xf32, #tpu.memory_space<hbm>>) target(%dma_start3A_86 : memref<120x128xf32, #tpu.memory_space<vmem_shared>>) target_semaphore(%run_scoped3A_84 : memref<!tpu.dma_semaphore, #tpu.memory_space<semaphore_mem>>)
      %dma_wait3A_90 = arith.constant 0 : i32
      %dma_wait3A_91 = tpu.memref_slice %arg10[%add3A_17, %dma_wait3A_90] : memref<10112x128xf32, #tpu.memory_space<vmem_shared>> -> memref<120x128xf32, #tpu.memory_space<vmem_shared>>
      %dma_wait3A_92 = arith.constant 0 : i32
      %dma_wait3A_93 = arith.constant 0 : i32
      %dma_wait3A_94 = tpu.memref_slice %arg4[%dma_wait3A_92, %dma_wait3A_93] : memref<128x128xf32, #tpu.memory_space<hbm>> -> memref<120x128xf32, #tpu.memory_space<hbm>>
      tpu.wait_dma2 semaphore(%run_scoped3A_84 : memref<!tpu.dma_semaphore, #tpu.memory_space<semaphore_mem>>) src(%dma_wait3A_94 : memref<120x128xf32, #tpu.memory_space<hbm>>) dst(%dma_wait3A_91 : memref<120x128xf32, #tpu.memory_space<vmem_shared>>)
      tpu.yield
    }) : () -> ()
    %barrier3A = arith.constant 0 : index
    tpu.barrier barrier_id(%barrier3A)
    %run_scoped3A = arith.constant 0 : i32
    "tpu.region"() ({
      %run_scoped3A_84 = tpu.sem_alloc : memref<!tpu.dma_semaphore, #tpu.memory_space<semaphore_mem>>
      %dma_start3A_85 = arith.constant 0 : i32
      %dma_start3A_86 = arith.constant 0 : i32
      %dma_start3A_87 = arith.constant 0 : i32
      %dma_start3A_88 = arith.constant 0 : i32
      %dma_start3A_89 = tpu.memref_slice %arg2[%arg0, %dma_start3A_85, %dma_start3A_86, %dma_start3A_87, %dma_start3A_88] : memref<2x16x80x2x128xi32, #tpu.memory_space<hbm>> -> memref<1x16x80x2x128xi32, #tpu.memory_space<hbm>>
      %dma_start3A_90 = tpu.memref_squeeze %dma_start3A_89 : memref<1x16x80x2x128xi32, #tpu.memory_space<hbm>> -> memref<16x80x2x128xi32, #tpu.memory_space<hbm>>
      %dma_start3A_91 = arith.constant 0 : i32
      %dma_start3A_92 = arith.constant 0 : i32
      %dma_start3A_93 = arith.constant 0 : i32
      %dma_start3A_94 = tpu.memref_slice %dma_start3A_90[%arg1, %dma_start3A_91, %dma_start3A_92, %dma_start3A_93] : memref<16x80x2x128xi32, #tpu.memory_space<hbm>> -> memref<1x80x2x128xi32, #tpu.memory_space<hbm>>
      %dma_start3A_95 = tpu.memref_squeeze %dma_start3A_94 : memref<1x80x2x128xi32, #tpu.memory_space<hbm>> -> memref<80x2x128xi32, #tpu.memory_space<hbm>>
      %dma_start3A_96 = arith.constant 0 : i32
      %dma_start3A_97 = arith.constant 0 : i32
      %dma_start3A_98 = tpu.memref_slice %dma_start3A_95[%run_scoped3A, %dma_start3A_96, %dma_start3A_97] : memref<80x2x128xi32, #tpu.memory_space<hbm>> -> memref<1x2x128xi32, #tpu.memory_space<hbm>>
      %dma_start3A_99 = tpu.memref_squeeze %dma_start3A_98 : memref<1x2x128xi32, #tpu.memory_space<hbm>> -> memref<2x128xi32, #tpu.memory_space<hbm>>
      %dma_start3A_100 = arith.constant 0 : i32
      %dma_start3A_101 = arith.constant 0 : i32
      %dma_start3A_102 = arith.constant 0 : i32
      %dma_start3A_103 = arith.constant 0 : i32
      %dma_start3A_104 = tpu.memref_slice %arg2[%arg0, %dma_start3A_100, %dma_start3A_101, %dma_start3A_102, %dma_start3A_103] : memref<2x16x80x2x128xi32, #tpu.memory_space<hbm>> -> memref<1x16x80x2x128xi32, #tpu.memory_space<hbm>>
      %dma_start3A_105 = tpu.memref_squeeze %dma_start3A_104 : memref<1x16x80x2x128xi32, #tpu.memory_space<hbm>> -> memref<16x80x2x128xi32, #tpu.memory_space<hbm>>
      %dma_start3A_106 = arith.constant 0 : i32
      %dma_start3A_107 = arith.constant 0 : i32
      %dma_start3A_108 = arith.constant 0 : i32
      %dma_start3A_109 = tpu.memref_slice %dma_start3A_105[%arg1, %dma_start3A_106, %dma_start3A_107, %dma_start3A_108] : memref<16x80x2x128xi32, #tpu.memory_space<hbm>> -> memref<1x80x2x128xi32, #tpu.memory_space<hbm>>
      %dma_start3A_110 = tpu.memref_squeeze %dma_start3A_109 : memref<1x80x2x128xi32, #tpu.memory_space<hbm>> -> memref<80x2x128xi32, #tpu.memory_space<hbm>>
      %dma_start3A_111 = arith.constant 0 : i32
      %dma_start3A_112 = arith.constant 0 : i32
      %dma_start3A_113 = tpu.memref_slice %dma_start3A_110[%run_scoped3A, %dma_start3A_111, %dma_start3A_112] : memref<80x2x128xi32, #tpu.memory_space<hbm>> -> memref<1x2x128xi32, #tpu.memory_space<hbm>>
      %dma_start3A_114 = tpu.memref_squeeze %dma_start3A_113 : memref<1x2x128xi32, #tpu.memory_space<hbm>> -> memref<2x128xi32, #tpu.memory_space<hbm>>
      tpu.enqueue_dma source(%dma_start3A_114 : memref<2x128xi32, #tpu.memory_space<hbm>>) target(%arg6 : memref<2x128xi32, #tpu.memory_space<vmem>>) target_semaphore(%run_scoped3A_84 : memref<!tpu.dma_semaphore, #tpu.memory_space<semaphore_mem>>)
      %dma_wait3A_115 = arith.constant 0 : i32
      %dma_wait3A_116 = arith.constant 0 : i32
      %dma_wait3A_117 = arith.constant 0 : i32
      %dma_wait3A_118 = arith.constant 0 : i32
      %dma_wait3A_119 = tpu.memref_slice %arg2[%arg0, %dma_wait3A_115, %dma_wait3A_116, %dma_wait3A_117, %dma_wait3A_118] : memref<2x16x80x2x128xi32, #tpu.memory_space<hbm>> -> memref<1x16x80x2x128xi32, #tpu.memory_space<hbm>>
      %dma_wait3A_120 = tpu.memref_squeeze %dma_wait3A_119 : memref<1x16x80x2x128xi32, #tpu.memory_space<hbm>> -> memref<16x80x2x128xi32, #tpu.memory_space<hbm>>
      %dma_wait3A_121 = arith.constant 0 : i32
      %dma_wait3A_122 = arith.constant 0 : i32
      %dma_wait3A_123 = arith.constant 0 : i32
      %dma_wait3A_124 = tpu.memref_slice %dma_wait3A_120[%arg1, %dma_wait3A_121, %dma_wait3A_122, %dma_wait3A_123] : memref<16x80x2x128xi32, #tpu.memory_space<hbm>> -> memref<1x80x2x128xi32, #tpu.memory_space<hbm>>
      %dma_wait3A_125 = tpu.memref_squeeze %dma_wait3A_124 : memref<1x80x2x128xi32, #tpu.memory_space<hbm>> -> memref<80x2x128xi32, #tpu.memory_space<hbm>>
      %dma_wait3A_126 = arith.constant 0 : i32
      %dma_wait3A_127 = arith.constant 0 : i32
      %dma_wait3A_128 = tpu.memref_slice %dma_wait3A_125[%run_scoped3A, %dma_wait3A_126, %dma_wait3A_127] : memref<80x2x128xi32, #tpu.memory_space<hbm>> -> memref<1x2x128xi32, #tpu.memory_space<hbm>>
      %dma_wait3A_129 = tpu.memref_squeeze %dma_wait3A_128 : memref<1x2x128xi32, #tpu.memory_space<hbm>> -> memref<2x128xi32, #tpu.memory_space<hbm>>
      %dma_wait3A_130 = arith.constant 0 : i32
      %dma_wait3A_131 = arith.constant 0 : i32
      %dma_wait3A_132 = arith.constant 0 : i32
      %dma_wait3A_133 = arith.constant 0 : i32
      %dma_wait3A_134 = tpu.memref_slice %arg2[%arg0, %dma_wait3A_130, %dma_wait3A_131, %dma_wait3A_132, %dma_wait3A_133] : memref<2x16x80x2x128xi32, #tpu.memory_space<hbm>> -> memref<1x16x80x2x128xi32, #tpu.memory_space<hbm>>
      %dma_wait3A_135 = tpu.memref_squeeze %dma_wait3A_134 : memref<1x16x80x2x128xi32, #tpu.memory_space<hbm>> -> memref<16x80x2x128xi32, #tpu.memory_space<hbm>>
      %dma_wait3A_136 = arith.constant 0 : i32
      %dma_wait3A_137 = arith.constant 0 : i32
      %dma_wait3A_138 = arith.constant 0 : i32
      %dma_wait3A_139 = tpu.memref_slice %dma_wait3A_135[%arg1, %dma_wait3A_136, %dma_wait3A_137, %dma_wait3A_138] : memref<16x80x2x128xi32, #tpu.memory_space<hbm>> -> memref<1x80x2x128xi32, #tpu.memory_space<hbm>>
      %dma_wait3A_140 = tpu.memref_squeeze %dma_wait3A_139 : memref<1x80x2x128xi32, #tpu.memory_space<hbm>> -> memref<80x2x128xi32, #tpu.memory_space<hbm>>
      %dma_wait3A_141 = arith.constant 0 : i32
      %dma_wait3A_142 = arith.constant 0 : i32
      %dma_wait3A_143 = tpu.memref_slice %dma_wait3A_140[%run_scoped3A, %dma_wait3A_141, %dma_wait3A_142] : memref<80x2x128xi32, #tpu.memory_space<hbm>> -> memref<1x2x128xi32, #tpu.memory_space<hbm>>
      %dma_wait3A_144 = tpu.memref_squeeze %dma_wait3A_143 : memref<1x2x128xi32, #tpu.memory_space<hbm>> -> memref<2x128xi32, #tpu.memory_space<hbm>>
      tpu.wait_dma2 semaphore(%run_scoped3A_84 : memref<!tpu.dma_semaphore, #tpu.memory_space<semaphore_mem>>) src(%dma_wait3A_144 : memref<2x128xi32, #tpu.memory_space<hbm>>) dst(%arg6 : memref<2x128xi32, #tpu.memory_space<vmem>>)
      tpu.yield
    }) : () -> ()
    %dma_start3A = arith.constant 0 : i32
    %dma_start3A_18 = arith.constant 0 : i32
    %dma_start3A_19 = tpu.memref_slice %arg6[%dma_start3A, %dma_start3A_18] : memref<2x128xi32, #tpu.memory_space<vmem>> -> memref<1x128xi32, #tpu.memory_space<vmem>>
    %dma_start3A_20 = tpu.memref_squeeze %dma_start3A_19 : memref<1x128xi32, #tpu.memory_space<vmem>> -> memref<128xi32, #tpu.memory_space<vmem>>
    %dma_start3A_21 = arith.constant 0 : i32
    %dma_start3A_22 = arith.constant 0 : i32
    %dma_start3A_23 = tpu.memref_slice %arg3[%dma_start3A_21, %dma_start3A_22] : memref<10000x128xf32, #tpu.memory_space<hbm>> -> memref<10000x128xf32, #tpu.memory_space<hbm>>
    tpu.enqueue_indirect_dma source(%dma_start3A_23 : memref<10000x128xf32, #tpu.memory_space<hbm>>) target(%arg8 : memref<128x128xf32, #tpu.memory_space<vmem>>) offsets(%dma_start3A_20 : memref<128xi32, #tpu.memory_space<vmem>>) semaphore(%arg11 : memref<!tpu.dma_semaphore, #tpu.memory_space<semaphore_mem>>)
    %run_scoped3A_24 = arith.constant 1 : i32
    "tpu.region"() ({
      %run_scoped3A_84 = tpu.sem_alloc : memref<!tpu.dma_semaphore, #tpu.memory_space<semaphore_mem>>
      %dma_start3A_85 = arith.constant 0 : i32
      %dma_start3A_86 = arith.constant 0 : i32
      %dma_start3A_87 = arith.constant 0 : i32
      %dma_start3A_88 = arith.constant 0 : i32
      %dma_start3A_89 = tpu.memref_slice %arg2[%arg0, %dma_start3A_85, %dma_start3A_86, %dma_start3A_87, %dma_start3A_88] : memref<2x16x80x2x128xi32, #tpu.memory_space<hbm>> -> memref<1x16x80x2x128xi32, #tpu.memory_space<hbm>>
      %dma_start3A_90 = tpu.memref_squeeze %dma_start3A_89 : memref<1x16x80x2x128xi32, #tpu.memory_space<hbm>> -> memref<16x80x2x128xi32, #tpu.memory_space<hbm>>
      %dma_start3A_91 = arith.constant 0 : i32
      %dma_start3A_92 = arith.constant 0 : i32
      %dma_start3A_93 = arith.constant 0 : i32
      %dma_start3A_94 = tpu.memref_slice %dma_start3A_90[%arg1, %dma_start3A_91, %dma_start3A_92, %dma_start3A_93] : memref<16x80x2x128xi32, #tpu.memory_space<hbm>> -> memref<1x80x2x128xi32, #tpu.memory_space<hbm>>
      %dma_start3A_95 = tpu.memref_squeeze %dma_start3A_94 : memref<1x80x2x128xi32, #tpu.memory_space<hbm>> -> memref<80x2x128xi32, #tpu.memory_space<hbm>>
      %dma_start3A_96 = arith.constant 0 : i32
      %dma_start3A_97 = arith.constant 0 : i32
      %dma_start3A_98 = tpu.memref_slice %dma_start3A_95[%run_scoped3A_24, %dma_start3A_96, %dma_start3A_97] : memref<80x2x128xi32, #tpu.memory_space<hbm>> -> memref<1x2x128xi32, #tpu.memory_space<hbm>>
      %dma_start3A_99 = tpu.memref_squeeze %dma_start3A_98 : memref<1x2x128xi32, #tpu.memory_space<hbm>> -> memref<2x128xi32, #tpu.memory_space<hbm>>
      %dma_start3A_100 = arith.constant 0 : i32
      %dma_start3A_101 = arith.constant 0 : i32
      %dma_start3A_102 = arith.constant 0 : i32
      %dma_start3A_103 = arith.constant 0 : i32
      %dma_start3A_104 = tpu.memref_slice %arg2[%arg0, %dma_start3A_100, %dma_start3A_101, %dma_start3A_102, %dma_start3A_103] : memref<2x16x80x2x128xi32, #tpu.memory_space<hbm>> -> memref<1x16x80x2x128xi32, #tpu.memory_space<hbm>>
      %dma_start3A_105 = tpu.memref_squeeze %dma_start3A_104 : memref<1x16x80x2x128xi32, #tpu.memory_space<hbm>> -> memref<16x80x2x128xi32, #tpu.memory_space<hbm>>
      %dma_start3A_106 = arith.constant 0 : i32
      %dma_start3A_107 = arith.constant 0 : i32
      %dma_start3A_108 = arith.constant 0 : i32
      %dma_start3A_109 = tpu.memref_slice %dma_start3A_105[%arg1, %dma_start3A_106, %dma_start3A_107, %dma_start3A_108] : memref<16x80x2x128xi32, #tpu.memory_space<hbm>> -> memref<1x80x2x128xi32, #tpu.memory_space<hbm>>
      %dma_start3A_110 = tpu.memref_squeeze %dma_start3A_109 : memref<1x80x2x128xi32, #tpu.memory_space<hbm>> -> memref<80x2x128xi32, #tpu.memory_space<hbm>>
      %dma_start3A_111 = arith.constant 0 : i32
      %dma_start3A_112 = arith.constant 0 : i32
      %dma_start3A_113 = tpu.memref_slice %dma_start3A_110[%run_scoped3A_24, %dma_start3A_111, %dma_start3A_112] : memref<80x2x128xi32, #tpu.memory_space<hbm>> -> memref<1x2x128xi32, #tpu.memory_space<hbm>>
      %dma_start3A_114 = tpu.memref_squeeze %dma_start3A_113 : memref<1x2x128xi32, #tpu.memory_space<hbm>> -> memref<2x128xi32, #tpu.memory_space<hbm>>
      tpu.enqueue_dma source(%dma_start3A_114 : memref<2x128xi32, #tpu.memory_space<hbm>>) target(%arg7 : memref<2x128xi32, #tpu.memory_space<vmem>>) target_semaphore(%run_scoped3A_84 : memref<!tpu.dma_semaphore, #tpu.memory_space<semaphore_mem>>)
      %dma_wait3A_115 = arith.constant 0 : i32
      %dma_wait3A_116 = arith.constant 0 : i32
      %dma_wait3A_117 = arith.constant 0 : i32
      %dma_wait3A_118 = arith.constant 0 : i32
      %dma_wait3A_119 = tpu.memref_slice %arg2[%arg0, %dma_wait3A_115, %dma_wait3A_116, %dma_wait3A_117, %dma_wait3A_118] : memref<2x16x80x2x128xi32, #tpu.memory_space<hbm>> -> memref<1x16x80x2x128xi32, #tpu.memory_space<hbm>>
      %dma_wait3A_120 = tpu.memref_squeeze %dma_wait3A_119 : memref<1x16x80x2x128xi32, #tpu.memory_space<hbm>> -> memref<16x80x2x128xi32, #tpu.memory_space<hbm>>
      %dma_wait3A_121 = arith.constant 0 : i32
      %dma_wait3A_122 = arith.constant 0 : i32
      %dma_wait3A_123 = arith.constant 0 : i32
      %dma_wait3A_124 = tpu.memref_slice %dma_wait3A_120[%arg1, %dma_wait3A_121, %dma_wait3A_122, %dma_wait3A_123] : memref<16x80x2x128xi32, #tpu.memory_space<hbm>> -> memref<1x80x2x128xi32, #tpu.memory_space<hbm>>
      %dma_wait3A_125 = tpu.memref_squeeze %dma_wait3A_124 : memref<1x80x2x128xi32, #tpu.memory_space<hbm>> -> memref<80x2x128xi32, #tpu.memory_space<hbm>>
      %dma_wait3A_126 = arith.constant 0 : i32
      %dma_wait3A_127 = arith.constant 0 : i32
      %dma_wait3A_128 = tpu.memref_slice %dma_wait3A_125[%run_scoped3A_24, %dma_wait3A_126, %dma_wait3A_127] : memref<80x2x128xi32, #tpu.memory_space<hbm>> -> memref<1x2x128xi32, #tpu.memory_space<hbm>>
      %dma_wait3A_129 = tpu.memref_squeeze %dma_wait3A_128 : memref<1x2x128xi32, #tpu.memory_space<hbm>> -> memref<2x128xi32, #tpu.memory_space<hbm>>
      %dma_wait3A_130 = arith.constant 0 : i32
      %dma_wait3A_131 = arith.constant 0 : i32
      %dma_wait3A_132 = arith.constant 0 : i32
      %dma_wait3A_133 = arith.constant 0 : i32
      %dma_wait3A_134 = tpu.memref_slice %arg2[%arg0, %dma_wait3A_130, %dma_wait3A_131, %dma_wait3A_132, %dma_wait3A_133] : memref<2x16x80x2x128xi32, #tpu.memory_space<hbm>> -> memref<1x16x80x2x128xi32, #tpu.memory_space<hbm>>
      %dma_wait3A_135 = tpu.memref_squeeze %dma_wait3A_134 : memref<1x16x80x2x128xi32, #tpu.memory_space<hbm>> -> memref<16x80x2x128xi32, #tpu.memory_space<hbm>>
      %dma_wait3A_136 = arith.constant 0 : i32
      %dma_wait3A_137 = arith.constant 0 : i32
      %dma_wait3A_138 = arith.constant 0 : i32
      %dma_wait3A_139 = tpu.memref_slice %dma_wait3A_135[%arg1, %dma_wait3A_136, %dma_wait3A_137, %dma_wait3A_138] : memref<16x80x2x128xi32, #tpu.memory_space<hbm>> -> memref<1x80x2x128xi32, #tpu.memory_space<hbm>>
      %dma_wait3A_140 = tpu.memref_squeeze %dma_wait3A_139 : memref<1x80x2x128xi32, #tpu.memory_space<hbm>> -> memref<80x2x128xi32, #tpu.memory_space<hbm>>
      %dma_wait3A_141 = arith.constant 0 : i32
      %dma_wait3A_142 = arith.constant 0 : i32
      %dma_wait3A_143 = tpu.memref_slice %dma_wait3A_140[%run_scoped3A_24, %dma_wait3A_141, %dma_wait3A_142] : memref<80x2x128xi32, #tpu.memory_space<hbm>> -> memref<1x2x128xi32, #tpu.memory_space<hbm>>
      %dma_wait3A_144 = tpu.memref_squeeze %dma_wait3A_143 : memref<1x2x128xi32, #tpu.memory_space<hbm>> -> memref<2x128xi32, #tpu.memory_space<hbm>>
      tpu.wait_dma2 semaphore(%run_scoped3A_84 : memref<!tpu.dma_semaphore, #tpu.memory_space<semaphore_mem>>) src(%dma_wait3A_144 : memref<2x128xi32, #tpu.memory_space<hbm>>) dst(%arg7 : memref<2x128xi32, #tpu.memory_space<vmem>>)
      tpu.yield
    }) : () -> ()
    %dma_wait3A = arith.constant 0 : i32
    %dma_wait3A_25 = arith.constant 0 : i32
    %dma_wait3A_26 = tpu.memref_slice %arg6[%dma_wait3A, %dma_wait3A_25] : memref<2x128xi32, #tpu.memory_space<vmem>> -> memref<1x128xi32, #tpu.memory_space<vmem>>
    %dma_wait3A_27 = tpu.memref_squeeze %dma_wait3A_26 : memref<1x128xi32, #tpu.memory_space<vmem>> -> memref<128xi32, #tpu.memory_space<vmem>>
    %dma_wait3A_28 = arith.constant 0 : i32
    %dma_wait3A_29 = arith.constant 0 : i32
    %dma_wait3A_30 = tpu.memref_slice %arg3[%dma_wait3A_28, %dma_wait3A_29] : memref<10000x128xf32, #tpu.memory_space<hbm>> -> memref<10000x128xf32, #tpu.memory_space<hbm>>
    tpu.wait_indirect_dma semaphore(%arg11 : memref<!tpu.dma_semaphore, #tpu.memory_space<semaphore_mem>>) src(%dma_wait3A_30 : memref<10000x128xf32, #tpu.memory_space<hbm>>) dst(%arg8 : memref<128x128xf32, #tpu.memory_space<vmem>>)
    %dma_start3A_31 = arith.constant 0 : i32
    %dma_start3A_32 = arith.constant 0 : i32
    %dma_start3A_33 = tpu.memref_slice %arg7[%dma_start3A_31, %dma_start3A_32] : memref<2x128xi32, #tpu.memory_space<vmem>> -> memref<1x128xi32, #tpu.memory_space<vmem>>
    %dma_start3A_34 = tpu.memref_squeeze %dma_start3A_33 : memref<1x128xi32, #tpu.memory_space<vmem>> -> memref<128xi32, #tpu.memory_space<vmem>>
    %dma_start3A_35 = arith.constant 0 : i32
    %dma_start3A_36 = arith.constant 0 : i32
    %dma_start3A_37 = tpu.memref_slice %arg3[%dma_start3A_35, %dma_start3A_36] : memref<10000x128xf32, #tpu.memory_space<hbm>> -> memref<10000x128xf32, #tpu.memory_space<hbm>>
    tpu.enqueue_indirect_dma source(%dma_start3A_37 : memref<10000x128xf32, #tpu.memory_space<hbm>>) target(%arg9 : memref<128x128xf32, #tpu.memory_space<vmem>>) offsets(%dma_start3A_34 : memref<128xi32, #tpu.memory_space<vmem>>) semaphore(%arg12 : memref<!tpu.dma_semaphore, #tpu.memory_space<semaphore_mem>>)
    %dma_start3A_38 = arith.constant 1 : i32
    %dma_start3A_39 = arith.constant 0 : i32
    %dma_start3A_40 = tpu.memref_slice %arg6[%dma_start3A_38, %dma_start3A_39] : memref<2x128xi32, #tpu.memory_space<vmem>> -> memref<1x128xi32, #tpu.memory_space<vmem>>
    %dma_start3A_41 = tpu.memref_squeeze %dma_start3A_40 : memref<1x128xi32, #tpu.memory_space<vmem>> -> memref<128xi32, #tpu.memory_space<vmem>>
    %dma_start3A_42 = arith.constant 0 : i32
    %dma_start3A_43 = arith.constant 0 : i32
    %dma_start3A_44 = tpu.memref_slice %arg10[%dma_start3A_42, %dma_start3A_43] : memref<10112x128xf32, #tpu.memory_space<vmem_shared>> -> memref<10112x128xf32, #tpu.memory_space<vmem_shared>>
    tpu.enqueue_indirect_dma source(%arg8 : memref<128x128xf32, #tpu.memory_space<vmem>>) target(%dma_start3A_44 : memref<10112x128xf32, #tpu.memory_space<vmem_shared>>) offsets(%dma_start3A_41 : memref<128xi32, #tpu.memory_space<vmem>>) semaphore(%arg13 : memref<!tpu.dma_semaphore, #tpu.memory_space<semaphore_mem>>) {add = true}
    %scan3A = arith.constant 0 : i32
    %scan3A_45 = arith.constant 0 : i32
    %scan3A_46 = arith.constant 39 : i32
    %scan3A_47 = arith.addi %scan3A_45, %scan3A_46 : i32
    %scan3A_48 = arith.constant 1 : i32
    scf.for %scan3A_84 = %scan3A_45 to %scan3A_47 step %scan3A_48  : i32 {
      %mul3A_85 = arith.constant 2 : i32
      %mul3A_86 = arith.muli %mul3A_85, %scan3A_84 : i32
      %add3A_87 = arith.constant 1 : i32
      %add3A_88 = arith.addi %mul3A_86, %add3A_87 : i32
      %dma_wait3A_89 = arith.constant 1 : i32
      %dma_wait3A_90 = arith.constant 0 : i32
      %dma_wait3A_91 = tpu.memref_slice %arg6[%dma_wait3A_89, %dma_wait3A_90] : memref<2x128xi32, #tpu.memory_space<vmem>> -> memref<1x128xi32, #tpu.memory_space<vmem>>
      %dma_wait3A_92 = tpu.memref_squeeze %dma_wait3A_91 : memref<1x128xi32, #tpu.memory_space<vmem>> -> memref<128xi32, #tpu.memory_space<vmem>>
      %dma_wait3A_93 = arith.constant 0 : i32
      %dma_wait3A_94 = arith.constant 0 : i32
      %dma_wait3A_95 = tpu.memref_slice %arg10[%dma_wait3A_93, %dma_wait3A_94] : memref<10112x128xf32, #tpu.memory_space<vmem_shared>> -> memref<10112x128xf32, #tpu.memory_space<vmem_shared>>
      tpu.wait_indirect_dma semaphore(%arg13 : memref<!tpu.dma_semaphore, #tpu.memory_space<semaphore_mem>>) src(%arg8 : memref<128x128xf32, #tpu.memory_space<vmem>>) dst(%dma_wait3A_95 : memref<10112x128xf32, #tpu.memory_space<vmem_shared>>)
      %add3A_96 = arith.constant 1 : i32
      %add3A_97 = arith.addi %add3A_88, %add3A_96 : i32
      "tpu.region"() ({
        %run_scoped3A_151 = tpu.sem_alloc : memref<!tpu.dma_semaphore, #tpu.memory_space<semaphore_mem>>
        %dma_start3A_152 = arith.constant 0 : i32
        %dma_start3A_153 = arith.constant 0 : i32
        %dma_start3A_154 = arith.constant 0 : i32
        %dma_start3A_155 = arith.constant 0 : i32
        %dma_start3A_156 = tpu.memref_slice %arg2[%arg0, %dma_start3A_152, %dma_start3A_153, %dma_start3A_154, %dma_start3A_155] : memref<2x16x80x2x128xi32, #tpu.memory_space<hbm>> -> memref<1x16x80x2x128xi32, #tpu.memory_space<hbm>>
        %dma_start3A_157 = tpu.memref_squeeze %dma_start3A_156 : memref<1x16x80x2x128xi32, #tpu.memory_space<hbm>> -> memref<16x80x2x128xi32, #tpu.memory_space<hbm>>
        %dma_start3A_158 = arith.constant 0 : i32
        %dma_start3A_159 = arith.constant 0 : i32
        %dma_start3A_160 = arith.constant 0 : i32
        %dma_start3A_161 = tpu.memref_slice %dma_start3A_157[%arg1, %dma_start3A_158, %dma_start3A_159, %dma_start3A_160] : memref<16x80x2x128xi32, #tpu.memory_space<hbm>> -> memref<1x80x2x128xi32, #tpu.memory_space<hbm>>
        %dma_start3A_162 = tpu.memref_squeeze %dma_start3A_161 : memref<1x80x2x128xi32, #tpu.memory_space<hbm>> -> memref<80x2x128xi32, #tpu.memory_space<hbm>>
        %dma_start3A_163 = arith.constant 0 : i32
        %dma_start3A_164 = arith.constant 0 : i32
        %dma_start3A_165 = tpu.memref_slice %dma_start3A_162[%add3A_97, %dma_start3A_163, %dma_start3A_164] : memref<80x2x128xi32, #tpu.memory_space<hbm>> -> memref<1x2x128xi32, #tpu.memory_space<hbm>>
        %dma_start3A_166 = tpu.memref_squeeze %dma_start3A_165 : memref<1x2x128xi32, #tpu.memory_space<hbm>> -> memref<2x128xi32, #tpu.memory_space<hbm>>
        %dma_start3A_167 = arith.constant 0 : i32
        %dma_start3A_168 = arith.constant 0 : i32
        %dma_start3A_169 = arith.constant 0 : i32
        %dma_start3A_170 = arith.constant 0 : i32
        %dma_start3A_171 = tpu.memref_slice %arg2[%arg0, %dma_start3A_167, %dma_start3A_168, %dma_start3A_169, %dma_start3A_170] : memref<2x16x80x2x128xi32, #tpu.memory_space<hbm>> -> memref<1x16x80x2x128xi32, #tpu.memory_space<hbm>>
        %dma_start3A_172 = tpu.memref_squeeze %dma_start3A_171 : memref<1x16x80x2x128xi32, #tpu.memory_space<hbm>> -> memref<16x80x2x128xi32, #tpu.memory_space<hbm>>
        %dma_start3A_173 = arith.constant 0 : i32
        %dma_start3A_174 = arith.constant 0 : i32
        %dma_start3A_175 = arith.constant 0 : i32
        %dma_start3A_176 = tpu.memref_slice %dma_start3A_172[%arg1, %dma_start3A_173, %dma_start3A_174, %dma_start3A_175] : memref<16x80x2x128xi32, #tpu.memory_space<hbm>> -> memref<1x80x2x128xi32, #tpu.memory_space<hbm>>
        %dma_start3A_177 = tpu.memref_squeeze %dma_start3A_176 : memref<1x80x2x128xi32, #tpu.memory_space<hbm>> -> memref<80x2x128xi32, #tpu.memory_space<hbm>>
        %dma_start3A_178 = arith.constant 0 : i32
        %dma_start3A_179 = arith.constant 0 : i32
        %dma_start3A_180 = tpu.memref_slice %dma_start3A_177[%add3A_97, %dma_start3A_178, %dma_start3A_179] : memref<80x2x128xi32, #tpu.memory_space<hbm>> -> memref<1x2x128xi32, #tpu.memory_space<hbm>>
        %dma_start3A_181 = tpu.memref_squeeze %dma_start3A_180 : memref<1x2x128xi32, #tpu.memory_space<hbm>> -> memref<2x128xi32, #tpu.memory_space<hbm>>
        tpu.enqueue_dma source(%dma_start3A_181 : memref<2x128xi32, #tpu.memory_space<hbm>>) target(%arg6 : memref<2x128xi32, #tpu.memory_space<vmem>>) target_semaphore(%run_scoped3A_151 : memref<!tpu.dma_semaphore, #tpu.memory_space<semaphore_mem>>)
        %dma_wait3A_182 = arith.constant 0 : i32
        %dma_wait3A_183 = arith.constant 0 : i32
        %dma_wait3A_184 = arith.constant 0 : i32
        %dma_wait3A_185 = arith.constant 0 : i32
        %dma_wait3A_186 = tpu.memref_slice %arg2[%arg0, %dma_wait3A_182, %dma_wait3A_183, %dma_wait3A_184, %dma_wait3A_185] : memref<2x16x80x2x128xi32, #tpu.memory_space<hbm>> -> memref<1x16x80x2x128xi32, #tpu.memory_space<hbm>>
        %dma_wait3A_187 = tpu.memref_squeeze %dma_wait3A_186 : memref<1x16x80x2x128xi32, #tpu.memory_space<hbm>> -> memref<16x80x2x128xi32, #tpu.memory_space<hbm>>
        %dma_wait3A_188 = arith.constant 0 : i32
        %dma_wait3A_189 = arith.constant 0 : i32
        %dma_wait3A_190 = arith.constant 0 : i32
        %dma_wait3A_191 = tpu.memref_slice %dma_wait3A_187[%arg1, %dma_wait3A_188, %dma_wait3A_189, %dma_wait3A_190] : memref<16x80x2x128xi32, #tpu.memory_space<hbm>> -> memref<1x80x2x128xi32, #tpu.memory_space<hbm>>
        %dma_wait3A_192 = tpu.memref_squeeze %dma_wait3A_191 : memref<1x80x2x128xi32, #tpu.memory_space<hbm>> -> memref<80x2x128xi32, #tpu.memory_space<hbm>>
        %dma_wait3A_193 = arith.constant 0 : i32
        %dma_wait3A_194 = arith.constant 0 : i32
        %dma_wait3A_195 = tpu.memref_slice %dma_wait3A_192[%add3A_97, %dma_wait3A_193, %dma_wait3A_194] : memref<80x2x128xi32, #tpu.memory_space<hbm>> -> memref<1x2x128xi32, #tpu.memory_space<hbm>>
        %dma_wait3A_196 = tpu.memref_squeeze %dma_wait3A_195 : memref<1x2x128xi32, #tpu.memory_space<hbm>> -> memref<2x128xi32, #tpu.memory_space<hbm>>
        %dma_wait3A_197 = arith.constant 0 : i32
        %dma_wait3A_198 = arith.constant 0 : i32
        %dma_wait3A_199 = arith.constant 0 : i32
        %dma_wait3A_200 = arith.constant 0 : i32
        %dma_wait3A_201 = tpu.memref_slice %arg2[%arg0, %dma_wait3A_197, %dma_wait3A_198, %dma_wait3A_199, %dma_wait3A_200] : memref<2x16x80x2x128xi32, #tpu.memory_space<hbm>> -> memref<1x16x80x2x128xi32, #tpu.memory_space<hbm>>
        %dma_wait3A_202 = tpu.memref_squeeze %dma_wait3A_201 : memref<1x16x80x2x128xi32, #tpu.memory_space<hbm>> -> memref<16x80x2x128xi32, #tpu.memory_space<hbm>>
        %dma_wait3A_203 = arith.constant 0 : i32
        %dma_wait3A_204 = arith.constant 0 : i32
        %dma_wait3A_205 = arith.constant 0 : i32
        %dma_wait3A_206 = tpu.memref_slice %dma_wait3A_202[%arg1, %dma_wait3A_203, %dma_wait3A_204, %dma_wait3A_205] : memref<16x80x2x128xi32, #tpu.memory_space<hbm>> -> memref<1x80x2x128xi32, #tpu.memory_space<hbm>>
        %dma_wait3A_207 = tpu.memref_squeeze %dma_wait3A_206 : memref<1x80x2x128xi32, #tpu.memory_space<hbm>> -> memref<80x2x128xi32, #tpu.memory_space<hbm>>
        %dma_wait3A_208 = arith.constant 0 : i32
        %dma_wait3A_209 = arith.constant 0 : i32
        %dma_wait3A_210 = tpu.memref_slice %dma_wait3A_207[%add3A_97, %dma_wait3A_208, %dma_wait3A_209] : memref<80x2x128xi32, #tpu.memory_space<hbm>> -> memref<1x2x128xi32, #tpu.memory_space<hbm>>
        %dma_wait3A_211 = tpu.memref_squeeze %dma_wait3A_210 : memref<1x2x128xi32, #tpu.memory_space<hbm>> -> memref<2x128xi32, #tpu.memory_space<hbm>>
        tpu.wait_dma2 semaphore(%run_scoped3A_151 : memref<!tpu.dma_semaphore, #tpu.memory_space<semaphore_mem>>) src(%dma_wait3A_211 : memref<2x128xi32, #tpu.memory_space<hbm>>) dst(%arg6 : memref<2x128xi32, #tpu.memory_space<vmem>>)
        tpu.yield
      }) : () -> ()
      %dma_wait3A_98 = arith.constant 0 : i32
      %dma_wait3A_99 = arith.constant 0 : i32
      %dma_wait3A_100 = tpu.memref_slice %arg7[%dma_wait3A_98, %dma_wait3A_99] : memref<2x128xi32, #tpu.memory_space<vmem>> -> memref<1x128xi32, #tpu.memory_space<vmem>>
      %dma_wait3A_101 = tpu.memref_squeeze %dma_wait3A_100 : memref<1x128xi32, #tpu.memory_space<vmem>> -> memref<128xi32, #tpu.memory_space<vmem>>
      %dma_wait3A_102 = arith.constant 0 : i32
      %dma_wait3A_103 = arith.constant 0 : i32
      %dma_wait3A_104 = tpu.memref_slice %arg3[%dma_wait3A_102, %dma_wait3A_103] : memref<10000x128xf32, #tpu.memory_space<hbm>> -> memref<10000x128xf32, #tpu.memory_space<hbm>>
      tpu.wait_indirect_dma semaphore(%arg12 : memref<!tpu.dma_semaphore, #tpu.memory_space<semaphore_mem>>) src(%dma_wait3A_104 : memref<10000x128xf32, #tpu.memory_space<hbm>>) dst(%arg9 : memref<128x128xf32, #tpu.memory_space<vmem>>)
      %dma_start3A_105 = arith.constant 0 : i32
      %dma_start3A_106 = arith.constant 0 : i32
      %dma_start3A_107 = tpu.memref_slice %arg6[%dma_start3A_105, %dma_start3A_106] : memref<2x128xi32, #tpu.memory_space<vmem>> -> memref<1x128xi32, #tpu.memory_space<vmem>>
      %dma_start3A_108 = tpu.memref_squeeze %dma_start3A_107 : memref<1x128xi32, #tpu.memory_space<vmem>> -> memref<128xi32, #tpu.memory_space<vmem>>
      %dma_start3A_109 = arith.constant 0 : i32
      %dma_start3A_110 = arith.constant 0 : i32
      %dma_start3A_111 = tpu.memref_slice %arg3[%dma_start3A_109, %dma_start3A_110] : memref<10000x128xf32, #tpu.memory_space<hbm>> -> memref<10000x128xf32, #tpu.memory_space<hbm>>
      tpu.enqueue_indirect_dma source(%dma_start3A_111 : memref<10000x128xf32, #tpu.memory_space<hbm>>) target(%arg8 : memref<128x128xf32, #tpu.memory_space<vmem>>) offsets(%dma_start3A_108 : memref<128xi32, #tpu.memory_space<vmem>>) semaphore(%arg11 : memref<!tpu.dma_semaphore, #tpu.memory_space<semaphore_mem>>)
      %dma_start3A_112 = arith.constant 1 : i32
      %dma_start3A_113 = arith.constant 0 : i32
      %dma_start3A_114 = tpu.memref_slice %arg7[%dma_start3A_112, %dma_start3A_113] : memref<2x128xi32, #tpu.memory_space<vmem>> -> memref<1x128xi32, #tpu.memory_space<vmem>>
      %dma_start3A_115 = tpu.memref_squeeze %dma_start3A_114 : memref<1x128xi32, #tpu.memory_space<vmem>> -> memref<128xi32, #tpu.memory_space<vmem>>
      %dma_start3A_116 = arith.constant 0 : i32
      %dma_start3A_117 = arith.constant 0 : i32
      %dma_start3A_118 = tpu.memref_slice %arg10[%dma_start3A_116, %dma_start3A_117] : memref<10112x128xf32, #tpu.memory_space<vmem_shared>> -> memref<10112x128xf32, #tpu.memory_space<vmem_shared>>
      tpu.enqueue_indirect_dma source(%arg9 : memref<128x128xf32, #tpu.memory_space<vmem>>) target(%dma_start3A_118 : memref<10112x128xf32, #tpu.memory_space<vmem_shared>>) offsets(%dma_start3A_115 : memref<128xi32, #tpu.memory_space<vmem>>) semaphore(%arg14 : memref<!tpu.dma_semaphore, #tpu.memory_space<semaphore_mem>>) {add = true}
      %add3A_119 = arith.constant 1 : i32
      %add3A_120 = arith.addi %add3A_88, %add3A_119 : i32
      %dma_wait3A_121 = arith.constant 1 : i32
      %dma_wait3A_122 = arith.constant 0 : i32
      %dma_wait3A_123 = tpu.memref_slice %arg7[%dma_wait3A_121, %dma_wait3A_122] : memref<2x128xi32, #tpu.memory_space<vmem>> -> memref<1x128xi32, #tpu.memory_space<vmem>>
      %dma_wait3A_124 = tpu.memref_squeeze %dma_wait3A_123 : memref<1x128xi32, #tpu.memory_space<vmem>> -> memref<128xi32, #tpu.memory_space<vmem>>
      %dma_wait3A_125 = arith.constant 0 : i32
      %dma_wait3A_126 = arith.constant 0 : i32
      %dma_wait3A_127 = tpu.memref_slice %arg10[%dma_wait3A_125, %dma_wait3A_126] : memref<10112x128xf32, #tpu.memory_space<vmem_shared>> -> memref<10112x128xf32, #tpu.memory_space<vmem_shared>>
      tpu.wait_indirect_dma semaphore(%arg14 : memref<!tpu.dma_semaphore, #tpu.memory_space<semaphore_mem>>) src(%arg9 : memref<128x128xf32, #tpu.memory_space<vmem>>) dst(%dma_wait3A_127 : memref<10112x128xf32, #tpu.memory_space<vmem_shared>>)
      %add3A_128 = arith.constant 1 : i32
      %add3A_129 = arith.addi %add3A_120, %add3A_128 : i32
      "tpu.region"() ({
        %run_scoped3A_151 = tpu.sem_alloc : memref<!tpu.dma_semaphore, #tpu.memory_space<semaphore_mem>>
        %dma_start3A_152 = arith.constant 0 : i32
        %dma_start3A_153 = arith.constant 0 : i32
        %dma_start3A_154 = arith.constant 0 : i32
        %dma_start3A_155 = arith.constant 0 : i32
        %dma_start3A_156 = tpu.memref_slice %arg2[%arg0, %dma_start3A_152, %dma_start3A_153, %dma_start3A_154, %dma_start3A_155] : memref<2x16x80x2x128xi32, #tpu.memory_space<hbm>> -> memref<1x16x80x2x128xi32, #tpu.memory_space<hbm>>
        %dma_start3A_157 = tpu.memref_squeeze %dma_start3A_156 : memref<1x16x80x2x128xi32, #tpu.memory_space<hbm>> -> memref<16x80x2x128xi32, #tpu.memory_space<hbm>>
        %dma_start3A_158 = arith.constant 0 : i32
        %dma_start3A_159 = arith.constant 0 : i32
        %dma_start3A_160 = arith.constant 0 : i32
        %dma_start3A_161 = tpu.memref_slice %dma_start3A_157[%arg1, %dma_start3A_158, %dma_start3A_159, %dma_start3A_160] : memref<16x80x2x128xi32, #tpu.memory_space<hbm>> -> memref<1x80x2x128xi32, #tpu.memory_space<hbm>>
        %dma_start3A_162 = tpu.memref_squeeze %dma_start3A_161 : memref<1x80x2x128xi32, #tpu.memory_space<hbm>> -> memref<80x2x128xi32, #tpu.memory_space<hbm>>
        %dma_start3A_163 = arith.constant 0 : i32
        %dma_start3A_164 = arith.constant 0 : i32
        %dma_start3A_165 = tpu.memref_slice %dma_start3A_162[%add3A_129, %dma_start3A_163, %dma_start3A_164] : memref<80x2x128xi32, #tpu.memory_space<hbm>> -> memref<1x2x128xi32, #tpu.memory_space<hbm>>
        %dma_start3A_166 = tpu.memref_squeeze %dma_start3A_165 : memref<1x2x128xi32, #tpu.memory_space<hbm>> -> memref<2x128xi32, #tpu.memory_space<hbm>>
        %dma_start3A_167 = arith.constant 0 : i32
        %dma_start3A_168 = arith.constant 0 : i32
        %dma_start3A_169 = arith.constant 0 : i32
        %dma_start3A_170 = arith.constant 0 : i32
        %dma_start3A_171 = tpu.memref_slice %arg2[%arg0, %dma_start3A_167, %dma_start3A_168, %dma_start3A_169, %dma_start3A_170] : memref<2x16x80x2x128xi32, #tpu.memory_space<hbm>> -> memref<1x16x80x2x128xi32, #tpu.memory_space<hbm>>
        %dma_start3A_172 = tpu.memref_squeeze %dma_start3A_171 : memref<1x16x80x2x128xi32, #tpu.memory_space<hbm>> -> memref<16x80x2x128xi32, #tpu.memory_space<hbm>>
        %dma_start3A_173 = arith.constant 0 : i32
        %dma_start3A_174 = arith.constant 0 : i32
        %dma_start3A_175 = arith.constant 0 : i32
        %dma_start3A_176 = tpu.memref_slice %dma_start3A_172[%arg1, %dma_start3A_173, %dma_start3A_174, %dma_start3A_175] : memref<16x80x2x128xi32, #tpu.memory_space<hbm>> -> memref<1x80x2x128xi32, #tpu.memory_space<hbm>>
        %dma_start3A_177 = tpu.memref_squeeze %dma_start3A_176 : memref<1x80x2x128xi32, #tpu.memory_space<hbm>> -> memref<80x2x128xi32, #tpu.memory_space<hbm>>
        %dma_start3A_178 = arith.constant 0 : i32
        %dma_start3A_179 = arith.constant 0 : i32
        %dma_start3A_180 = tpu.memref_slice %dma_start3A_177[%add3A_129, %dma_start3A_178, %dma_start3A_179] : memref<80x2x128xi32, #tpu.memory_space<hbm>> -> memref<1x2x128xi32, #tpu.memory_space<hbm>>
        %dma_start3A_181 = tpu.memref_squeeze %dma_start3A_180 : memref<1x2x128xi32, #tpu.memory_space<hbm>> -> memref<2x128xi32, #tpu.memory_space<hbm>>
        tpu.enqueue_dma source(%dma_start3A_181 : memref<2x128xi32, #tpu.memory_space<hbm>>) target(%arg7 : memref<2x128xi32, #tpu.memory_space<vmem>>) target_semaphore(%run_scoped3A_151 : memref<!tpu.dma_semaphore, #tpu.memory_space<semaphore_mem>>)
        %dma_wait3A_182 = arith.constant 0 : i32
        %dma_wait3A_183 = arith.constant 0 : i32
        %dma_wait3A_184 = arith.constant 0 : i32
        %dma_wait3A_185 = arith.constant 0 : i32
        %dma_wait3A_186 = tpu.memref_slice %arg2[%arg0, %dma_wait3A_182, %dma_wait3A_183, %dma_wait3A_184, %dma_wait3A_185] : memref<2x16x80x2x128xi32, #tpu.memory_space<hbm>> -> memref<1x16x80x2x128xi32, #tpu.memory_space<hbm>>
        %dma_wait3A_187 = tpu.memref_squeeze %dma_wait3A_186 : memref<1x16x80x2x128xi32, #tpu.memory_space<hbm>> -> memref<16x80x2x128xi32, #tpu.memory_space<hbm>>
        %dma_wait3A_188 = arith.constant 0 : i32
        %dma_wait3A_189 = arith.constant 0 : i32
        %dma_wait3A_190 = arith.constant 0 : i32
        %dma_wait3A_191 = tpu.memref_slice %dma_wait3A_187[%arg1, %dma_wait3A_188, %dma_wait3A_189, %dma_wait3A_190] : memref<16x80x2x128xi32, #tpu.memory_space<hbm>> -> memref<1x80x2x128xi32, #tpu.memory_space<hbm>>
        %dma_wait3A_192 = tpu.memref_squeeze %dma_wait3A_191 : memref<1x80x2x128xi32, #tpu.memory_space<hbm>> -> memref<80x2x128xi32, #tpu.memory_space<hbm>>
        %dma_wait3A_193 = arith.constant 0 : i32
        %dma_wait3A_194 = arith.constant 0 : i32
        %dma_wait3A_195 = tpu.memref_slice %dma_wait3A_192[%add3A_129, %dma_wait3A_193, %dma_wait3A_194] : memref<80x2x128xi32, #tpu.memory_space<hbm>> -> memref<1x2x128xi32, #tpu.memory_space<hbm>>
        %dma_wait3A_196 = tpu.memref_squeeze %dma_wait3A_195 : memref<1x2x128xi32, #tpu.memory_space<hbm>> -> memref<2x128xi32, #tpu.memory_space<hbm>>
        %dma_wait3A_197 = arith.constant 0 : i32
        %dma_wait3A_198 = arith.constant 0 : i32
        %dma_wait3A_199 = arith.constant 0 : i32
        %dma_wait3A_200 = arith.constant 0 : i32
        %dma_wait3A_201 = tpu.memref_slice %arg2[%arg0, %dma_wait3A_197, %dma_wait3A_198, %dma_wait3A_199, %dma_wait3A_200] : memref<2x16x80x2x128xi32, #tpu.memory_space<hbm>> -> memref<1x16x80x2x128xi32, #tpu.memory_space<hbm>>
        %dma_wait3A_202 = tpu.memref_squeeze %dma_wait3A_201 : memref<1x16x80x2x128xi32, #tpu.memory_space<hbm>> -> memref<16x80x2x128xi32, #tpu.memory_space<hbm>>
        %dma_wait3A_203 = arith.constant 0 : i32
        %dma_wait3A_204 = arith.constant 0 : i32
        %dma_wait3A_205 = arith.constant 0 : i32
        %dma_wait3A_206 = tpu.memref_slice %dma_wait3A_202[%arg1, %dma_wait3A_203, %dma_wait3A_204, %dma_wait3A_205] : memref<16x80x2x128xi32, #tpu.memory_space<hbm>> -> memref<1x80x2x128xi32, #tpu.memory_space<hbm>>
        %dma_wait3A_207 = tpu.memref_squeeze %dma_wait3A_206 : memref<1x80x2x128xi32, #tpu.memory_space<hbm>> -> memref<80x2x128xi32, #tpu.memory_space<hbm>>
        %dma_wait3A_208 = arith.constant 0 : i32
        %dma_wait3A_209 = arith.constant 0 : i32
        %dma_wait3A_210 = tpu.memref_slice %dma_wait3A_207[%add3A_129, %dma_wait3A_208, %dma_wait3A_209] : memref<80x2x128xi32, #tpu.memory_space<hbm>> -> memref<1x2x128xi32, #tpu.memory_space<hbm>>
        %dma_wait3A_211 = tpu.memref_squeeze %dma_wait3A_210 : memref<1x2x128xi32, #tpu.memory_space<hbm>> -> memref<2x128xi32, #tpu.memory_space<hbm>>
        tpu.wait_dma2 semaphore(%run_scoped3A_151 : memref<!tpu.dma_semaphore, #tpu.memory_space<semaphore_mem>>) src(%dma_wait3A_211 : memref<2x128xi32, #tpu.memory_space<hbm>>) dst(%arg7 : memref<2x128xi32, #tpu.memory_space<vmem>>)
        tpu.yield
      }) : () -> ()
      %dma_wait3A_130 = arith.constant 0 : i32
      %dma_wait3A_131 = arith.constant 0 : i32
      %dma_wait3A_132 = tpu.memref_slice %arg6[%dma_wait3A_130, %dma_wait3A_131] : memref<2x128xi32, #tpu.memory_space<vmem>> -> memref<1x128xi32, #tpu.memory_space<vmem>>
      %dma_wait3A_133 = tpu.memref_squeeze %dma_wait3A_132 : memref<1x128xi32, #tpu.memory_space<vmem>> -> memref<128xi32, #tpu.memory_space<vmem>>
      %dma_wait3A_134 = arith.constant 0 : i32
      %dma_wait3A_135 = arith.constant 0 : i32
      %dma_wait3A_136 = tpu.memref_slice %arg3[%dma_wait3A_134, %dma_wait3A_135] : memref<10000x128xf32, #tpu.memory_space<hbm>> -> memref<10000x128xf32, #tpu.memory_space<hbm>>
      tpu.wait_indirect_dma semaphore(%arg11 : memref<!tpu.dma_semaphore, #tpu.memory_space<semaphore_mem>>) src(%dma_wait3A_136 : memref<10000x128xf32, #tpu.memory_space<hbm>>) dst(%arg8 : memref<128x128xf32, #tpu.memory_space<vmem>>)
      %dma_start3A_137 = arith.constant 0 : i32
      %dma_start3A_138 = arith.constant 0 : i32
      %dma_start3A_139 = tpu.memref_slice %arg7[%dma_start3A_137, %dma_start3A_138] : memref<2x128xi32, #tpu.memory_space<vmem>> -> memref<1x128xi32, #tpu.memory_space<vmem>>
      %dma_start3A_140 = tpu.memref_squeeze %dma_start3A_139 : memref<1x128xi32, #tpu.memory_space<vmem>> -> memref<128xi32, #tpu.memory_space<vmem>>
      %dma_start3A_141 = arith.constant 0 : i32
      %dma_start3A_142 = arith.constant 0 : i32
      %dma_start3A_143 = tpu.memref_slice %arg3[%dma_start3A_141, %dma_start3A_142] : memref<10000x128xf32, #tpu.memory_space<hbm>> -> memref<10000x128xf32, #tpu.memory_space<hbm>>
      tpu.enqueue_indirect_dma source(%dma_start3A_143 : memref<10000x128xf32, #tpu.memory_space<hbm>>) target(%arg9 : memref<128x128xf32, #tpu.memory_space<vmem>>) offsets(%dma_start3A_140 : memref<128xi32, #tpu.memory_space<vmem>>) semaphore(%arg12 : memref<!tpu.dma_semaphore, #tpu.memory_space<semaphore_mem>>)
      %dma_start3A_144 = arith.constant 1 : i32
      %dma_start3A_145 = arith.constant 0 : i32
      %dma_start3A_146 = tpu.memref_slice %arg6[%dma_start3A_144, %dma_start3A_145] : memref<2x128xi32, #tpu.memory_space<vmem>> -> memref<1x128xi32, #tpu.memory_space<vmem>>
      %dma_start3A_147 = tpu.memref_squeeze %dma_start3A_146 : memref<1x128xi32, #tpu.memory_space<vmem>> -> memref<128xi32, #tpu.memory_space<vmem>>
      %dma_start3A_148 = arith.constant 0 : i32
      %dma_start3A_149 = arith.constant 0 : i32
      %dma_start3A_150 = tpu.memref_slice %arg10[%dma_start3A_148, %dma_start3A_149] : memref<10112x128xf32, #tpu.memory_space<vmem_shared>> -> memref<10112x128xf32, #tpu.memory_space<vmem_shared>>
      tpu.enqueue_indirect_dma source(%arg8 : memref<128x128xf32, #tpu.memory_space<vmem>>) target(%dma_start3A_150 : memref<10112x128xf32, #tpu.memory_space<vmem_shared>>) offsets(%dma_start3A_147 : memref<128xi32, #tpu.memory_space<vmem>>) semaphore(%arg13 : memref<!tpu.dma_semaphore, #tpu.memory_space<semaphore_mem>>) {add = true}
    }
    %scan3A_49 = arith.constant 39 : i32
    %dma_wait3A_50 = arith.constant 1 : i32
    %dma_wait3A_51 = arith.constant 0 : i32
    %dma_wait3A_52 = tpu.memref_slice %arg6[%dma_wait3A_50, %dma_wait3A_51] : memref<2x128xi32, #tpu.memory_space<vmem>> -> memref<1x128xi32, #tpu.memory_space<vmem>>
    %dma_wait3A_53 = tpu.memref_squeeze %dma_wait3A_52 : memref<1x128xi32, #tpu.memory_space<vmem>> -> memref<128xi32, #tpu.memory_space<vmem>>
    %dma_wait3A_54 = arith.constant 0 : i32
    %dma_wait3A_55 = arith.constant 0 : i32
    %dma_wait3A_56 = tpu.memref_slice %arg10[%dma_wait3A_54, %dma_wait3A_55] : memref<10112x128xf32, #tpu.memory_space<vmem_shared>> -> memref<10112x128xf32, #tpu.memory_space<vmem_shared>>
    tpu.wait_indirect_dma semaphore(%arg13 : memref<!tpu.dma_semaphore, #tpu.memory_space<semaphore_mem>>) src(%arg8 : memref<128x128xf32, #tpu.memory_space<vmem>>) dst(%dma_wait3A_56 : memref<10112x128xf32, #tpu.memory_space<vmem_shared>>)
    %dma_wait3A_57 = arith.constant 0 : i32
    %dma_wait3A_58 = arith.constant 0 : i32
    %dma_wait3A_59 = tpu.memref_slice %arg7[%dma_wait3A_57, %dma_wait3A_58] : memref<2x128xi32, #tpu.memory_space<vmem>> -> memref<1x128xi32, #tpu.memory_space<vmem>>
    %dma_wait3A_60 = tpu.memref_squeeze %dma_wait3A_59 : memref<1x128xi32, #tpu.memory_space<vmem>> -> memref<128xi32, #tpu.memory_space<vmem>>
    %dma_wait3A_61 = arith.constant 0 : i32
    %dma_wait3A_62 = arith.constant 0 : i32
    %dma_wait3A_63 = tpu.memref_slice %arg3[%dma_wait3A_61, %dma_wait3A_62] : memref<10000x128xf32, #tpu.memory_space<hbm>> -> memref<10000x128xf32, #tpu.memory_space<hbm>>
    tpu.wait_indirect_dma semaphore(%arg12 : memref<!tpu.dma_semaphore, #tpu.memory_space<semaphore_mem>>) src(%dma_wait3A_63 : memref<10000x128xf32, #tpu.memory_space<hbm>>) dst(%arg9 : memref<128x128xf32, #tpu.memory_space<vmem>>)
    %dma_start3A_64 = arith.constant 1 : i32
    %dma_start3A_65 = arith.constant 0 : i32
    %dma_start3A_66 = tpu.memref_slice %arg7[%dma_start3A_64, %dma_start3A_65] : memref<2x128xi32, #tpu.memory_space<vmem>> -> memref<1x128xi32, #tpu.memory_space<vmem>>
    %dma_start3A_67 = tpu.memref_squeeze %dma_start3A_66 : memref<1x128xi32, #tpu.memory_space<vmem>> -> memref<128xi32, #tpu.memory_space<vmem>>
    %dma_start3A_68 = arith.constant 0 : i32
    %dma_start3A_69 = arith.constant 0 : i32
    %dma_start3A_70 = tpu.memref_slice %arg10[%dma_start3A_68, %dma_start3A_69] : memref<10112x128xf32, #tpu.memory_space<vmem_shared>> -> memref<10112x128xf32, #tpu.memory_space<vmem_shared>>
    tpu.enqueue_indirect_dma source(%arg9 : memref<128x128xf32, #tpu.memory_space<vmem>>) target(%dma_start3A_70 : memref<10112x128xf32, #tpu.memory_space<vmem_shared>>) offsets(%dma_start3A_67 : memref<128xi32, #tpu.memory_space<vmem>>) semaphore(%arg14 : memref<!tpu.dma_semaphore, #tpu.memory_space<semaphore_mem>>) {add = true}
    %dma_wait3A_71 = arith.constant 1 : i32
    %dma_wait3A_72 = arith.constant 0 : i32
    %dma_wait3A_73 = tpu.memref_slice %arg7[%dma_wait3A_71, %dma_wait3A_72] : memref<2x128xi32, #tpu.memory_space<vmem>> -> memref<1x128xi32, #tpu.memory_space<vmem>>
    %dma_wait3A_74 = tpu.memref_squeeze %dma_wait3A_73 : memref<1x128xi32, #tpu.memory_space<vmem>> -> memref<128xi32, #tpu.memory_space<vmem>>
    %dma_wait3A_75 = arith.constant 0 : i32
    %dma_wait3A_76 = arith.constant 0 : i32
    %dma_wait3A_77 = tpu.memref_slice %arg10[%dma_wait3A_75, %dma_wait3A_76] : memref<10112x128xf32, #tpu.memory_space<vmem_shared>> -> memref<10112x128xf32, #tpu.memory_space<vmem_shared>>
    tpu.wait_indirect_dma semaphore(%arg14 : memref<!tpu.dma_semaphore, #tpu.memory_space<semaphore_mem>>) src(%arg9 : memref<128x128xf32, #tpu.memory_space<vmem>>) dst(%dma_wait3A_77 : memref<10112x128xf32, #tpu.memory_space<vmem_shared>>)
    %barrier3A_78 = arith.constant 0 : index
    tpu.barrier barrier_id(%barrier3A_78)
    %mul3A_79 = arith.constant 632 : i32
    %mul3A_80 = arith.muli %arg1, %mul3A_79 : i32
    %mul3A_81 = arith.constant 16 : i32
    %mul3A_82 = arith.muli %arg0, %mul3A_81 : i32
    %add3A_83 = arith.addi %mul3A_82, %arg1 : i32
    "tpu.region"() ({
      %run_scoped3A_84 = tpu.sem_alloc : memref<!tpu.dma_semaphore, #tpu.memory_space<semaphore_mem>>
      %dma_start3A_85 = arith.constant 0 : i32
      %dma_start3A_86 = arith.constant 0 : i32
      %dma_start3A_87 = tpu.memref_slice %arg5[%add3A_83, %dma_start3A_85, %dma_start3A_86] : memref<32x632x128xf32, #tpu.memory_space<hbm>> -> memref<1x632x128xf32, #tpu.memory_space<hbm>>
      %dma_start3A_88 = tpu.memref_squeeze %dma_start3A_87 : memref<1x632x128xf32, #tpu.memory_space<hbm>> -> memref<632x128xf32, #tpu.memory_space<hbm>>
      %dma_start3A_89 = arith.constant 0 : i32
      %dma_start3A_90 = tpu.memref_slice %arg10[%mul3A_80, %dma_start3A_89] : memref<10112x128xf32, #tpu.memory_space<vmem_shared>> -> memref<632x128xf32, #tpu.memory_space<vmem_shared>>
      tpu.enqueue_dma source(%dma_start3A_90 : memref<632x128xf32, #tpu.memory_space<vmem_shared>>) target(%dma_start3A_88 : memref<632x128xf32, #tpu.memory_space<hbm>>) target_semaphore(%run_scoped3A_84 : memref<!tpu.dma_semaphore, #tpu.memory_space<semaphore_mem>>)
      %dma_wait3A_91 = arith.constant 0 : i32
      %dma_wait3A_92 = arith.constant 0 : i32
      %dma_wait3A_93 = tpu.memref_slice %arg5[%add3A_83, %dma_wait3A_91, %dma_wait3A_92] : memref<32x632x128xf32, #tpu.memory_space<hbm>> -> memref<1x632x128xf32, #tpu.memory_space<hbm>>
      %dma_wait3A_94 = tpu.memref_squeeze %dma_wait3A_93 : memref<1x632x128xf32, #tpu.memory_space<hbm>> -> memref<632x128xf32, #tpu.memory_space<hbm>>
      %dma_wait3A_95 = arith.constant 0 : i32
      %dma_wait3A_96 = tpu.memref_slice %arg10[%mul3A_80, %dma_wait3A_95] : memref<10112x128xf32, #tpu.memory_space<vmem_shared>> -> memref<632x128xf32, #tpu.memory_space<vmem_shared>>
      tpu.wait_dma2 semaphore(%run_scoped3A_84 : memref<!tpu.dma_semaphore, #tpu.memory_space<semaphore_mem>>) src(%dma_wait3A_96 : memref<632x128xf32, #tpu.memory_space<vmem_shared>>) dst(%dma_wait3A_94 : memref<632x128xf32, #tpu.memory_space<hbm>>)
      tpu.yield
    }) : () -> ()
    return
  }
}

module attributes {stable_mosaic.version = 14 : i64} {
  func.func @_dense_kernel(%arg0: i32, %arg1: memref<2x1000x128xf32, #tpu.memory_space<vmem>>, %arg2: memref<2x1000x128xf32, #tpu.memory_space<vmem>>, %arg3: memref<1000x128xf32, #tpu.memory_space<vmem>>, %arg4: memref<128x128xf32, #tpu.memory_space<vmem>>, %arg5: memref<1x128xf32, #tpu.memory_space<vmem>>, %arg6: memref<128x128xf32, #tpu.memory_space<vmem>>, %arg7: memref<1000x128xf32, #tpu.memory_space<vmem>>) attributes {dimension_semantics = [#tpu.dimension_semantics<arbitrary>], iteration_bounds = array<i64: 10>, scalar_prefetch = 0 : i64, scratch_operands = 0 : i64, tpu.core_type = #tpu.core_type<tc>, window_params = [{transform_indices = @transform_0, window_bounds = array<i64: 2, 1000, 128>}, {transform_indices = @transform_1, window_bounds = array<i64: 2, 1000, 128>}, {transform_indices = @transform_2, window_bounds = array<i64: 1000, 128>}, {pipeline_mode = #tpu.pipeline_mode<synchronous>, transform_indices = @transform_3, window_bounds = array<i64: 128, 128>}, {pipeline_mode = #tpu.pipeline_mode<synchronous>, transform_indices = @transform_4, window_bounds = array<i64: 1, 128>}, {pipeline_mode = #tpu.pipeline_mode<synchronous>, transform_indices = @transform_5, window_bounds = array<i64: 128, 128>}, {transform_indices = @transform_6, window_bounds = array<i64: 1000, 128>}]} {
    %get3A = arith.constant 0 : index
    %get3A_0 = arith.constant 0 : index
    %get3A_1 = arith.constant 0 : index
    %get3A_2 = vector.load %arg2[%get3A, %get3A_0, %get3A_1] : memref<2x1000x128xf32, #tpu.memory_space<vmem>>, vector<1x1000x128xf32>
    %get3A_3 = vector.shape_cast %get3A_2 : vector<1x1000x128xf32> to vector<1000x128xf32>
    %get3A_4 = arith.constant 1 : index
    %get3A_5 = arith.constant 0 : index
    %get3A_6 = arith.constant 0 : index
    %get3A_7 = vector.load %arg2[%get3A_4, %get3A_5, %get3A_6] : memref<2x1000x128xf32, #tpu.memory_space<vmem>>, vector<1x1000x128xf32>
    %get3A_8 = vector.shape_cast %get3A_7 : vector<1x1000x128xf32> to vector<1000x128xf32>
    %add3A = arith.addf %get3A_3, %get3A_8 : vector<1000x128xf32>
    %slice3A = vector.extract_strided_slice %add3A {offsets = [0, 0], sizes = [1000, 1], strides = [1, 1]} : vector<1000x128xf32> to vector<1000x1xf32>
    %max3A = arith.constant 1.000000e+00 : f32
    %max3A_9 = vector.broadcast %max3A : f32 to vector<1000x1xf32>
    %max3A_10 = arith.maximumf %slice3A, %max3A_9 : vector<1000x1xf32>
    %get3A_11 = arith.constant 0 : index
    %get3A_12 = arith.constant 0 : index
    %get3A_13 = arith.constant 0 : index
    %get3A_14 = vector.load %arg1[%get3A_11, %get3A_12, %get3A_13] : memref<2x1000x128xf32, #tpu.memory_space<vmem>>, vector<1x1000x128xf32>
    %get3A_15 = vector.shape_cast %get3A_14 : vector<1x1000x128xf32> to vector<1000x128xf32>
    %get3A_16 = arith.constant 1 : index
    %get3A_17 = arith.constant 0 : index
    %get3A_18 = arith.constant 0 : index
    %get3A_19 = vector.load %arg1[%get3A_16, %get3A_17, %get3A_18] : memref<2x1000x128xf32, #tpu.memory_space<vmem>>, vector<1x1000x128xf32>
    %get3A_20 = vector.shape_cast %get3A_19 : vector<1x1000x128xf32> to vector<1000x128xf32>
    %add3A_21 = arith.addf %get3A_15, %get3A_20 : vector<1000x128xf32>
    %div3A = vector.broadcast %max3A_10 : vector<1000x1xf32> to vector<1000x128xf32>
    %div3A_22 = arith.divf %add3A_21, %div3A : vector<1000x128xf32>
    %get3A_23 = arith.constant 0 : index
    %get3A_24 = arith.constant 0 : index
    %get3A_25 = vector.load %arg4[%get3A_23, %get3A_24] : memref<128x128xf32, #tpu.memory_space<vmem>>, vector<128x128xf32>
    %dot_general3A = arith.constant dense<0.000000e+00> : vector<1000x128xf32>
    %dot_general3A_26 = tpu.matmul %div3A_22, %get3A_25, %dot_general3A {dimension_numbers = #tpu.dot_dimension_numbers<[1], [1], [0], [0], [0, 0, 1, 0], [], []>, transpose_lhs_hint = false} : vector<1000x128xf32>, vector<128x128xf32>, vector<1000x128xf32> -> vector<1000x128xf32>
    %get3A_27 = arith.constant 0 : index
    %get3A_28 = arith.constant 0 : index
    %get3A_29 = vector.load %arg3[%get3A_27, %get3A_28] : memref<1000x128xf32, #tpu.memory_space<vmem>>, vector<1000x128xf32>
    %get3A_30 = arith.constant 0 : index
    %get3A_31 = arith.constant 0 : index
    %get3A_32 = vector.load %arg6[%get3A_30, %get3A_31] : memref<128x128xf32, #tpu.memory_space<vmem>>, vector<128x128xf32>
    %dot_general3A_33 = arith.constant dense<0.000000e+00> : vector<1000x128xf32>
    %dot_general3A_34 = tpu.matmul %get3A_29, %get3A_32, %dot_general3A_33 {dimension_numbers = #tpu.dot_dimension_numbers<[1], [1], [0], [0], [0, 0, 1, 0], [], []>, transpose_lhs_hint = false} : vector<1000x128xf32>, vector<128x128xf32>, vector<1000x128xf32> -> vector<1000x128xf32>
    %add3A_35 = arith.addf %dot_general3A_26, %dot_general3A_34 : vector<1000x128xf32>
    %get3A_36 = arith.constant 0 : index
    %get3A_37 = arith.constant 0 : index
    %get3A_38 = vector.load %arg5[%get3A_36, %get3A_37] : memref<1x128xf32, #tpu.memory_space<vmem>>, vector<1x128xf32>
    %add3A_39 = vector.broadcast %get3A_38 : vector<1x128xf32> to vector<1000x128xf32>
    %add3A_40 = arith.addf %add3A_35, %add3A_39 : vector<1000x128xf32>
    %mul3A = arith.mulf %add3A_40, %add3A_40 : vector<1000x128xf32>
    %reduce_sum3A = arith.constant dense<0.000000e+00> : vector<1000xf32>
    %reduce_sum3A_41 = vector.multi_reduction <add>, %mul3A, %reduce_sum3A [1] : vector<1000x128xf32> to vector<1000xf32>
    %broadcast_in_dim3A = vector.shape_cast %reduce_sum3A_41 : vector<1000xf32> to vector<1000x1xf32>
    %sqrt3A = math.sqrt %broadcast_in_dim3A : vector<1000x1xf32>
    %max3A_42 = arith.constant 9.99999996E-13 : f32
    %max3A_43 = vector.broadcast %max3A_42 : f32 to vector<1000x1xf32>
    %max3A_44 = arith.maximumf %sqrt3A, %max3A_43 : vector<1000x1xf32>
    %div3A_45 = vector.broadcast %max3A_44 : vector<1000x1xf32> to vector<1000x128xf32>
    %div3A_46 = arith.divf %add3A_40, %div3A_45 : vector<1000x128xf32>
    %max3A_47 = arith.constant 0.000000e+00 : f32
    %max3A_48 = vector.broadcast %max3A_47 : f32 to vector<1000x128xf32>
    %max3A_49 = arith.maximumf %div3A_46, %max3A_48 : vector<1000x128xf32>
    %swap3A = arith.constant 0 : index
    %swap3A_50 = arith.constant 0 : index
    %swap3A_51 = vector.load %arg7[%swap3A, %swap3A_50] : memref<1000x128xf32, #tpu.memory_space<vmem>>, vector<1000x128xf32>
    tpu.vector_store %arg7[%swap3A, %swap3A_50], %max3A_49 {strides = array<i32>} : memref<1000x128xf32, #tpu.memory_space<vmem>>, vector<1000x128xf32>,
    return
  }
  func.func @transform_0(%arg0: i32) -> (i32, i32, i32) {
    %c0_i32 = arith.constant 0 : i32
    %c0_i32_0 = arith.constant 0 : i32
    %c0_i32_1 = arith.constant 0 : i32
    return %c0_i32, %arg0, %c0_i32_0 : i32, i32, i32
  }
  func.func @transform_1(%arg0: i32) -> (i32, i32, i32) {
    %c0_i32 = arith.constant 0 : i32
    %c0_i32_0 = arith.constant 0 : i32
    %c0_i32_1 = arith.constant 0 : i32
    return %c0_i32, %arg0, %c0_i32_0 : i32, i32, i32
  }
  func.func @transform_2(%arg0: i32) -> (i32, i32) {
    %c0_i32 = arith.constant 0 : i32
    %c0_i32_0 = arith.constant 0 : i32
    return %arg0, %c0_i32 : i32, i32
  }
  func.func @transform_3(%arg0: i32) -> (i32, i32) {
    %c0_i32 = arith.constant 0 : i32
    %c0_i32_0 = arith.constant 0 : i32
    %c0_i32_1 = arith.constant 0 : i32
    return %c0_i32, %c0_i32_0 : i32, i32
  }
  func.func @transform_4(%arg0: i32) -> (i32, i32) {
    %c0_i32 = arith.constant 0 : i32
    %c0_i32_0 = arith.constant 0 : i32
    %c0_i32_1 = arith.constant 0 : i32
    return %c0_i32, %c0_i32_0 : i32, i32
  }
  func.func @transform_5(%arg0: i32) -> (i32, i32) {
    %c0_i32 = arith.constant 0 : i32
    %c0_i32_0 = arith.constant 0 : i32
    %c0_i32_1 = arith.constant 0 : i32
    return %c0_i32, %c0_i32_0 : i32, i32
  }
  func.func @transform_6(%arg0: i32) -> (i32, i32) {
    %c0_i32 = arith.constant 0 : i32
    %c0_i32_0 = arith.constant 0 : i32
    return %arg0, %c0_i32 : i32, i32
  }
}

module attributes {stable_mosaic.version = 14 : i64} {
  func.func @_dense_kernel(%arg0: i32, %arg1: memref<2x1000x128xf32, #tpu.memory_space<vmem>>, %arg2: memref<2x1000x128xf32, #tpu.memory_space<vmem>>, %arg3: memref<1000x128xf32, #tpu.memory_space<vmem>>, %arg4: memref<128x128xf32, #tpu.memory_space<vmem>>, %arg5: memref<1x128xf32, #tpu.memory_space<vmem>>, %arg6: memref<128x128xf32, #tpu.memory_space<vmem>>, %arg7: memref<1000x128xf32, #tpu.memory_space<vmem>>) attributes {dimension_semantics = [#tpu.dimension_semantics<arbitrary>], iteration_bounds = array<i64: 10>, scalar_prefetch = 0 : i64, scratch_operands = 0 : i64, tpu.core_type = #tpu.core_type<tc>, window_params = [{transform_indices = @transform_0, window_bounds = array<i64: 2, 1000, 128>}, {transform_indices = @transform_1, window_bounds = array<i64: 2, 1000, 128>}, {transform_indices = @transform_2, window_bounds = array<i64: 1000, 128>}, {pipeline_mode = #tpu.pipeline_mode<synchronous>, transform_indices = @transform_3, window_bounds = array<i64: 128, 128>}, {pipeline_mode = #tpu.pipeline_mode<synchronous>, transform_indices = @transform_4, window_bounds = array<i64: 1, 128>}, {pipeline_mode = #tpu.pipeline_mode<synchronous>, transform_indices = @transform_5, window_bounds = array<i64: 128, 128>}, {transform_indices = @transform_6, window_bounds = array<i64: 1000, 128>}]} {
    %get3A = arith.constant 0 : index
    %get3A_0 = arith.constant 0 : index
    %get3A_1 = arith.constant 0 : index
    %get3A_2 = vector.load %arg2[%get3A, %get3A_0, %get3A_1] : memref<2x1000x128xf32, #tpu.memory_space<vmem>>, vector<1x1000x128xf32>
    %get3A_3 = vector.shape_cast %get3A_2 : vector<1x1000x128xf32> to vector<1000x128xf32>
    %get3A_4 = arith.constant 1 : index
    %get3A_5 = arith.constant 0 : index
    %get3A_6 = arith.constant 0 : index
    %get3A_7 = vector.load %arg2[%get3A_4, %get3A_5, %get3A_6] : memref<2x1000x128xf32, #tpu.memory_space<vmem>>, vector<1x1000x128xf32>
    %get3A_8 = vector.shape_cast %get3A_7 : vector<1x1000x128xf32> to vector<1000x128xf32>
    %add3A = arith.addf %get3A_3, %get3A_8 : vector<1000x128xf32>
    %slice3A = vector.extract_strided_slice %add3A {offsets = [0, 0], sizes = [1000, 1], strides = [1, 1]} : vector<1000x128xf32> to vector<1000x1xf32>
    %max3A = arith.constant 1.000000e+00 : f32
    %max3A_9 = vector.broadcast %max3A : f32 to vector<1000x1xf32>
    %max3A_10 = arith.maximumf %slice3A, %max3A_9 : vector<1000x1xf32>
    %get3A_11 = arith.constant 0 : index
    %get3A_12 = arith.constant 0 : index
    %get3A_13 = arith.constant 0 : index
    %get3A_14 = vector.load %arg1[%get3A_11, %get3A_12, %get3A_13] : memref<2x1000x128xf32, #tpu.memory_space<vmem>>, vector<1x1000x128xf32>
    %get3A_15 = vector.shape_cast %get3A_14 : vector<1x1000x128xf32> to vector<1000x128xf32>
    %get3A_16 = arith.constant 1 : index
    %get3A_17 = arith.constant 0 : index
    %get3A_18 = arith.constant 0 : index
    %get3A_19 = vector.load %arg1[%get3A_16, %get3A_17, %get3A_18] : memref<2x1000x128xf32, #tpu.memory_space<vmem>>, vector<1x1000x128xf32>
    %get3A_20 = vector.shape_cast %get3A_19 : vector<1x1000x128xf32> to vector<1000x128xf32>
    %add3A_21 = arith.addf %get3A_15, %get3A_20 : vector<1000x128xf32>
    %div3A = vector.broadcast %max3A_10 : vector<1000x1xf32> to vector<1000x128xf32>
    %div3A_22 = arith.divf %add3A_21, %div3A : vector<1000x128xf32>
    %get3A_23 = arith.constant 0 : index
    %get3A_24 = arith.constant 0 : index
    %get3A_25 = vector.load %arg4[%get3A_23, %get3A_24] : memref<128x128xf32, #tpu.memory_space<vmem>>, vector<128x128xf32>
    %dot_general3A = arith.constant dense<0.000000e+00> : vector<1000x128xf32>
    %dot_general3A_26 = tpu.matmul %div3A_22, %get3A_25, %dot_general3A {dimension_numbers = #tpu.dot_dimension_numbers<[1], [1], [0], [0], [0, 0, 1, 0], [], []>, transpose_lhs_hint = false} : vector<1000x128xf32>, vector<128x128xf32>, vector<1000x128xf32> -> vector<1000x128xf32>
    %get3A_27 = arith.constant 0 : index
    %get3A_28 = arith.constant 0 : index
    %get3A_29 = vector.load %arg3[%get3A_27, %get3A_28] : memref<1000x128xf32, #tpu.memory_space<vmem>>, vector<1000x128xf32>
    %get3A_30 = arith.constant 0 : index
    %get3A_31 = arith.constant 0 : index
    %get3A_32 = vector.load %arg6[%get3A_30, %get3A_31] : memref<128x128xf32, #tpu.memory_space<vmem>>, vector<128x128xf32>
    %dot_general3A_33 = arith.constant dense<0.000000e+00> : vector<1000x128xf32>
    %dot_general3A_34 = tpu.matmul %get3A_29, %get3A_32, %dot_general3A_33 {dimension_numbers = #tpu.dot_dimension_numbers<[1], [1], [0], [0], [0, 0, 1, 0], [], []>, transpose_lhs_hint = false} : vector<1000x128xf32>, vector<128x128xf32>, vector<1000x128xf32> -> vector<1000x128xf32>
    %add3A_35 = arith.addf %dot_general3A_26, %dot_general3A_34 : vector<1000x128xf32>
    %get3A_36 = arith.constant 0 : index
    %get3A_37 = arith.constant 0 : index
    %get3A_38 = vector.load %arg5[%get3A_36, %get3A_37] : memref<1x128xf32, #tpu.memory_space<vmem>>, vector<1x128xf32>
    %add3A_39 = vector.broadcast %get3A_38 : vector<1x128xf32> to vector<1000x128xf32>
    %add3A_40 = arith.addf %add3A_35, %add3A_39 : vector<1000x128xf32>
    %mul3A = arith.mulf %add3A_40, %add3A_40 : vector<1000x128xf32>
    %reduce_sum3A = arith.constant dense<0.000000e+00> : vector<1000xf32>
    %reduce_sum3A_41 = vector.multi_reduction <add>, %mul3A, %reduce_sum3A [1] : vector<1000x128xf32> to vector<1000xf32>
    %broadcast_in_dim3A = vector.shape_cast %reduce_sum3A_41 : vector<1000xf32> to vector<1000x1xf32>
    %sqrt3A = math.sqrt %broadcast_in_dim3A : vector<1000x1xf32>
    %max3A_42 = arith.constant 9.99999996E-13 : f32
    %max3A_43 = vector.broadcast %max3A_42 : f32 to vector<1000x1xf32>
    %max3A_44 = arith.maximumf %sqrt3A, %max3A_43 : vector<1000x1xf32>
    %div3A_45 = vector.broadcast %max3A_44 : vector<1000x1xf32> to vector<1000x128xf32>
    %div3A_46 = arith.divf %add3A_40, %div3A_45 : vector<1000x128xf32>
    %max3A_47 = arith.constant 0.000000e+00 : f32
    %max3A_48 = vector.broadcast %max3A_47 : f32 to vector<1000x128xf32>
    %max3A_49 = arith.maximumf %div3A_46, %max3A_48 : vector<1000x128xf32>
    %swap3A = arith.constant 0 : index
    %swap3A_50 = arith.constant 0 : index
    %swap3A_51 = vector.load %arg7[%swap3A, %swap3A_50] : memref<1000x128xf32, #tpu.memory_space<vmem>>, vector<1000x128xf32>
    tpu.vector_store %arg7[%swap3A, %swap3A_50], %max3A_49 {strides = array<i32>} : memref<1000x128xf32, #tpu.memory_space<vmem>>, vector<1000x128xf32>,
    return
  }
  func.func @transform_0(%arg0: i32) -> (i32, i32, i32) {
    %c0_i32 = arith.constant 0 : i32
    %c0_i32_0 = arith.constant 0 : i32
    %c0_i32_1 = arith.constant 0 : i32
    return %c0_i32, %arg0, %c0_i32_0 : i32, i32, i32
  }
  func.func @transform_1(%arg0: i32) -> (i32, i32, i32) {
    %c0_i32 = arith.constant 0 : i32
    %c0_i32_0 = arith.constant 0 : i32
    %c0_i32_1 = arith.constant 0 : i32
    return %c0_i32, %arg0, %c0_i32_0 : i32, i32, i32
  }
  func.func @transform_2(%arg0: i32) -> (i32, i32) {
    %c0_i32 = arith.constant 0 : i32
    %c0_i32_0 = arith.constant 0 : i32
    return %arg0, %c0_i32 : i32, i32
  }
  func.func @transform_3(%arg0: i32) -> (i32, i32) {
    %c0_i32 = arith.constant 0 : i32
    %c0_i32_0 = arith.constant 0 : i32
    %c0_i32_1 = arith.constant 0 : i32
    return %c0_i32, %c0_i32_0 : i32, i32
  }
  func.func @transform_4(%arg0: i32) -> (i32, i32) {
    %c0_i32 = arith.constant 0 : i32
    %c0_i32_0 = arith.constant 0 : i32
    %c0_i32_1 = arith.constant 0 : i32
    return %c0_i32, %c0_i32_0 : i32, i32
  }
  func.func @transform_5(%arg0: i32) -> (i32, i32) {
    %c0_i32 = arith.constant 0 : i32
    %c0_i32_0 = arith.constant 0 : i32
    %c0_i32_1 = arith.constant 0 : i32
    return %c0_i32, %c0_i32_0 : i32, i32
  }
  func.func @transform_6(%arg0: i32) -> (i32, i32) {
    %c0_i32 = arith.constant 0 : i32
    %c0_i32_0 = arith.constant 0 : i32
    return %arg0, %c0_i32 : i32, i32
  }
}

</mosaic_0001>

<sc_bundles>
// kernel: kernel.10.cloned.1.call-start
scs
__scs_entry_jumppad:
0x0: {  	(pc) =	sbr.rel $0x88, $3  }
0x1: {  	(tag) =	ssettag $0x0;
	lr =	simm.s32 $0x1  }
0x2: {  	[smem:$0x3F99] =	sst lr;
	_ =	strace $0xD0000000  }
0x3: {  	_ = 	snop  }
0x4: {  	_ = 	snop  }
0x5: {  	_ = 	snop  }
0x6: {  	_ = 	snop  }
0x7: {  	_ = 	snop  }
__scs_overlays_trampoline_lowered:
0x8: {  	[smem:$0x3FA8] =	sst s0  }
0x9: {  	[smem:$0x3FA9] =	sst s1  }
0xa: {  	[smem:$0x3FAA] =	sst s2  }
0xb: {  	[smem:$0x3FAB] =	sst s3  }
0xc: {  	[smem:$0x3FAC] =	sst s4  }
0xd: {  	[smem:$0x3FAD] =	sst s5  }
0xe: {  	[smem:$0x3FAE] =	sst s6  }
0xf: {  	[smem:$0x3FAF] =	sst s7  }
0x10: {  	[smem:$0x3FB0] =	sst s8  }
0x11: {  	[smem:$0x3FB1] =	sst s9;
	s0 =	simm.s32 @!p0 $0x0  }
0x12: {  	s1 =	sld [smem:$0x3F97];
	s0 =	simm.s32 @p0 $0x1  }
0x13: {  	[smem:$0x3FB2] =	sst s0;
	s0 =	simm.s32 @!p1 $0x0  }
0x14: {  	s2 =	sld [smem:$0x3F96];
	s0 =	simm.s32 @p1 $0x1  }
0x15: {  	[smem:$0x3FB3] =	sst s0;
	s0 =	simm.s32 @!p2 $0x0  }
0x16: {  	s3 =	sld [smem:$0x3FDB];
	s0 =	simm.s32 @p2 $0x1  }
0x17: {  	s4 =	simm.s32 $0x1BF5;
	[smem:$0x3FB5] =	sst s0  }
0x18: {  	s0 =	sld [smem:$0x3F98];
	_ =	swait.ge [sflag:s4], $0x0  }
0x19: {  	s7 =	sld [smem:$0x3F99]  }
0x1a: {  	s8 =	sadd.s32 $0xFFFFE003, lr  }
0x1b: {  	s9 =	sadd.s32 $0xFFFFFEF7, lr;
	s5 =	simm.s32 $0xFFFFFFFF;
	p2 =	slt.u32 s8, $0xFFFFF086  }
0x1c: {  	p1 =	slt.u32 s9, $0xF7A;
	s5 =	simm.s32 @!p2 $0x0  }
0x1d: {  	s5 =	simm.s32 @p1 $0x1;
	p0 =	seq.s32 s7, s2  }
0x1e: {  	s7 =	smul.u32 @!p0 $0xF7A, s2;
	p2 =	seq.s32 @!p0 s5, $0x0  }
0x1f: {  	s9 =	smul.u32 $0xF7A, s1;
	s8 =	simm.s32 @!p0 $0x1BF5;
	p2 =	por !p2, p0  }
0x20: {  	[sflag:s8] =	ssyncset.s32 @!p0 $0xFFFFF086;
	s6 =	sadd.s32 @!p0 s3, s7;
	s7 =	simm.s32 @!p0 $0x108  }
0x21: {  	s3 =	sadd.s32 s3, s9;
	s6 =	sadd.s32 @!p0 $0x88, s6;
	s7 =	simm.s32 @p2 $0x1082  }
0x22: {  	[simem:s7], [sflag:s8] =	dma.local @!p0 [hbm:s6], $0xF7A  }
0x23: {  	s9 =	sor.u32 $0xD0000000, s2;
	s6 =	simm.s32 $0x108;
	_ =	swait.ge @!p0 [sflag:s8], $0x0  }
0x24: {  	s3 =	sadd.s32 $0x88, s3;
	s6 =	simm.s32 @!p1 $0x1082;
	[sflag:s4] =	ssyncset.s32 $0xFFFFF086  }
0x25: {  	[simem:s6], [sflag:s4] =	dma.local [hbm:s3], $0xF7A  }
0x26: {  	[smem:$0x3F99] =	sst s1;
	(tag) =	ssettag s2;
	_ =	strace s9  }
0x27: {  	s1 =	sld [smem:$0x3FA9]  }
0x28: {  	s2 =	sld [smem:$0x3FAA]  }
0x29: {  	s4 =	sld [smem:$0x3FAC]  }
0x2a: {  	p0 =	seq.s32 s5, $0x0;
	s5 =	sld [smem:$0x3FAD]  }
0x2b: {  	s6 =	sld [smem:$0x3FAE]  }
0x2c: {  	s7 =	sld [smem:$0x3FAF]  }
0x2d: {  	s3 =	simm.s32 $0x108;
	s8 =	sld [smem:$0x3FB0]  }
0x2e: {  	s3 =	simm.s32 @!p0 $0x1082;
	s9 =	sld [smem:$0x3FB1]  }
0x2f: {  	lr =	sadd.s32 s0, s3;
	s0 =	sld [smem:$0x3FA8]  }
0x30: {  	s3 =	sld [smem:$0x3FAB]  }
0x31: {  	[smem:$0x3FB4] =	sst s10  }
0x32: {  	s10 =	sld [smem:$0x3FB2];
	_ =	sdelay $0x3  }
0x33: {  	p0 =	seq.s32 s10, $0x1;
	s10 =	sld [smem:$0x3FB4];
	_ =	sdelay $0x3  }
0x34: {  	[smem:$0x3FB4] =	sst s10  }
0x35: {  	s10 =	sld [smem:$0x3FB3];
	_ =	sdelay $0x3  }
0x36: {  	p1 =	seq.s32 s10, $0x1;
	s10 =	sld [smem:$0x3FB4];
	_ =	sdelay $0x3  }
0x37: {  	[smem:$0x3FB4] =	sst s10  }
0x38: {  	s10 =	sld [smem:$0x3FB5]  }
0x39: {  	_ = 	snop;
	(pc) =	sbr.ind lr, $3  }
0x3a: {  	_ = 	snop  }
0x3b: {  	_ = 	snop  }
0x3c: {  	p2 =	seq.s32 s10, $0x1;
	s10 =	sld [smem:$0x3FB4]  }
0x3d: {  	_ =	shalt  }
0x3e: {  	_ =	shalt  }
0x3f: {  	_ =	shalt  }
0x40: {  	_ =	shalt  }
0x41: {  	_ =	shalt  }
0x42: {  	_ =	shalt  }
0x43: {  	_ =	shalt  }
0x44: {  	_ =	shalt  }
0x45: {  	_ =	shalt  }
0x46: {  	_ =	shalt  }
0x47: {  	_ =	shalt  }
0x48: {  	_ =	shalt  }
0x49: {  	_ =	shalt  }
0x4a: {  	_ =	shalt  }
0x4b: {  	_ =	shalt  }
0x4c: {  	_ =	shalt  }
0x4d: {  	_ =	shalt  }
0x4e: {  	_ =	shalt  }
0x4f: {  	_ =	shalt  }
0x50: {  	_ =	shalt  }
0x51: {  	_ =	shalt  }
0x52: {  	_ =	shalt  }
0x53: {  	_ =	shalt  }
0x54: {  	_ =	shalt  }
0x55: {  	_ =	shalt  }
0x56: {  	_ =	shalt  }
0x57: {  	_ =	shalt  }
0x58: {  	_ =	shalt  }
0x59: {  	_ =	shalt  }
0x5a: {  	_ =	shalt  }
0x5b: {  	_ =	shalt  }
0x5c: {  	_ =	shalt  }
0x5d: {  	_ =	shalt  }
0x5e: {  	_ =	shalt  }
0x5f: {  	_ =	shalt  }
0x60: {  	_ =	shalt  }
0x61: {  	_ =	shalt  }
0x62: {  	_ =	shalt  }
0x63: {  	_ =	shalt  }
0x64: {  	_ =	shalt  }
0x65: {  	_ =	shalt  }
0x66: {  	_ =	shalt  }
0x67: {  	_ =	shalt  }
0x68: {  	_ =	shalt  }
0x69: {  	_ =	shalt  }
0x6a: {  	_ =	shalt  }
0x6b: {  	_ =	shalt  }
0x6c: {  	_ =	shalt  }
0x6d: {  	_ =	shalt  }
0x6e: {  	_ =	shalt  }
0x6f: {  	_ =	shalt  }
0x70: {  	_ =	shalt  }
0x71: {  	_ =	shalt  }
0x72: {  	_ =	shalt  }
0x73: {  	_ =	shalt  }
0x74: {  	_ =	shalt  }
0x75: {  	_ =	shalt  }
0x76: {  	_ =	shalt  }
0x77: {  	_ =	shalt  }
0x78: {  	_ =	shalt  }
0x79: {  	_ =	shalt  }
0x7a: {  	_ =	shalt  }
0x7b: {  	_ =	shalt  }
0x7c: {  	_ =	shalt  }
0x7d: {  	_ =	shalt  }
0x7e: {  	_ =	shalt  }
0x7f: {  	_ =	shalt  }
0x80: {  	_ =	shalt  }
0x81: {  	_ =	shalt  }
0x82: {  	_ =	shalt  }
0x83: {  	_ =	shalt  }
0x84: {  	_ =	shalt  }
0x85: {  	_ =	shalt  }
0x86: {  	_ =	shalt  }
0x87: {  	_ =	shalt  }
.Lfunc_end0:
.L_simem_size_0:
called_computation.1_lowered:
.L_overlay_start_0:
0x88: {  	s2 =	sld [smem:$0x3FD9]  }
0x89: {  	s3 =	sld [smem:$0x3FFE];
	_ =	sdelay $0x1  }
0x8a: {  	s1 =	srdreg.scid  }
0x8b: {  	s0 =	sand.u32 $0x1, s1  }
0x8c: {  	s17 =	sshll.u32 s0, $0xA;
	s2 =	sadd.s32 s3, s2  }
0x8d: {  	s2 =	sadd.s32 s2, s17  }
0x8e: {  	[smem:$0x3FC0] =	sst s2  }
0x8f: {  	_ = 	snop  }
0x90: {  	s18 =	sld [smem:$0x3FC9];
	(tm) =	ssettm $0x1  }
0x91: {  	s19 =	sld [smem:$0x3FFB];
	_ =	sdelay $0x3  }
0x92: {  	_ =	strace s19  }
0x93: {  	s2 =	sld [smem:$0x3FFC];
	_ =	sdelay $0x3  }
0x94: {  	_ =	strace s2  }
0x95: {  	s2 =	sld [smem:$0x3FFD];
	_ =	sdelay $0x3  }
0x96: {  	_ =	strace s2  }
0x97: {  	_ =	strace $0x8FFFFFFF  }
0x98: {  	s20 =	sld [smem:$0x3FDB];
	_ =	sdelay $0x1  }
0x99: {  	s4 =	simm.s32 $_scs_section_size  }
0x9a: {  	s5 =	simm.s32 $_size__tile_overlayer_lowered;
	s6 =	simm.s32 $_tile_overlayer_lowered  }
0x9b: {  	s7 =	simm.s32 $0x1BFF;
	s21 =	sshll.u32 s6, $0x1;
	s4 =	sadd.s32 s4, s20  }
0x9c: {  	s22 =	simm.s32 $0x0;
	s5 =	sshll.u32 s5, $0x1;
	s6 =	sadd.s32 s21, s4  }
0x9d: {  	[timem:s22], [sflag:s7] =	dma.local [hbm:s6], s5  }
0x9e: {  	_ =	swait.ge [sflag:s7], s5  }
0x9f: {  	s5 =	ssub.s32 $0x0, s5;
	[sflag:s7] =	ssyncset.done $0x0  }
0xa0: {  	[sflag:s7] =	ssyncadd.s32 s5;
	_ =	sdelay $0x1  }
0xa1: {  	s23 =	simm.s32 $0x1B8B  }
0xa2: {  	_ =	swait.ge [sflag:s23], $0x1  }
0xa3: {  	[sflag:s23] =	ssyncset.done $0x0  }
0xa4: {  	[sflag:s23] =	ssyncadd.s32 $0xFFFFFFFF  }
0xa5: {  	s5 =	sld [smem:$0x0]  }
0xa6: {  	s6 =	sand.u32 $0xFFFFFFFE, s1  }
0xa7: {  	p0 =	sne.s32 s1, s6  }
0xa8: {  	s6 =	sshll.u32 @p0 s6, $0xE  }
0xa9: {  	s6 =	sadd.s32 @p0 $0x11B8D, s6;
	s7 =	sshll.u32 @p0 s5, $0x11  }
0xaa: {  	s6 =	sor.u32 @p0 s7, s6  }
0xab: {  	[sflag:s6] =	ssyncadd.remote.s32 @p0 $0x1;
	_ =	sdelay $0x1  }
0xac: {  	s6 =	simm.s32 @p0 $0x1B8D  }
0xad: {  	_ =	swait.eq @p0 [sflag:s6], $0x1  }
0xae: {  	[sflag:s6] =	ssyncadd.s32 @p0 $0xFFFFFFFF  }
0xaf: {  	s7 =	sshll.u32 @!p0 s1, $0xE  }
0xb0: {  	s7 =	sor.u32 @!p0 $0x4000, s7;
	s6 =	simm.s32 @!p0 $0x1B8D  }
0xb1: {  	s5 =	sshll.u32 @!p0 s5, $0x11;
	s7 =	sadd.s32 @!p0 $0x11B8D, s7;
	_ =	swait.eq @!p0 [sflag:s6], $0x1  }
0xb2: {  	s5 =	sor.u32 @!p0 s5, s7;
	[sflag:s6] =	ssyncadd.s32 @!p0 $0xFFFFFFFF  }
0xb3: {  	s25 =	simm.s32 $0x1B8E;
	s24 =	sld [smem:$0x3FFE];
	[sflag:s5] =	ssyncadd.remote.s32 @!p0 $0x1  }
0xb4: {  	s26 =	simm.s32 $execute0_lowered;
	[smem:$0x3FD2] =	sst s25  }
0xb5: {  	s6 =	sshll.u32 s26, $0x1;
	_ =	strace $0x80000049;
	[dreg:$0x1] =	wrdreg $0xFFFFFFFF  }
0xb6: {  	s28 =	simm.s32 $_size_execute0_lowered;
	s4 =	sadd.s32 s4, s6;
	[dreg:$0x0] =	wrdreg $0x0  }
0xb7: {  	s6 =	sshll.u32 s28, $0x1;
	[dreg:$0x2] =	wrdreg s4  }
0xb8: {  	[dreg:$0x3] =	wrdreg s6  }
0xb9: {  	[dreg:$0x4] =	wrdreg $0xC0  }
0xba: {  	_ =	task [dreg:s22], $0x5FFFF  }
0xbb: {  	[dreg:$0x1] =	wrdreg $0xFFFFFFFF  }
0xbc: {  	[dreg:$0x0] =	wrdreg $0x60  }
0xbd: {  	[dreg:$0x2] =	wrdreg s24  }
0xbe: {  	[dreg:$0x3] =	wrdreg s18  }
0xbf: {  	[dreg:$0x4] =	wrdreg $0x82000  }
0xc0: {  	[dreg:$0x5] =	wrdreg $0xA  }
0xc1: {  	_ =	task.clear_ibuf [dreg:s22], $0x6FFFF;
	_ =	strace $0x90000049  }
0xc2: {  	s29 =	simm.s32 $0xA;
	_ =	strace $0x8000004B  }
0xc3: {  	_ =	swait.ge [sflag:s29], $0x1  }
0xc4: {  	[sflag:s29] =	ssyncadd.s32 $0xFFFFFFFF  }
0xc5: {  	_ =	strace $0x9000004B  }
0xc6: {  	_ =	sfence  }
0xc7: {  	s30 =	sld [smem:$0x0];
	_ =	sdelay $0x2  }
0xc8: {  	s31 =	sshll.u32 s1, $0xD;
	s1 =	sshrl.u32 s1, $0x2  }
0xc9: {  	s4 =	sand.u32 $0x4000, s31;
	s1 =	sadd.s32 s1, s30  }
0xca: {  	s0 =	sor.u32 s4, s0;
	s1 =	sshll.u32 s1, $0x11  }
0xcb: {  	s0 =	sor.u32 s1, s0  }
0xcc: {  	s0 =	sadd.s32 $0x8F2B, s0  }
0xcd: {  	[sflag:s0] =	ssyncadd.remote.s32 $0x1  }
0xce: {  	_ =	sfence.sel $0xFFFF  }
0xcf: {  	[dreg:$0x0] =	wrdreg $0xFFFFFFFF;
	(pc) =	sbr.abs _section_cstart, $3  }
0xd0: {  	[dreg:$0x1] =	wrdreg $0xFFFFFFFF  }
0xd1: {  	_ =	task.clear_ibuf [dreg:s22], $0x2FFFF;
	_ =	strace $0x9FFFFFFF  }
0xd2: {  	(tm) =	ssettm $0x7FFFFFFF  }
0xd3: {  	_ =	shalt  }
tec
execute0_lowered:
.L_overlay_start_1:
0x0: {  	(tag) =	ssettag $0x1  }
0x1: {  	s6 =	rddreg [dreg:$0x0]  }
0x2: {  	s1 =	rddreg [dreg:$0x1];
	s0 =	srdreg.scid  }
0x3: {  	s3 =	rddreg [dreg:$0x2];
	s2 =	stileid.u32;
	s4 =	simm.s32 $0x0  }
0x4: {  	s19 =	simm.s32 $0x100;
	s20 =	simm.s32 $0x1;
	s21 =	simm.s32 $0x4200  }
0x5: {  	s22 =	simm.s32 $0x3;
	s23 =	simm.s32 $0x2;
	s24 =	simm.s32 $0x180  }
0x6: {  	s25 =	simm.s32 $0x4;
	s7 =	sand.u32 $0x1, s0;
	s0 =	rddreg [dreg:$0x3]  }
0x7: {  	s26 =	simm.s32 $0x0;
	[smem:$0x7FF] =	sst s4;
	s10 =	smul.u32 $0x4F000, s2  }
0x8: {  	s31 =	sshll.u32 s2, $0x6;
	s17 =	smul.u32 $0xA00, s2;
	s5 =	sshll.u32 s7, $0x4  }
0x9: {  	s8 =	smul.u32 $0xA000, s7;
	_ =	strace $0x8000004A;
	s7 =	ssub.s32 $0x2, s7  }
0xa: {  	s5 =	sor.u32 s2, s5;
	s30 =	sshrl.u32 s7, $0x1;
	s10 =	sshrl.u32 s10, $0x2  }
0xb: {  	s9 =	smul.u32 $0x2780, s5;
	s8 =	sadd.s32 s8, s6;
	s10 =	sadd.s32 s10, s3  }
0xc: {  	s5 =	sadd.s32 $0x16200, s6;
	s11 =	ssub.s32 s7, s30;
	s12 =	sadd.s32 $0x4000, s10  }
0xd: {  	s13 =	sadd.s32 $0x8000, s10;
	s14 =	sadd.s32 $0xC000, s10;
	s15 =	sadd.s32 $0x10000, s10  }
0xe: {  	s16 =	sadd.s32 $0x2200, s8;
	s8 =	smax.u32 s11, $0x1;
	s9 =	sadd.s32 s9, s6  }
0xf: {  	s6 =	sor.u32 $0x1C05, s31;
	s11 =	sshrl.u32 s12, $0x3;
	s12 =	sshrl.u32 s13, $0x3  }
0x10: {  	s13 =	sshrl.u32 s14, $0x3;
	s14 =	sshrl.u32 s15, $0x3;
	s15 =	sadd.s32 s17, s16  }
0x11: {  	s16 =	simm.s32 $0x80;
	s17 =	simm.s32 $0x200;
	s7 =	sadd.s32 $0x65A00, s9  }
0x12: {  	s9 =	sshrl.u32 s10, $0x3;
	s10 =	simm.s32 $0x5;
	s18 =	sadd.s32 $0x20, s15  }
.LBB2_1:
0x13: {  	[spmem:s9], [sflag:s6] =	dma.local [hbm:s5], $0x800  }
0x14: {  	_ =	swait.ge [sflag:s10], $0x800  }
0x15: {  	[sflag:s10] =	ssyncset.done $0x0  }
0x16: {  	[sflag:s10] =	ssyncadd.s32 $0xFFFFF800  }
0x17: {  	[spmem:s11], [sflag:s6] =	dma.local [hbm:s5], $0x800  }
0x18: {  	_ =	swait.ge [sflag:s10], $0x800  }
0x19: {  	[sflag:s10] =	ssyncset.done $0x0  }
0x1a: {  	[sflag:s10] =	ssyncadd.s32 $0xFFFFF800  }
0x1b: {  	[spmem:s12], [sflag:s6] =	dma.local [hbm:s5], $0x800  }
0x1c: {  	_ =	swait.ge [sflag:s10], $0x800  }
0x1d: {  	[sflag:s10] =	ssyncset.done $0x0  }
0x1e: {  	[sflag:s10] =	ssyncadd.s32 $0xFFFFF800  }
0x1f: {  	[spmem:s13], [sflag:s6] =	dma.local [hbm:s5], $0x800  }
0x20: {  	_ =	swait.ge [sflag:s10], $0x800  }
0x21: {  	[sflag:s10] =	ssyncset.done $0x0  }
0x22: {  	[sflag:s10] =	ssyncadd.s32 $0xFFFFF800  }
0x23: {  	[spmem:s14], [sflag:s6] =	dma.local [hbm:s5], $0x780  }
0x24: {  	_ =	swait.ge [sflag:s10], $0x780  }
0x25: {  	[sflag:s10] =	ssyncset.done $0x0  }
0x26: {  	[sflag:s10] =	ssyncadd.s32 $0xFFFFF880  }
0x27: {  	[bflag:$0x0] =	sbarrier.arrive $0xFFFF  }
0x28: {  	[tilespmem:s4], [sflag:$0x5] =	stream.linear.gather [hbm4b:s15+s4], $0x100, $0x38;
	[tilespmem:$0x1BE00] =	vst v63  }
0x29: {  	_ =	swait.ge [sflag:s10], $0x100  }
0x2a: {  	[sflag:s10] =	ssyncset.done $0x0  }
0x2b: {  	[sflag:s10] =	ssyncadd.s32 $0xFFFFFF00  }
0x2c: {  	[tilespmem:s17], [sflag:$0x1] =	stream.indirect.gather [hbm4b:s1+s16], $0x80, s4, s16, $0xb8;
	[tilespmem:$0x1BE00] =	vst v63  }
0x2d: {  	_ = 	snop  }
0x2e: {  	[tilespmem:s19], [sflag:$0x5] =	stream.linear.gather [hbm4b:s18+s4], $0x100, $0x38;
	[tilespmem:$0x1BE00] =	vst v63  }
0x2f: {  	_ =	swait.ge [sflag:s10], $0x100  }
0x30: {  	[sflag:s10] =	ssyncset.done $0x0  }
0x31: {  	[sflag:s10] =	ssyncadd.s32 $0xFFFFFF00  }
0x32: {  	_ =	swait.ge [sflag:s20], $0x4000  }
0x33: {  	[sflag:s20] =	ssyncset.done $0x0  }
0x34: {  	[sflag:s20] =	ssyncadd.s32 $0xFFFFC000  }
0x35: {  	[tilespmem:s21], [sflag:$0x2] =	stream.indirect.gather [hbm4b:s1+s16], $0x80, s19, s16, $0xb8;
	[tilespmem:$0x1BE00] =	vst v63  }
0x36: {  	_ = 	snop  }
0x37: {  	[spmem:s3] =	stream.indirect.scatter.add.f32 [tilespmem:s17], [sflag:$0x3], $0x80, s16, s16, $0xb8;
	[tilespmem:$0x1BE00] =	vst v63  }
0x38: {  	_ =	swait.ge [sflag:s22], $0x4000  }
0x39: {  	s28 =	sadd.s32 $0xFFFFF640, s15;
	[sflag:s22] =	ssyncset.done $0x0  }
0x3a: {  	s29 =	sadd.s32 $0xA00, s28;
	[sflag:s22] =	ssyncadd.s32 $0xFFFFC000  }
0x3b: {  	[tilespmem:s4], [sflag:$0x5] =	stream.linear.gather [hbm4b:s29+s4], $0x100, $0x38;
	[tilespmem:$0x1BE00] =	vst v63  }
0x3c: {  	_ =	swait.ge [sflag:s10], $0x100  }
0x3d: {  	[sflag:s10] =	ssyncset.done $0x0  }
0x3e: {  	[sflag:s10] =	ssyncadd.s32 $0xFFFFFF00  }
0x3f: {  	_ =	swait.ge [sflag:s23], $0x4000  }
0x40: {  	[sflag:s23] =	ssyncset.done $0x0  }
0x41: {  	[sflag:s23] =	ssyncadd.s32 $0xFFFFC000  }
0x42: {  	[tilespmem:s17], [sflag:$0x1] =	stream.indirect.gather [hbm4b:s1+s16], $0x80, s4, s16, $0xb8;
	[tilespmem:$0x1BE00] =	vst v63  }
0x43: {  	_ = 	snop  }
0x44: {  	[spmem:s3] =	stream.indirect.scatter.add.f32 [tilespmem:s21], [sflag:$0x4], $0x80, s24, s16, $0xb8;
	[tilespmem:$0x1BE00] =	vst v63  }
0x45: {  	_ =	swait.ge [sflag:s25], $0x4000  }
0x46: {  	[sflag:s25] =	ssyncset.done $0x0  }
0x47: {  	s28 =	sadd.s32 $0xA20, s28;
	[sflag:s25] =	ssyncadd.s32 $0xFFFFC000  }
0x48: {  	[tilespmem:s19], [sflag:$0x5] =	stream.linear.gather [hbm4b:s28+s4], $0x100, $0x38;
	[tilespmem:$0x1BE00] =	vst v63  }
0x49: {  	_ =	swait.ge [sflag:s10], $0x100  }
0x4a: {  	[sflag:s10] =	ssyncset.done $0x0  }
0x4b: {  	[sflag:s10] =	ssyncadd.s32 $0xFFFFFF00  }
0x4c: {  	_ =	swait.ge [sflag:s20], $0x4000  }
0x4d: {  	[sflag:s20] =	ssyncset.done $0x0  }
0x4e: {  	s28 =	simm.s32 $0xFFFFF680;
	[sflag:s20] =	ssyncadd.s32 $0xFFFFC000  }
0x4f: {  	[tilespmem:s21], [sflag:$0x2] =	stream.indirect.gather [hbm4b:s1+s16], $0x80, s19, s16, $0xb8;
	[tilespmem:$0x1BE00] =	vst v63  }
.LBB2_2:
0x50: {  	[spmem:s3] =	stream.indirect.scatter.add.f32 [tilespmem:s17], [sflag:$0x3], $0x80, s16, s16, $0xb8;
	[tilespmem:$0x1BE00] =	vst v63  }
0x51: {  	s29 =	smov.u32 s28  }
0x52: {  	p0 =	sne.s32 s28, $0xFFFFFFC0;
	s28 =	sadd.s32 $0x40, s28;
	_ =	swait.ge [sflag:s22], $0x4000  }
0x53: {  	s29 =	sadd.s32 s29, s15;
	[sflag:s22] =	ssyncset.done $0x0  }
0x54: {  	s30 =	sadd.s32 $0xA00, s29;
	[sflag:s22] =	ssyncadd.s32 $0xFFFFC000  }
0x55: {  	[tilespmem:s4], [sflag:$0x5] =	stream.linear.gather [hbm4b:s30+s4], $0x100, $0x38;
	[tilespmem:$0x1BE00] =	vst v63  }
0x56: {  	_ =	swait.ge [sflag:s10], $0x100  }
0x57: {  	[sflag:s10] =	ssyncset.done $0x0  }
0x58: {  	[sflag:s10] =	ssyncadd.s32 $0xFFFFFF00  }
0x59: {  	_ =	swait.ge [sflag:s23], $0x4000  }
0x5a: {  	[sflag:s23] =	ssyncset.done $0x0  }
0x5b: {  	[sflag:s23] =	ssyncadd.s32 $0xFFFFC000  }
0x5c: {  	[tilespmem:s17], [sflag:$0x1] =	stream.indirect.gather [hbm4b:s1+s16], $0x80, s4, s16, $0xb8;
	[tilespmem:$0x1BE00] =	vst v63  }
0x5d: {  	_ = 	snop  }
0x5e: {  	[spmem:s3] =	stream.indirect.scatter.add.f32 [tilespmem:s21], [sflag:$0x4], $0x80, s24, s16, $0xb8;
	[tilespmem:$0x1BE00] =	vst v63  }
0x5f: {  	_ =	swait.ge [sflag:s25], $0x4000  }
0x60: {  	[sflag:s25] =	ssyncset.done $0x0  }
0x61: {  	s29 =	sadd.s32 $0xA20, s29;
	[sflag:s25] =	ssyncadd.s32 $0xFFFFC000  }
0x62: {  	[tilespmem:s19], [sflag:$0x5] =	stream.linear.gather [hbm4b:s29+s4], $0x100, $0x38;
	[tilespmem:$0x1BE00] =	vst v63  }
0x63: {  	_ =	swait.ge [sflag:s10], $0x100  }
0x64: {  	[sflag:s10] =	ssyncset.done $0x0  }
.Ltmp0:
0x65: {  	[sflag:s10] =	ssyncadd.s32 $0xFFFFFF00;
	(pc) =	sbr.rel @p0 .LBB2_2-.Ltmp0, $4  }
0x66: {  	_ =	swait.ge [sflag:s20], $0x4000  }
0x67: {  	[sflag:s20] =	ssyncset.done $0x0  }
0x68: {  	[sflag:s20] =	ssyncadd.s32 $0xFFFFC000  }
0x69: {  	[tilespmem:s21], [sflag:$0x2] =	stream.indirect.gather [hbm4b:s1+s16], $0x80, s19, s16, $0xb8;
	[tilespmem:$0x1BE00] =	vst v63  }
0x6a: {  	[spmem:s3] =	stream.indirect.scatter.add.f32 [tilespmem:s17], [sflag:$0x3], $0x80, s16, s16, $0xb8;
	[tilespmem:$0x1BE00] =	vst v63  }
0x6b: {  	_ =	swait.ge [sflag:s22], $0x4000  }
0x6c: {  	[sflag:s22] =	ssyncset.done $0x0  }
0x6d: {  	[sflag:s22] =	ssyncadd.s32 $0xFFFFC000  }
0x6e: {  	_ =	swait.ge [sflag:s23], $0x4000  }
0x6f: {  	[sflag:s23] =	ssyncset.done $0x0  }
0x70: {  	[sflag:s23] =	ssyncadd.s32 $0xFFFFC000  }
0x71: {  	[spmem:s3] =	stream.indirect.scatter.add.f32 [tilespmem:s21], [sflag:$0x4], $0x80, s24, s16, $0xb8;
	[tilespmem:$0x1BE00] =	vst v63  }
0x72: {  	_ =	swait.ge [sflag:s25], $0x4000  }
0x73: {  	s26 =	sadd.s32 $0x1, s26;
	[sflag:s25] =	ssyncset.done $0x0  }
0x74: {  	p0 =	sne.s32 s26, s8;
	[sflag:s25] =	ssyncadd.s32 $0xFFFFC000  }
.Ltmp1:
0x75: {  	[bflag:$0x0] =	sbarrier.arrive $0xFFFF;
	(pc) =	sbr.rel @p0 .LBB2_1-.Ltmp1, $4  }
0x76: {  	[hbm:s7], [sflag:s6] =	dma.local [spmem:s9], $0x2780  }
0x77: {  	_ =	swait.ge [sflag:s10], $0x2780  }
0x78: {  	[sflag:s10] =	ssyncset.done $0x0  }
0x79: {  	[sflag:s10] =	ssyncadd.s32 $0xFFFFD880  }
0x7a: {  	_ =	sfence.sel $0x180000  }
0x7b: {  	[bflag:$0x0] =	sbarrier.arrive $0xFFFF  }
0x7c: {  	p0 =	sne.s32 s2, $0x0;
	_ =	strace $0x9000004A  }
0x7d: {  	s0 =	sadd.s32 @!p0 $0x100000, s0;
	[bflag:$0x2] =	sbarrier.arrive $0xFFFF  }
0x7e: {  	[sflag:s0] =	ssyncadd.tile.s32 @!p0 $0x1;
	_ =	shalt  }
.Lfunc_end2:
_tile_overlayer_lowered:
.L_overlay_start_2:
0x7f: {  	(tag) =	ssettag $0x2  }
0x80: {  	s0 =	rddreg [dreg:$0x0];
	s2 =	stileid.u32  }
0x81: {  	s1 =	rddreg [dreg:$0x1];
	p0 =	sne.s32 s2, $0x0  }
0x82: {  	s3 =	rddreg [dreg:$0x2];
	[bflag:$0x3] =	sbarrier.arrive $0xFFFF;
	s2 =	simm.s32 @!p0 $0x1C05  }
0x83: {  	[timem:s3], [sflag:s2] =	dma.local @!p0 [hbm:s0], s1  }
0x84: {  	s0 =	simm.s32 @!p0 $0x5  }
0x85: {  	_ =	swait.ge @!p0 [sflag:s0], s1  }
0x86: {  	s1 =	ssub.s32 @!p0 $0x0, s1;
	[sflag:s0] =	ssyncset.done @!p0 $0x0  }
0x87: {  	[sflag:s0] =	ssyncadd.s32 @!p0 s1  }
0x88: {  	[bflag:$0x3] =	sbarrier.arrive $0xFFFF  }
0x89: {  	_ =	shalt  }

// kernel: kernel.13.cloned.1.call-start
scs
__scs_entry_jumppad:
0x0: {  	(pc) =	sbr.rel $0x88, $3  }
0x1: {  	(tag) =	ssettag $0x0;
	lr =	simm.s32 $0x1  }
0x2: {  	[smem:$0x3F99] =	sst lr;
	_ =	strace $0xD0000000  }
0x3: {  	_ = 	snop  }
0x4: {  	_ = 	snop  }
0x5: {  	_ = 	snop  }
0x6: {  	_ = 	snop  }
0x7: {  	_ = 	snop  }
__scs_overlays_trampoline_lowered:
0x8: {  	[smem:$0x3FA8] =	sst s0  }
0x9: {  	[smem:$0x3FA9] =	sst s1  }
0xa: {  	[smem:$0x3FAA] =	sst s2  }
0xb: {  	[smem:$0x3FAB] =	sst s3  }
0xc: {  	[smem:$0x3FAC] =	sst s4  }
0xd: {  	[smem:$0x3FAD] =	sst s5  }
0xe: {  	[smem:$0x3FAE] =	sst s6  }
0xf: {  	[smem:$0x3FAF] =	sst s7  }
0x10: {  	[smem:$0x3FB0] =	sst s8  }
0x11: {  	[smem:$0x3FB1] =	sst s9;
	s0 =	simm.s32 @!p0 $0x0  }
0x12: {  	s1 =	sld [smem:$0x3F97];
	s0 =	simm.s32 @p0 $0x1  }
0x13: {  	[smem:$0x3FB2] =	sst s0;
	s0 =	simm.s32 @!p1 $0x0  }
0x14: {  	s2 =	sld [smem:$0x3F96];
	s0 =	simm.s32 @p1 $0x1  }
0x15: {  	[smem:$0x3FB3] =	sst s0;
	s0 =	simm.s32 @!p2 $0x0  }
0x16: {  	s3 =	sld [smem:$0x3FDB];
	s0 =	simm.s32 @p2 $0x1  }
0x17: {  	s4 =	simm.s32 $0x1BF5;
	[smem:$0x3FB5] =	sst s0  }
0x18: {  	s0 =	sld [smem:$0x3F98];
	_ =	swait.ge [sflag:s4], $0x0  }
0x19: {  	s7 =	sld [smem:$0x3F99]  }
0x1a: {  	s8 =	sadd.s32 $0xFFFFE003, lr  }
0x1b: {  	s9 =	sadd.s32 $0xFFFFFEF7, lr;
	s5 =	simm.s32 $0xFFFFFFFF;
	p2 =	slt.u32 s8, $0xFFFFF086  }
0x1c: {  	p1 =	slt.u32 s9, $0xF7A;
	s5 =	simm.s32 @!p2 $0x0  }
0x1d: {  	s5 =	simm.s32 @p1 $0x1;
	p0 =	seq.s32 s7, s2  }
0x1e: {  	s7 =	smul.u32 @!p0 $0xF7A, s2;
	p2 =	seq.s32 @!p0 s5, $0x0  }
0x1f: {  	s9 =	smul.u32 $0xF7A, s1;
	s8 =	simm.s32 @!p0 $0x1BF5;
	p2 =	por !p2, p0  }
0x20: {  	[sflag:s8] =	ssyncset.s32 @!p0 $0xFFFFF086;
	s6 =	sadd.s32 @!p0 s3, s7;
	s7 =	simm.s32 @!p0 $0x108  }
0x21: {  	s3 =	sadd.s32 s3, s9;
	s6 =	sadd.s32 @!p0 $0x88, s6;
	s7 =	simm.s32 @p2 $0x1082  }
0x22: {  	[simem:s7], [sflag:s8] =	dma.local @!p0 [hbm:s6], $0xF7A  }
0x23: {  	s9 =	sor.u32 $0xD0000000, s2;
	s6 =	simm.s32 $0x108;
	_ =	swait.ge @!p0 [sflag:s8], $0x0  }
0x24: {  	s3 =	sadd.s32 $0x88, s3;
	s6 =	simm.s32 @!p1 $0x1082;
	[sflag:s4] =	ssyncset.s32 $0xFFFFF086  }
0x25: {  	[simem:s6], [sflag:s4] =	dma.local [hbm:s3], $0xF7A  }
0x26: {  	[smem:$0x3F99] =	sst s1;
	(tag) =	ssettag s2;
	_ =	strace s9  }
0x27: {  	s1 =	sld [smem:$0x3FA9]  }
0x28: {  	s2 =	sld [smem:$0x3FAA]  }
0x29: {  	s4 =	sld [smem:$0x3FAC]  }
0x2a: {  	p0 =	seq.s32 s5, $0x0;
	s5 =	sld [smem:$0x3FAD]  }
0x2b: {  	s6 =	sld [smem:$0x3FAE]  }
0x2c: {  	s7 =	sld [smem:$0x3FAF]  }
0x2d: {  	s3 =	simm.s32 $0x108;
	s8 =	sld [smem:$0x3FB0]  }
0x2e: {  	s3 =	simm.s32 @!p0 $0x1082;
	s9 =	sld [smem:$0x3FB1]  }
0x2f: {  	lr =	sadd.s32 s0, s3;
	s0 =	sld [smem:$0x3FA8]  }
0x30: {  	s3 =	sld [smem:$0x3FAB]  }
0x31: {  	[smem:$0x3FB4] =	sst s10  }
0x32: {  	s10 =	sld [smem:$0x3FB2];
	_ =	sdelay $0x3  }
0x33: {  	p0 =	seq.s32 s10, $0x1;
	s10 =	sld [smem:$0x3FB4];
	_ =	sdelay $0x3  }
0x34: {  	[smem:$0x3FB4] =	sst s10  }
0x35: {  	s10 =	sld [smem:$0x3FB3];
	_ =	sdelay $0x3  }
0x36: {  	p1 =	seq.s32 s10, $0x1;
	s10 =	sld [smem:$0x3FB4];
	_ =	sdelay $0x3  }
0x37: {  	[smem:$0x3FB4] =	sst s10  }
0x38: {  	s10 =	sld [smem:$0x3FB5]  }
0x39: {  	_ = 	snop;
	(pc) =	sbr.ind lr, $3  }
0x3a: {  	_ = 	snop  }
0x3b: {  	_ = 	snop  }
0x3c: {  	p2 =	seq.s32 s10, $0x1;
	s10 =	sld [smem:$0x3FB4]  }
0x3d: {  	_ =	shalt  }
0x3e: {  	_ =	shalt  }
0x3f: {  	_ =	shalt  }
0x40: {  	_ =	shalt  }
0x41: {  	_ =	shalt  }
0x42: {  	_ =	shalt  }
0x43: {  	_ =	shalt  }
0x44: {  	_ =	shalt  }
0x45: {  	_ =	shalt  }
0x46: {  	_ =	shalt  }
0x47: {  	_ =	shalt  }
0x48: {  	_ =	shalt  }
0x49: {  	_ =	shalt  }
0x4a: {  	_ =	shalt  }
0x4b: {  	_ =	shalt  }
0x4c: {  	_ =	shalt  }
0x4d: {  	_ =	shalt  }
0x4e: {  	_ =	shalt  }
0x4f: {  	_ =	shalt  }
0x50: {  	_ =	shalt  }
0x51: {  	_ =	shalt  }
0x52: {  	_ =	shalt  }
0x53: {  	_ =	shalt  }
0x54: {  	_ =	shalt  }
0x55: {  	_ =	shalt  }
0x56: {  	_ =	shalt  }
0x57: {  	_ =	shalt  }
0x58: {  	_ =	shalt  }
0x59: {  	_ =	shalt  }
0x5a: {  	_ =	shalt  }
0x5b: {  	_ =	shalt  }
0x5c: {  	_ =	shalt  }
0x5d: {  	_ =	shalt  }
0x5e: {  	_ =	shalt  }
0x5f: {  	_ =	shalt  }
0x60: {  	_ =	shalt  }
0x61: {  	_ =	shalt  }
0x62: {  	_ =	shalt  }
0x63: {  	_ =	shalt  }
0x64: {  	_ =	shalt  }
0x65: {  	_ =	shalt  }
0x66: {  	_ =	shalt  }
0x67: {  	_ =	shalt  }
0x68: {  	_ =	shalt  }
0x69: {  	_ =	shalt  }
0x6a: {  	_ =	shalt  }
0x6b: {  	_ =	shalt  }
0x6c: {  	_ =	shalt  }
0x6d: {  	_ =	shalt  }
0x6e: {  	_ =	shalt  }
0x6f: {  	_ =	shalt  }
0x70: {  	_ =	shalt  }
0x71: {  	_ =	shalt  }
0x72: {  	_ =	shalt  }
0x73: {  	_ =	shalt  }
0x74: {  	_ =	shalt  }
0x75: {  	_ =	shalt  }
0x76: {  	_ =	shalt  }
0x77: {  	_ =	shalt  }
0x78: {  	_ =	shalt  }
0x79: {  	_ =	shalt  }
0x7a: {  	_ =	shalt  }
0x7b: {  	_ =	shalt  }
0x7c: {  	_ =	shalt  }
0x7d: {  	_ =	shalt  }
0x7e: {  	_ =	shalt  }
0x7f: {  	_ =	shalt  }
0x80: {  	_ =	shalt  }
0x81: {  	_ =	shalt  }
0x82: {  	_ =	shalt  }
0x83: {  	_ =	shalt  }
0x84: {  	_ =	shalt  }
0x85: {  	_ =	shalt  }
0x86: {  	_ =	shalt  }
0x87: {  	_ =	shalt  }
.Lfunc_end0:
.L_simem_size_0:
called_computation.2_lowered:
.L_overlay_start_0:
0x88: {  	s2 =	sld [smem:$0x3FD9]  }
0x89: {  	s3 =	sld [smem:$0x3FFE];
	_ =	sdelay $0x1  }
0x8a: {  	s1 =	srdreg.scid  }
0x8b: {  	s0 =	sand.u32 $0x1, s1  }
0x8c: {  	s17 =	sshll.u32 s0, $0xA;
	s2 =	sadd.s32 s3, s2  }
0x8d: {  	s2 =	sadd.s32 s2, s17  }
0x8e: {  	[smem:$0x3FC0] =	sst s2  }
0x8f: {  	_ = 	snop  }
0x90: {  	s2 =	sld [smem:$0x3FD0];
	(tm) =	ssettm $0x1  }
0x91: {  	s18 =	sld [smem:$0x3FFB];
	_ =	sdelay $0x3  }
0x92: {  	_ =	strace s18  }
0x93: {  	s3 =	sld [smem:$0x3FFC];
	_ =	sdelay $0x3  }
0x94: {  	_ =	strace s3  }
0x95: {  	s3 =	sld [smem:$0x3FFD];
	_ =	sdelay $0x3  }
0x96: {  	_ =	strace s3  }
0x97: {  	_ =	strace $0x8FFFFFFF  }
0x98: {  	s19 =	sld [smem:$0x3FDB];
	_ =	sdelay $0x1  }
0x99: {  	s4 =	simm.s32 $_scs_section_size  }
0x9a: {  	s5 =	simm.s32 $_size__tile_overlayer_lowered;
	s6 =	simm.s32 $_tile_overlayer_lowered  }
0x9b: {  	s22 =	simm.s32 $0x1BFF;
	s21 =	sshll.u32 s6, $0x1;
	s3 =	sadd.s32 s4, s19  }
0x9c: {  	s7 =	simm.s32 $0x0;
	s20 =	sshll.u32 s5, $0x1;
	s5 =	sadd.s32 s21, s3  }
0x9d: {  	[timem:s7], [sflag:s22] =	dma.local [hbm:s5], s20  }
0x9e: {  	_ =	swait.ge [sflag:s22], s20  }
0x9f: {  	s4 =	ssub.s32 $0x0, s20;
	[sflag:s22] =	ssyncset.done $0x0  }
0xa0: {  	[sflag:s22] =	ssyncadd.s32 s4;
	_ =	sdelay $0x1  }
0xa1: {  	s23 =	simm.s32 $0x1B8B  }
0xa2: {  	_ =	swait.ge [sflag:s23], $0x1  }
0xa3: {  	[sflag:s23] =	ssyncset.done $0x0  }
0xa4: {  	s25 =	simm.s32 $0x1B8E;
	s24 =	sld [smem:$0x3FFE];
	[sflag:s23] =	ssyncadd.s32 $0xFFFFFFFF  }
0xa5: {  	s26 =	simm.s32 $execute0_lowered;
	[smem:$0x3FD2] =	sst s25  }
0xa6: {  	s5 =	sshll.u32 s26, $0x1;
	_ =	strace $0x8000004C;
	[dreg:$0x1] =	wrdreg $0xFFFFFFFF  }
0xa7: {  	s28 =	simm.s32 $_size_execute0_lowered;
	s3 =	sadd.s32 s3, s5;
	[dreg:$0x0] =	wrdreg $0x0  }
0xa8: {  	s5 =	sshll.u32 s28, $0x1;
	[dreg:$0x2] =	wrdreg s3  }
0xa9: {  	[dreg:$0x3] =	wrdreg s5  }
0xaa: {  	[dreg:$0x4] =	wrdreg $0xC0  }
0xab: {  	_ =	task [dreg:s7], $0x5FFFF  }
0xac: {  	[dreg:$0x1] =	wrdreg $0xFFFFFFFF  }
0xad: {  	[dreg:$0x0] =	wrdreg $0x60  }
0xae: {  	[dreg:$0x2] =	wrdreg s24  }
0xaf: {  	[dreg:$0x3] =	wrdreg s2  }
0xb0: {  	[dreg:$0x4] =	wrdreg $0x82000  }
0xb1: {  	[dreg:$0x5] =	wrdreg $0x9  }
0xb2: {  	_ =	task.clear_ibuf [dreg:s7], $0x6FFFF;
	_ =	strace $0x9000004C  }
0xb3: {  	s29 =	simm.s32 $0x9;
	_ =	strace $0x8000004E  }
0xb4: {  	_ =	swait.ge [sflag:s29], $0x1  }
0xb5: {  	[sflag:s29] =	ssyncadd.s32 $0xFFFFFFFF  }
0xb6: {  	_ =	strace $0x9000004E  }
0xb7: {  	_ =	sfence  }
0xb8: {  	s30 =	sld [smem:$0x0];
	_ =	sdelay $0x2  }
0xb9: {  	s31 =	sshll.u32 s1, $0xD;
	s1 =	sshrl.u32 s1, $0x2  }
0xba: {  	s3 =	sand.u32 $0x4000, s31;
	s1 =	sadd.s32 s1, s30  }
0xbb: {  	s0 =	sor.u32 s3, s0;
	s1 =	sshll.u32 s1, $0x11  }
0xbc: {  	s0 =	sor.u32 s1, s0  }
0xbd: {  	s0 =	sadd.s32 $0x8F2B, s0  }
0xbe: {  	[sflag:s0] =	ssyncadd.remote.s32 $0x1  }
0xbf: {  	_ =	sfence.sel $0xFFFF  }
0xc0: {  	[dreg:$0x0] =	wrdreg $0xFFFFFFFF;
	(pc) =	sbr.abs _section_cstart, $3  }
0xc1: {  	[dreg:$0x1] =	wrdreg $0xFFFFFFFF  }
0xc2: {  	_ =	task.clear_ibuf [dreg:s7], $0x2FFFF;
	_ =	strace $0x9FFFFFFF  }
0xc3: {  	(tm) =	ssettm $0x7FFFFFFF  }
tec
execute0_lowered:
.L_overlay_start_1:
0x0: {  	(tag) =	ssettag $0x1  }
0x1: {  	s6 =	rddreg [dreg:$0x0]  }
0x2: {  	s1 =	rddreg [dreg:$0x1];
	s0 =	srdreg.scid  }
0x3: {  	s3 =	rddreg [dreg:$0x2];
	s2 =	stileid.u32;
	s4 =	simm.s32 $0x0  }
0x4: {  	s19 =	simm.s32 $0x100;
	s20 =	simm.s32 $0x1;
	s21 =	simm.s32 $0x4200  }
0x5: {  	s22 =	simm.s32 $0x3;
	s23 =	simm.s32 $0x2;
	s24 =	simm.s32 $0x180  }
0x6: {  	s25 =	simm.s32 $0x4;
	s7 =	sand.u32 $0x1, s0;
	s0 =	rddreg [dreg:$0x3]  }
0x7: {  	s26 =	simm.s32 $0x0;
	[smem:$0x7FF] =	sst s4;
	s10 =	smul.u32 $0x4F000, s2  }
0x8: {  	s31 =	sshll.u32 s2, $0x6;
	s17 =	smul.u32 $0xA00, s2;
	s5 =	sshll.u32 s7, $0x4  }
0x9: {  	s8 =	smul.u32 $0xA000, s7;
	_ =	strace $0x8000004D;
	s7 =	ssub.s32 $0x2, s7  }
0xa: {  	s5 =	sor.u32 s2, s5;
	s30 =	sshrl.u32 s7, $0x1;
	s10 =	sshrl.u32 s10, $0x2  }
0xb: {  	s9 =	smul.u32 $0x2780, s5;
	s8 =	sadd.s32 s8, s6;
	s10 =	sadd.s32 s10, s3  }
0xc: {  	s5 =	sadd.s32 $0x16200, s6;
	s11 =	ssub.s32 s7, s30;
	s12 =	sadd.s32 $0x4000, s10  }
0xd: {  	s13 =	sadd.s32 $0x8000, s10;
	s14 =	sadd.s32 $0xC000, s10;
	s15 =	sadd.s32 $0x10000, s10  }
0xe: {  	s16 =	sadd.s32 $0x2200, s8;
	s8 =	smax.u32 s11, $0x1;
	s9 =	sadd.s32 s9, s6  }
0xf: {  	s6 =	sor.u32 $0x1C05, s31;
	s11 =	sshrl.u32 s12, $0x3;
	s12 =	sshrl.u32 s13, $0x3  }
0x10: {  	s13 =	sshrl.u32 s14, $0x3;
	s14 =	sshrl.u32 s15, $0x3;
	s15 =	sadd.s32 s17, s16  }
0x11: {  	s16 =	simm.s32 $0x80;
	s17 =	simm.s32 $0x200;
	s7 =	sadd.s32 $0x65A00, s9  }
0x12: {  	s9 =	sshrl.u32 s10, $0x3;
	s10 =	simm.s32 $0x5;
	s18 =	sadd.s32 $0x20, s15  }
.LBB2_1:
0x13: {  	[spmem:s9], [sflag:s6] =	dma.local [hbm:s5], $0x800  }
0x14: {  	_ =	swait.ge [sflag:s10], $0x800  }
0x15: {  	[sflag:s10] =	ssyncset.done $0x0  }
0x16: {  	[sflag:s10] =	ssyncadd.s32 $0xFFFFF800  }
0x17: {  	[spmem:s11], [sflag:s6] =	dma.local [hbm:s5], $0x800  }
0x18: {  	_ =	swait.ge [sflag:s10], $0x800  }
0x19: {  	[sflag:s10] =	ssyncset.done $0x0  }
0x1a: {  	[sflag:s10] =	ssyncadd.s32 $0xFFFFF800  }
0x1b: {  	[spmem:s12], [sflag:s6] =	dma.local [hbm:s5], $0x800  }
0x1c: {  	_ =	swait.ge [sflag:s10], $0x800  }
0x1d: {  	[sflag:s10] =	ssyncset.done $0x0  }
0x1e: {  	[sflag:s10] =	ssyncadd.s32 $0xFFFFF800  }
0x1f: {  	[spmem:s13], [sflag:s6] =	dma.local [hbm:s5], $0x800  }
0x20: {  	_ =	swait.ge [sflag:s10], $0x800  }
0x21: {  	[sflag:s10] =	ssyncset.done $0x0  }
0x22: {  	[sflag:s10] =	ssyncadd.s32 $0xFFFFF800  }
0x23: {  	[spmem:s14], [sflag:s6] =	dma.local [hbm:s5], $0x780  }
0x24: {  	_ =	swait.ge [sflag:s10], $0x780  }
0x25: {  	[sflag:s10] =	ssyncset.done $0x0  }
0x26: {  	[sflag:s10] =	ssyncadd.s32 $0xFFFFF880  }
0x27: {  	[bflag:$0x0] =	sbarrier.arrive $0xFFFF  }
0x28: {  	[tilespmem:s4], [sflag:$0x5] =	stream.linear.gather [hbm4b:s15+s4], $0x100, $0x38;
	[tilespmem:$0x1BE00] =	vst v63  }
0x29: {  	_ =	swait.ge [sflag:s10], $0x100  }
0x2a: {  	[sflag:s10] =	ssyncset.done $0x0  }
0x2b: {  	[sflag:s10] =	ssyncadd.s32 $0xFFFFFF00  }
0x2c: {  	[tilespmem:s17], [sflag:$0x1] =	stream.indirect.gather [hbm4b:s1+s16], $0x80, s4, s16, $0xb8;
	[tilespmem:$0x1BE00] =	vst v63  }
0x2d: {  	_ = 	snop  }
0x2e: {  	[tilespmem:s19], [sflag:$0x5] =	stream.linear.gather [hbm4b:s18+s4], $0x100, $0x38;
	[tilespmem:$0x1BE00] =	vst v63  }
0x2f: {  	_ =	swait.ge [sflag:s10], $0x100  }
0x30: {  	[sflag:s10] =	ssyncset.done $0x0  }
0x31: {  	[sflag:s10] =	ssyncadd.s32 $0xFFFFFF00  }
0x32: {  	_ =	swait.ge [sflag:s20], $0x4000  }
0x33: {  	[sflag:s20] =	ssyncset.done $0x0  }
0x34: {  	[sflag:s20] =	ssyncadd.s32 $0xFFFFC000  }
0x35: {  	[tilespmem:s21], [sflag:$0x2] =	stream.indirect.gather [hbm4b:s1+s16], $0x80, s19, s16, $0xb8;
	[tilespmem:$0x1BE00] =	vst v63  }
0x36: {  	_ = 	snop  }
0x37: {  	[spmem:s3] =	stream.indirect.scatter.add.f32 [tilespmem:s17], [sflag:$0x3], $0x80, s16, s16, $0xb8;
	[tilespmem:$0x1BE00] =	vst v63  }
0x38: {  	_ =	swait.ge [sflag:s22], $0x4000  }
0x39: {  	s28 =	sadd.s32 $0xFFFFF640, s15;
	[sflag:s22] =	ssyncset.done $0x0  }
0x3a: {  	s29 =	sadd.s32 $0xA00, s28;
	[sflag:s22] =	ssyncadd.s32 $0xFFFFC000  }
0x3b: {  	[tilespmem:s4], [sflag:$0x5] =	stream.linear.gather [hbm4b:s29+s4], $0x100, $0x38;
	[tilespmem:$0x1BE00] =	vst v63  }
0x3c: {  	_ =	swait.ge [sflag:s10], $0x100  }
0x3d: {  	[sflag:s10] =	ssyncset.done $0x0  }
0x3e: {  	[sflag:s10] =	ssyncadd.s32 $0xFFFFFF00  }
0x3f: {  	_ =	swait.ge [sflag:s23], $0x4000  }
0x40: {  	[sflag:s23] =	ssyncset.done $0x0  }
0x41: {  	[sflag:s23] =	ssyncadd.s32 $0xFFFFC000  }
0x42: {  	[tilespmem:s17], [sflag:$0x1] =	stream.indirect.gather [hbm4b:s1+s16], $0x80, s4, s16, $0xb8;
	[tilespmem:$0x1BE00] =	vst v63  }
0x43: {  	_ = 	snop  }
0x44: {  	[spmem:s3] =	stream.indirect.scatter.add.f32 [tilespmem:s21], [sflag:$0x4], $0x80, s24, s16, $0xb8;
	[tilespmem:$0x1BE00] =	vst v63  }
0x45: {  	_ =	swait.ge [sflag:s25], $0x4000  }
0x46: {  	[sflag:s25] =	ssyncset.done $0x0  }
0x47: {  	s28 =	sadd.s32 $0xA20, s28;
	[sflag:s25] =	ssyncadd.s32 $0xFFFFC000  }
0x48: {  	[tilespmem:s19], [sflag:$0x5] =	stream.linear.gather [hbm4b:s28+s4], $0x100, $0x38;
	[tilespmem:$0x1BE00] =	vst v63  }
0x49: {  	_ =	swait.ge [sflag:s10], $0x100  }
0x4a: {  	[sflag:s10] =	ssyncset.done $0x0  }
0x4b: {  	[sflag:s10] =	ssyncadd.s32 $0xFFFFFF00  }
0x4c: {  	_ =	swait.ge [sflag:s20], $0x4000  }
0x4d: {  	[sflag:s20] =	ssyncset.done $0x0  }
0x4e: {  	s28 =	simm.s32 $0xFFFFF680;
	[sflag:s20] =	ssyncadd.s32 $0xFFFFC000  }
0x4f: {  	[tilespmem:s21], [sflag:$0x2] =	stream.indirect.gather [hbm4b:s1+s16], $0x80, s19, s16, $0xb8;
	[tilespmem:$0x1BE00] =	vst v63  }
.LBB2_2:
0x50: {  	[spmem:s3] =	stream.indirect.scatter.add.f32 [tilespmem:s17], [sflag:$0x3], $0x80, s16, s16, $0xb8;
	[tilespmem:$0x1BE00] =	vst v63  }
0x51: {  	s29 =	smov.u32 s28  }
0x52: {  	p0 =	sne.s32 s28, $0xFFFFFFC0;
	s28 =	sadd.s32 $0x40, s28;
	_ =	swait.ge [sflag:s22], $0x4000  }
0x53: {  	s29 =	sadd.s32 s29, s15;
	[sflag:s22] =	ssyncset.done $0x0  }
0x54: {  	s30 =	sadd.s32 $0xA00, s29;
	[sflag:s22] =	ssyncadd.s32 $0xFFFFC000  }
0x55: {  	[tilespmem:s4], [sflag:$0x5] =	stream.linear.gather [hbm4b:s30+s4], $0x100, $0x38;
	[tilespmem:$0x1BE00] =	vst v63  }
0x56: {  	_ =	swait.ge [sflag:s10], $0x100  }
0x57: {  	[sflag:s10] =	ssyncset.done $0x0  }
0x58: {  	[sflag:s10] =	ssyncadd.s32 $0xFFFFFF00  }
0x59: {  	_ =	swait.ge [sflag:s23], $0x4000  }
0x5a: {  	[sflag:s23] =	ssyncset.done $0x0  }
0x5b: {  	[sflag:s23] =	ssyncadd.s32 $0xFFFFC000  }
0x5c: {  	[tilespmem:s17], [sflag:$0x1] =	stream.indirect.gather [hbm4b:s1+s16], $0x80, s4, s16, $0xb8;
	[tilespmem:$0x1BE00] =	vst v63  }
0x5d: {  	_ = 	snop  }
0x5e: {  	[spmem:s3] =	stream.indirect.scatter.add.f32 [tilespmem:s21], [sflag:$0x4], $0x80, s24, s16, $0xb8;
	[tilespmem:$0x1BE00] =	vst v63  }
0x5f: {  	_ =	swait.ge [sflag:s25], $0x4000  }
0x60: {  	[sflag:s25] =	ssyncset.done $0x0  }
0x61: {  	s29 =	sadd.s32 $0xA20, s29;
	[sflag:s25] =	ssyncadd.s32 $0xFFFFC000  }
0x62: {  	[tilespmem:s19], [sflag:$0x5] =	stream.linear.gather [hbm4b:s29+s4], $0x100, $0x38;
	[tilespmem:$0x1BE00] =	vst v63  }
0x63: {  	_ =	swait.ge [sflag:s10], $0x100  }
0x64: {  	[sflag:s10] =	ssyncset.done $0x0  }
.Ltmp0:
0x65: {  	[sflag:s10] =	ssyncadd.s32 $0xFFFFFF00;
	(pc) =	sbr.rel @p0 .LBB2_2-.Ltmp0, $4  }
0x66: {  	_ =	swait.ge [sflag:s20], $0x4000  }
0x67: {  	[sflag:s20] =	ssyncset.done $0x0  }
0x68: {  	[sflag:s20] =	ssyncadd.s32 $0xFFFFC000  }
0x69: {  	[tilespmem:s21], [sflag:$0x2] =	stream.indirect.gather [hbm4b:s1+s16], $0x80, s19, s16, $0xb8;
	[tilespmem:$0x1BE00] =	vst v63  }
0x6a: {  	[spmem:s3] =	stream.indirect.scatter.add.f32 [tilespmem:s17], [sflag:$0x3], $0x80, s16, s16, $0xb8;
	[tilespmem:$0x1BE00] =	vst v63  }
0x6b: {  	_ =	swait.ge [sflag:s22], $0x4000  }
0x6c: {  	[sflag:s22] =	ssyncset.done $0x0  }
0x6d: {  	[sflag:s22] =	ssyncadd.s32 $0xFFFFC000  }
0x6e: {  	_ =	swait.ge [sflag:s23], $0x4000  }
0x6f: {  	[sflag:s23] =	ssyncset.done $0x0  }
0x70: {  	[sflag:s23] =	ssyncadd.s32 $0xFFFFC000  }
0x71: {  	[spmem:s3] =	stream.indirect.scatter.add.f32 [tilespmem:s21], [sflag:$0x4], $0x80, s24, s16, $0xb8;
	[tilespmem:$0x1BE00] =	vst v63  }
0x72: {  	_ =	swait.ge [sflag:s25], $0x4000  }
0x73: {  	s26 =	sadd.s32 $0x1, s26;
	[sflag:s25] =	ssyncset.done $0x0  }
0x74: {  	p0 =	sne.s32 s26, s8;
	[sflag:s25] =	ssyncadd.s32 $0xFFFFC000  }
.Ltmp1:
0x75: {  	[bflag:$0x0] =	sbarrier.arrive $0xFFFF;
	(pc) =	sbr.rel @p0 .LBB2_1-.Ltmp1, $4  }
0x76: {  	[hbm:s7], [sflag:s6] =	dma.local [spmem:s9], $0x2780  }
0x77: {  	_ =	swait.ge [sflag:s10], $0x2780  }
0x78: {  	[sflag:s10] =	ssyncset.done $0x0  }
0x79: {  	[sflag:s10] =	ssyncadd.s32 $0xFFFFD880  }
0x7a: {  	_ =	sfence.sel $0x180000  }
0x7b: {  	[bflag:$0x0] =	sbarrier.arrive $0xFFFF  }
0x7c: {  	p0 =	sne.s32 s2, $0x0;
	_ =	strace $0x9000004D  }
0x7d: {  	s0 =	sadd.s32 @!p0 $0x100000, s0;
	[bflag:$0x2] =	sbarrier.arrive $0xFFFF  }
0x7e: {  	[sflag:s0] =	ssyncadd.tile.s32 @!p0 $0x1;
	_ =	shalt  }
.Lfunc_end2:
_tile_overlayer_lowered:
.L_overlay_start_2:
0x7f: {  	(tag) =	ssettag $0x2  }
0x80: {  	s0 =	rddreg [dreg:$0x0];
	s2 =	stileid.u32  }
0x81: {  	s1 =	rddreg [dreg:$0x1];
	p0 =	sne.s32 s2, $0x0  }
0x82: {  	s3 =	rddreg [dreg:$0x2];
	[bflag:$0x3] =	sbarrier.arrive $0xFFFF;
	s2 =	simm.s32 @!p0 $0x1C05  }
0x83: {  	[timem:s3], [sflag:s2] =	dma.local @!p0 [hbm:s0], s1  }
0x84: {  	s0 =	simm.s32 @!p0 $0x5  }
0x85: {  	_ =	swait.ge @!p0 [sflag:s0], s1  }
0x86: {  	s1 =	ssub.s32 @!p0 $0x0, s1;
	[sflag:s0] =	ssyncset.done @!p0 $0x0  }
0x87: {  	[sflag:s0] =	ssyncadd.s32 @!p0 s1  }
0x88: {  	[bflag:$0x3] =	sbarrier.arrive $0xFFFF  }
0x89: {  	_ =	shalt  }

// kernel: kernel.7.cloned.1.call-start
scs
__scs_entry_jumppad:
0x0: {  	(pc) =	sbr.rel $0x88, $3  }
0x1: {  	(tag) =	ssettag $0x0;
	lr =	simm.s32 $0x1  }
0x2: {  	[smem:$0x3F99] =	sst lr;
	_ =	strace $0xD0000000  }
0x3: {  	_ = 	snop  }
0x4: {  	_ = 	snop  }
0x5: {  	_ = 	snop  }
0x6: {  	_ = 	snop  }
0x7: {  	_ = 	snop  }
__scs_overlays_trampoline_lowered:
0x8: {  	[smem:$0x3FA8] =	sst s0  }
0x9: {  	[smem:$0x3FA9] =	sst s1  }
0xa: {  	[smem:$0x3FAA] =	sst s2  }
0xb: {  	[smem:$0x3FAB] =	sst s3  }
0xc: {  	[smem:$0x3FAC] =	sst s4  }
0xd: {  	[smem:$0x3FAD] =	sst s5  }
0xe: {  	[smem:$0x3FAE] =	sst s6  }
0xf: {  	[smem:$0x3FAF] =	sst s7  }
0x10: {  	[smem:$0x3FB0] =	sst s8  }
0x11: {  	[smem:$0x3FB1] =	sst s9;
	s0 =	simm.s32 @!p0 $0x0  }
0x12: {  	s1 =	sld [smem:$0x3F97];
	s0 =	simm.s32 @p0 $0x1  }
0x13: {  	[smem:$0x3FB2] =	sst s0;
	s0 =	simm.s32 @!p1 $0x0  }
0x14: {  	s2 =	sld [smem:$0x3F96];
	s0 =	simm.s32 @p1 $0x1  }
0x15: {  	[smem:$0x3FB3] =	sst s0;
	s0 =	simm.s32 @!p2 $0x0  }
0x16: {  	s3 =	sld [smem:$0x3FDB];
	s0 =	simm.s32 @p2 $0x1  }
0x17: {  	s4 =	simm.s32 $0x1BF5;
	[smem:$0x3FB5] =	sst s0  }
0x18: {  	s0 =	sld [smem:$0x3F98];
	_ =	swait.ge [sflag:s4], $0x0  }
0x19: {  	s7 =	sld [smem:$0x3F99]  }
0x1a: {  	s8 =	sadd.s32 $0xFFFFE003, lr  }
0x1b: {  	s9 =	sadd.s32 $0xFFFFFEF7, lr;
	s5 =	simm.s32 $0xFFFFFFFF;
	p2 =	slt.u32 s8, $0xFFFFF086  }
0x1c: {  	p1 =	slt.u32 s9, $0xF7A;
	s5 =	simm.s32 @!p2 $0x0  }
0x1d: {  	s5 =	simm.s32 @p1 $0x1;
	p0 =	seq.s32 s7, s2  }
0x1e: {  	s7 =	smul.u32 @!p0 $0xF7A, s2;
	p2 =	seq.s32 @!p0 s5, $0x0  }
0x1f: {  	s9 =	smul.u32 $0xF7A, s1;
	s8 =	simm.s32 @!p0 $0x1BF5;
	p2 =	por !p2, p0  }
0x20: {  	[sflag:s8] =	ssyncset.s32 @!p0 $0xFFFFF086;
	s6 =	sadd.s32 @!p0 s3, s7;
	s7 =	simm.s32 @!p0 $0x108  }
0x21: {  	s3 =	sadd.s32 s3, s9;
	s6 =	sadd.s32 @!p0 $0x88, s6;
	s7 =	simm.s32 @p2 $0x1082  }
0x22: {  	[simem:s7], [sflag:s8] =	dma.local @!p0 [hbm:s6], $0xF7A  }
0x23: {  	s9 =	sor.u32 $0xD0000000, s2;
	s6 =	simm.s32 $0x108;
	_ =	swait.ge @!p0 [sflag:s8], $0x0  }
0x24: {  	s3 =	sadd.s32 $0x88, s3;
	s6 =	simm.s32 @!p1 $0x1082;
	[sflag:s4] =	ssyncset.s32 $0xFFFFF086  }
0x25: {  	[simem:s6], [sflag:s4] =	dma.local [hbm:s3], $0xF7A  }
0x26: {  	[smem:$0x3F99] =	sst s1;
	(tag) =	ssettag s2;
	_ =	strace s9  }
0x27: {  	s1 =	sld [smem:$0x3FA9]  }
0x28: {  	s2 =	sld [smem:$0x3FAA]  }
0x29: {  	s4 =	sld [smem:$0x3FAC]  }
0x2a: {  	p0 =	seq.s32 s5, $0x0;
	s5 =	sld [smem:$0x3FAD]  }
0x2b: {  	s6 =	sld [smem:$0x3FAE]  }
0x2c: {  	s7 =	sld [smem:$0x3FAF]  }
0x2d: {  	s3 =	simm.s32 $0x108;
	s8 =	sld [smem:$0x3FB0]  }
0x2e: {  	s3 =	simm.s32 @!p0 $0x1082;
	s9 =	sld [smem:$0x3FB1]  }
0x2f: {  	lr =	sadd.s32 s0, s3;
	s0 =	sld [smem:$0x3FA8]  }
0x30: {  	s3 =	sld [smem:$0x3FAB]  }
0x31: {  	[smem:$0x3FB4] =	sst s10  }
0x32: {  	s10 =	sld [smem:$0x3FB2];
	_ =	sdelay $0x3  }
0x33: {  	p0 =	seq.s32 s10, $0x1;
	s10 =	sld [smem:$0x3FB4];
	_ =	sdelay $0x3  }
0x34: {  	[smem:$0x3FB4] =	sst s10  }
0x35: {  	s10 =	sld [smem:$0x3FB3];
	_ =	sdelay $0x3  }
0x36: {  	p1 =	seq.s32 s10, $0x1;
	s10 =	sld [smem:$0x3FB4];
	_ =	sdelay $0x3  }
0x37: {  	[smem:$0x3FB4] =	sst s10  }
0x38: {  	s10 =	sld [smem:$0x3FB5]  }
0x39: {  	_ = 	snop;
	(pc) =	sbr.ind lr, $3  }
0x3a: {  	_ = 	snop  }
0x3b: {  	_ = 	snop  }
0x3c: {  	p2 =	seq.s32 s10, $0x1;
	s10 =	sld [smem:$0x3FB4]  }
0x3d: {  	_ =	shalt  }
0x3e: {  	_ =	shalt  }
0x3f: {  	_ =	shalt  }
0x40: {  	_ =	shalt  }
0x41: {  	_ =	shalt  }
0x42: {  	_ =	shalt  }
0x43: {  	_ =	shalt  }
0x44: {  	_ =	shalt  }
0x45: {  	_ =	shalt  }
0x46: {  	_ =	shalt  }
0x47: {  	_ =	shalt  }
0x48: {  	_ =	shalt  }
0x49: {  	_ =	shalt  }
0x4a: {  	_ =	shalt  }
0x4b: {  	_ =	shalt  }
0x4c: {  	_ =	shalt  }
0x4d: {  	_ =	shalt  }
0x4e: {  	_ =	shalt  }
0x4f: {  	_ =	shalt  }
0x50: {  	_ =	shalt  }
0x51: {  	_ =	shalt  }
0x52: {  	_ =	shalt  }
0x53: {  	_ =	shalt  }
0x54: {  	_ =	shalt  }
0x55: {  	_ =	shalt  }
0x56: {  	_ =	shalt  }
0x57: {  	_ =	shalt  }
0x58: {  	_ =	shalt  }
0x59: {  	_ =	shalt  }
0x5a: {  	_ =	shalt  }
0x5b: {  	_ =	shalt  }
0x5c: {  	_ =	shalt  }
0x5d: {  	_ =	shalt  }
0x5e: {  	_ =	shalt  }
0x5f: {  	_ =	shalt  }
0x60: {  	_ =	shalt  }
0x61: {  	_ =	shalt  }
0x62: {  	_ =	shalt  }
0x63: {  	_ =	shalt  }
0x64: {  	_ =	shalt  }
0x65: {  	_ =	shalt  }
0x66: {  	_ =	shalt  }
0x67: {  	_ =	shalt  }
0x68: {  	_ =	shalt  }
0x69: {  	_ =	shalt  }
0x6a: {  	_ =	shalt  }
0x6b: {  	_ =	shalt  }
0x6c: {  	_ =	shalt  }
0x6d: {  	_ =	shalt  }
0x6e: {  	_ =	shalt  }
0x6f: {  	_ =	shalt  }
0x70: {  	_ =	shalt  }
0x71: {  	_ =	shalt  }
0x72: {  	_ =	shalt  }
0x73: {  	_ =	shalt  }
0x74: {  	_ =	shalt  }
0x75: {  	_ =	shalt  }
0x76: {  	_ =	shalt  }
0x77: {  	_ =	shalt  }
0x78: {  	_ =	shalt  }
0x79: {  	_ =	shalt  }
0x7a: {  	_ =	shalt  }
0x7b: {  	_ =	shalt  }
0x7c: {  	_ =	shalt  }
0x7d: {  	_ =	shalt  }
0x7e: {  	_ =	shalt  }
0x7f: {  	_ =	shalt  }
0x80: {  	_ =	shalt  }
0x81: {  	_ =	shalt  }
0x82: {  	_ =	shalt  }
0x83: {  	_ =	shalt  }
0x84: {  	_ =	shalt  }
0x85: {  	_ =	shalt  }
0x86: {  	_ =	shalt  }
0x87: {  	_ =	shalt  }
.Lfunc_end0:
.L_simem_size_0:
called_computation_lowered:
.L_overlay_start_0:
0x88: {  	s2 =	sld [smem:$0x3FD9]  }
0x89: {  	s3 =	sld [smem:$0x3FFE];
	_ =	sdelay $0x1  }
0x8a: {  	s1 =	srdreg.scid  }
0x8b: {  	s0 =	sand.u32 $0x1, s1  }
0x8c: {  	s17 =	sshll.u32 s0, $0xA;
	s2 =	sadd.s32 s3, s2  }
0x8d: {  	s2 =	sadd.s32 s2, s17  }
0x8e: {  	[smem:$0x3FC0] =	sst s2  }
0x8f: {  	_ = 	snop  }
0x90: {  	s2 =	sld [smem:$0x3FD0];
	(tm) =	ssettm $0x1  }
0x91: {  	s18 =	sld [smem:$0x3FFB];
	_ =	sdelay $0x3  }
0x92: {  	_ =	strace s18  }
0x93: {  	s3 =	sld [smem:$0x3FFC];
	_ =	sdelay $0x3  }
0x94: {  	_ =	strace s3  }
0x95: {  	s3 =	sld [smem:$0x3FFD];
	_ =	sdelay $0x3  }
0x96: {  	_ =	strace s3  }
0x97: {  	_ =	strace $0x8FFFFFFF  }
0x98: {  	s19 =	sld [smem:$0x3FDB];
	_ =	sdelay $0x1  }
0x99: {  	s4 =	simm.s32 $_scs_section_size  }
0x9a: {  	s5 =	simm.s32 $_size__tile_overlayer_lowered;
	s6 =	simm.s32 $_tile_overlayer_lowered  }
0x9b: {  	s22 =	simm.s32 $0x1BFF;
	s21 =	sshll.u32 s6, $0x1;
	s3 =	sadd.s32 s4, s19  }
0x9c: {  	s7 =	simm.s32 $0x0;
	s20 =	sshll.u32 s5, $0x1;
	s5 =	sadd.s32 s21, s3  }
0x9d: {  	[timem:s7], [sflag:s22] =	dma.local [hbm:s5], s20  }
0x9e: {  	_ =	swait.ge [sflag:s22], s20  }
0x9f: {  	s4 =	ssub.s32 $0x0, s20;
	[sflag:s22] =	ssyncset.done $0x0  }
0xa0: {  	[sflag:s22] =	ssyncadd.s32 s4;
	_ =	sdelay $0x1  }
0xa1: {  	s23 =	simm.s32 $0x1B8B  }
0xa2: {  	_ =	swait.ge [sflag:s23], $0x1  }
0xa3: {  	[sflag:s23] =	ssyncset.done $0x0  }
0xa4: {  	s25 =	simm.s32 $0x1B8E;
	s24 =	sld [smem:$0x3FFE];
	[sflag:s23] =	ssyncadd.s32 $0xFFFFFFFF  }
0xa5: {  	s26 =	simm.s32 $execute0_lowered;
	[smem:$0x3FD2] =	sst s25  }
0xa6: {  	s5 =	sshll.u32 s26, $0x1;
	_ =	strace $0x80000046;
	[dreg:$0x1] =	wrdreg $0xFFFFFFFF  }
0xa7: {  	s28 =	simm.s32 $_size_execute0_lowered;
	s3 =	sadd.s32 s3, s5;
	[dreg:$0x0] =	wrdreg $0x0  }
0xa8: {  	s5 =	sshll.u32 s28, $0x1;
	[dreg:$0x2] =	wrdreg s3  }
0xa9: {  	[dreg:$0x3] =	wrdreg s5  }
0xaa: {  	[dreg:$0x4] =	wrdreg $0xC0  }
0xab: {  	_ =	task [dreg:s7], $0x5FFFF  }
0xac: {  	[dreg:$0x1] =	wrdreg $0xFFFFFFFF  }
0xad: {  	[dreg:$0x0] =	wrdreg $0x60  }
0xae: {  	[dreg:$0x2] =	wrdreg s24  }
0xaf: {  	[dreg:$0x3] =	wrdreg s2  }
0xb0: {  	[dreg:$0x4] =	wrdreg $0x42000  }
0xb1: {  	[dreg:$0x5] =	wrdreg $0x9  }
0xb2: {  	_ =	task.clear_ibuf [dreg:s7], $0x6FFFF;
	_ =	strace $0x90000046  }
0xb3: {  	s29 =	simm.s32 $0x9;
	_ =	strace $0x80000048  }
0xb4: {  	_ =	swait.ge [sflag:s29], $0x1  }
0xb5: {  	[sflag:s29] =	ssyncadd.s32 $0xFFFFFFFF  }
0xb6: {  	_ =	strace $0x90000048  }
0xb7: {  	_ =	sfence  }
0xb8: {  	s30 =	sld [smem:$0x0];
	_ =	sdelay $0x2  }
0xb9: {  	s31 =	sshll.u32 s1, $0xD;
	s1 =	sshrl.u32 s1, $0x2  }
0xba: {  	s3 =	sand.u32 $0x4000, s31;
	s1 =	sadd.s32 s1, s30  }
0xbb: {  	s0 =	sor.u32 s3, s0;
	s1 =	sshll.u32 s1, $0x11  }
0xbc: {  	s0 =	sor.u32 s1, s0  }
0xbd: {  	s0 =	sadd.s32 $0x8F2B, s0  }
0xbe: {  	[sflag:s0] =	ssyncadd.remote.s32 $0x1  }
0xbf: {  	_ =	sfence.sel $0xFFFF  }
0xc0: {  	[dreg:$0x0] =	wrdreg $0xFFFFFFFF;
	(pc) =	sbr.abs _section_cstart, $3  }
0xc1: {  	[dreg:$0x1] =	wrdreg $0xFFFFFFFF  }
0xc2: {  	_ =	task.clear_ibuf [dreg:s7], $0x2FFFF;
	_ =	strace $0x9FFFFFFF  }
0xc3: {  	(tm) =	ssettm $0x7FFFFFFF  }
tec
execute0_lowered:
.L_overlay_start_1:
0x0: {  	(tag) =	ssettag $0x1  }
0x1: {  	s6 =	rddreg [dreg:$0x0]  }
0x2: {  	s1 =	rddreg [dreg:$0x1];
	s0 =	srdreg.scid  }
0x3: {  	s3 =	rddreg [dreg:$0x2];
	s2 =	stileid.u32;
	s4 =	simm.s32 $0x0  }
0x4: {  	s18 =	simm.s32 $0x100;
	s19 =	simm.s32 $0x1;
	s20 =	simm.s32 $0x80  }
0x5: {  	s21 =	simm.s32 $0x2;
	s22 =	simm.s32 $0x180;
	s23 =	simm.s32 $0x0  }
0x6: {  	s7 =	sand.u32 $0x1, s0;
	s0 =	rddreg [dreg:$0x3];
	s10 =	smul.u32 $0x4F000, s2  }
0x7: {  	[smem:$0x7FF] =	sst s4;
	s31 =	sshll.u32 s2, $0x6;
	s17 =	smul.u32 $0xA00, s2  }
0x8: {  	s5 =	sshll.u32 s7, $0x4;
	s8 =	smul.u32 $0xA000, s7;
	s7 =	ssub.s32 $0x2, s7  }
0x9: {  	_ =	strace $0x80000047;
	s5 =	sor.u32 s2, s5;
	s30 =	sshrl.u32 s7, $0x1  }
0xa: {  	s10 =	sshrl.u32 s10, $0x2;
	s9 =	smul.u32 $0x2780, s5;
	s8 =	sadd.s32 s8, s6  }
0xb: {  	s5 =	sadd.s32 $0x16200, s6;
	s11 =	ssub.s32 s7, s30;
	s10 =	sadd.s32 s10, s3  }
0xc: {  	s12 =	sadd.s32 $0x4000, s10;
	s13 =	sadd.s32 $0x8000, s10;
	s14 =	sadd.s32 $0xC000, s10  }
0xd: {  	s15 =	sadd.s32 $0x10000, s10;
	s16 =	sadd.s32 $0x2200, s8;
	s8 =	smax.u32 s11, $0x1  }
0xe: {  	s9 =	sadd.s32 s9, s6;
	s6 =	sor.u32 $0x1C03, s31;
	s11 =	sshrl.u32 s12, $0x3  }
0xf: {  	s12 =	sshrl.u32 s13, $0x3;
	s13 =	sshrl.u32 s14, $0x3;
	s14 =	sadd.s32 s17, s16  }
0x10: {  	s15 =	sshrl.u32 s15, $0x3;
	s16 =	simm.s32 $0x200;
	s7 =	sadd.s32 $0x16A00, s9  }
0x11: {  	s9 =	sshrl.u32 s10, $0x3;
	s10 =	simm.s32 $0x3;
	s17 =	sadd.s32 $0x20, s14  }
.LBB2_1:
0x12: {  	[spmem:s9], [sflag:s6] =	dma.local [hbm:s5], $0x800  }
0x13: {  	_ =	swait.ge [sflag:s10], $0x800  }
0x14: {  	[sflag:s10] =	ssyncset.done $0x0  }
0x15: {  	[sflag:s10] =	ssyncadd.s32 $0xFFFFF800  }
0x16: {  	[spmem:s11], [sflag:s6] =	dma.local [hbm:s5], $0x800  }
0x17: {  	_ =	swait.ge [sflag:s10], $0x800  }
0x18: {  	[sflag:s10] =	ssyncset.done $0x0  }
0x19: {  	[sflag:s10] =	ssyncadd.s32 $0xFFFFF800  }
0x1a: {  	[spmem:s12], [sflag:s6] =	dma.local [hbm:s5], $0x800  }
0x1b: {  	_ =	swait.ge [sflag:s10], $0x800  }
0x1c: {  	[sflag:s10] =	ssyncset.done $0x0  }
0x1d: {  	[sflag:s10] =	ssyncadd.s32 $0xFFFFF800  }
0x1e: {  	[spmem:s13], [sflag:s6] =	dma.local [hbm:s5], $0x800  }
0x1f: {  	_ =	swait.ge [sflag:s10], $0x800  }
0x20: {  	[sflag:s10] =	ssyncset.done $0x0  }
0x21: {  	[sflag:s10] =	ssyncadd.s32 $0xFFFFF800  }
0x22: {  	[spmem:s15], [sflag:s6] =	dma.local [hbm:s5], $0x780  }
0x23: {  	_ =	swait.ge [sflag:s10], $0x780  }
0x24: {  	[sflag:s10] =	ssyncset.done $0x0  }
0x25: {  	[sflag:s10] =	ssyncadd.s32 $0xFFFFF880  }
0x26: {  	[tilespmem:s16], [sflag:$0x3] =	stream.linear.gather [hbm4b:s1+s4], $0x4000, $0x38;
	[tilespmem:$0x17E00] =	vst v63  }
0x27: {  	_ =	swait.ge [sflag:s10], $0x4000  }
0x28: {  	[sflag:s10] =	ssyncset.done $0x0  }
0x29: {  	[sflag:s10] =	ssyncadd.s32 $0xFFFFC000  }
0x2a: {  	[bflag:$0x0] =	sbarrier.arrive $0xFFFF  }
0x2b: {  	[tilespmem:s4], [sflag:$0x1] =	stream.linear.gather [hbm4b:s14+s4], $0x100, $0x38;
	[tilespmem:$0x17E00] =	vst v63  }
0x2c: {  	_ = 	snop  }
0x2d: {  	[tilespmem:s18], [sflag:$0x2] =	stream.linear.gather [hbm4b:s17+s4], $0x100, $0x38;
	[tilespmem:$0x17E00] =	vst v63  }
0x2e: {  	_ =	swait.ge [sflag:s19], $0x100  }
0x2f: {  	[sflag:s19] =	ssyncset.done $0x0  }
0x30: {  	[sflag:s19] =	ssyncadd.s32 $0xFFFFFF00  }
0x31: {  	[spmem:s3] =	stream.indirect.scatter.add.f32 [tilespmem:s16], [sflag:$0x3], $0x80, s20, s20, $0xb8;
	[tilespmem:$0x17E00] =	vst v63  }
0x32: {  	_ =	swait.ge [sflag:s10], $0x4000  }
0x33: {  	s25 =	sadd.s32 $0xFFFFF640, s14;
	[sflag:s10] =	ssyncset.done $0x0  }
0x34: {  	s24 =	sadd.s32 $0xA00, s25;
	[sflag:s10] =	ssyncadd.s32 $0xFFFFC000  }
0x35: {  	[tilespmem:s4], [sflag:$0x1] =	stream.linear.gather [hbm4b:s24+s4], $0x100, $0x38;
	[tilespmem:$0x17E00] =	vst v63  }
0x36: {  	_ =	swait.ge [sflag:s21], $0x100  }
0x37: {  	[sflag:s21] =	ssyncset.done $0x0  }
0x38: {  	[sflag:s21] =	ssyncadd.s32 $0xFFFFFF00  }
0x39: {  	[spmem:s3] =	stream.indirect.scatter.add.f32 [tilespmem:s16], [sflag:$0x3], $0x80, s22, s20, $0xb8;
	[tilespmem:$0x17E00] =	vst v63  }
0x3a: {  	_ =	swait.ge [sflag:s10], $0x4000  }
0x3b: {  	[sflag:s10] =	ssyncset.done $0x0  }
0x3c: {  	s25 =	sadd.s32 $0xA20, s25;
	s24 =	simm.s32 $0xFFFFF680;
	[sflag:s10] =	ssyncadd.s32 $0xFFFFC000  }
.LBB2_2:
0x3d: {  	[tilespmem:s18], [sflag:$0x2] =	stream.linear.gather [hbm4b:s25+s4], $0x100, $0x38;
	[tilespmem:$0x17E00] =	vst v63  }
0x3e: {  	s25 =	smov.u32 s24  }
0x3f: {  	p0 =	sne.s32 s24, $0xFFFFFFC0;
	s24 =	sadd.s32 $0x40, s24;
	_ =	swait.ge [sflag:s19], $0x100  }
0x40: {  	[sflag:s19] =	ssyncset.done $0x0  }
0x41: {  	[sflag:s19] =	ssyncadd.s32 $0xFFFFFF00  }
0x42: {  	[spmem:s3] =	stream.indirect.scatter.add.f32 [tilespmem:s16], [sflag:$0x3], $0x80, s20, s20, $0xb8;
	[tilespmem:$0x17E00] =	vst v63  }
0x43: {  	_ =	swait.ge [sflag:s10], $0x4000  }
0x44: {  	s25 =	sadd.s32 s25, s14;
	[sflag:s10] =	ssyncset.done $0x0  }
0x45: {  	s26 =	sadd.s32 $0xA00, s25;
	[sflag:s10] =	ssyncadd.s32 $0xFFFFC000  }
0x46: {  	[tilespmem:s4], [sflag:$0x1] =	stream.linear.gather [hbm4b:s26+s4], $0x100, $0x38;
	[tilespmem:$0x17E00] =	vst v63  }
0x47: {  	_ =	swait.ge [sflag:s21], $0x100  }
0x48: {  	[sflag:s21] =	ssyncset.done $0x0  }
.Ltmp0:
0x49: {  	[sflag:s21] =	ssyncadd.s32 $0xFFFFFF00;
	(pc) =	sbr.rel @p0 .LBB2_2-.Ltmp0, $4  }
0x4a: {  	[spmem:s3] =	stream.indirect.scatter.add.f32 [tilespmem:s16], [sflag:$0x3], $0x80, s22, s20, $0xb8;
	[tilespmem:$0x17E00] =	vst v63  }
0x4b: {  	_ =	swait.ge [sflag:s10], $0x4000  }
0x4c: {  	[sflag:s10] =	ssyncset.done $0x0  }
0x4d: {  	s25 =	sadd.s32 $0xA20, s25;
	[sflag:s10] =	ssyncadd.s32 $0xFFFFC000  }
0x4e: {  	[tilespmem:s18], [sflag:$0x2] =	stream.linear.gather [hbm4b:s25+s4], $0x100, $0x38;
	[tilespmem:$0x17E00] =	vst v63  }
0x4f: {  	_ =	swait.ge [sflag:s19], $0x100  }
0x50: {  	[sflag:s19] =	ssyncset.done $0x0  }
0x51: {  	[sflag:s19] =	ssyncadd.s32 $0xFFFFFF00  }
0x52: {  	[spmem:s3] =	stream.indirect.scatter.add.f32 [tilespmem:s16], [sflag:$0x3], $0x80, s20, s20, $0xb8;
	[tilespmem:$0x17E00] =	vst v63  }
0x53: {  	_ =	swait.ge [sflag:s10], $0x4000  }
0x54: {  	[sflag:s10] =	ssyncset.done $0x0  }
0x55: {  	[sflag:s10] =	ssyncadd.s32 $0xFFFFC000  }
0x56: {  	_ =	swait.ge [sflag:s21], $0x100  }
0x57: {  	[sflag:s21] =	ssyncset.done $0x0  }
0x58: {  	[sflag:s21] =	ssyncadd.s32 $0xFFFFFF00  }
0x59: {  	[spmem:s3] =	stream.indirect.scatter.add.f32 [tilespmem:s16], [sflag:$0x3], $0x80, s22, s20, $0xb8;
	[tilespmem:$0x17E00] =	vst v63  }
0x5a: {  	_ =	swait.ge [sflag:s10], $0x4000  }
0x5b: {  	s23 =	sadd.s32 $0x1, s23;
	[sflag:s10] =	ssyncset.done $0x0  }
0x5c: {  	p0 =	sne.s32 s23, s8;
	[sflag:s10] =	ssyncadd.s32 $0xFFFFC000  }
.Ltmp1:
0x5d: {  	[bflag:$0x0] =	sbarrier.arrive $0xFFFF;
	(pc) =	sbr.rel @p0 .LBB2_1-.Ltmp1, $4  }
0x5e: {  	[hbm:s7], [sflag:s6] =	dma.local [spmem:s9], $0x2780  }
0x5f: {  	_ =	swait.ge [sflag:s10], $0x2780  }
0x60: {  	[sflag:s10] =	ssyncset.done $0x0  }
0x61: {  	[sflag:s10] =	ssyncadd.s32 $0xFFFFD880  }
0x62: {  	_ =	sfence.sel $0x180000  }
0x63: {  	[bflag:$0x0] =	sbarrier.arrive $0xFFFF  }
0x64: {  	p0 =	sne.s32 s2, $0x0;
	_ =	strace $0x90000047  }
0x65: {  	s0 =	sadd.s32 @!p0 $0x100000, s0;
	[bflag:$0x2] =	sbarrier.arrive $0xFFFF  }
0x66: {  	[sflag:s0] =	ssyncadd.tile.s32 @!p0 $0x1;
	_ =	shalt  }
.Lfunc_end2:
_tile_overlayer_lowered:
.L_overlay_start_2:
0x67: {  	(tag) =	ssettag $0x2  }
0x68: {  	s0 =	rddreg [dreg:$0x0];
	s2 =	stileid.u32  }
0x69: {  	s1 =	rddreg [dreg:$0x1];
	p0 =	sne.s32 s2, $0x0  }
0x6a: {  	s3 =	rddreg [dreg:$0x2];
	[bflag:$0x3] =	sbarrier.arrive $0xFFFF;
	s2 =	simm.s32 @!p0 $0x1C03  }
0x6b: {  	[timem:s3], [sflag:s2] =	dma.local @!p0 [hbm:s0], s1  }
0x6c: {  	s0 =	simm.s32 @!p0 $0x3  }
0x6d: {  	_ =	swait.ge @!p0 [sflag:s0], s1  }
0x6e: {  	s1 =	ssub.s32 @!p0 $0x0, s1;
	[sflag:s0] =	ssyncset.done @!p0 $0x0  }
0x6f: {  	[sflag:s0] =	ssyncadd.s32 @!p0 s1  }
0x70: {  	[bflag:$0x3] =	sbarrier.arrive $0xFFFF  }
0x71: {  	_ =	shalt  }

</sc_bundles>
